<compile_context>
chip_gen: v7x
topology: tpu7x:2x2x1
jax: 0.10.2.dev20260603
libtpu: 0.0.44.dev20260713+nightly
codegen_flags: <defaults>
</compile_context>

<pallas_src>
import dataclasses
import functools

import jax
import jax.numpy as jnp
from jax import lax
from jax.experimental import pallas as pl
from jax.experimental.pallas import tpu as pltpu
from jax.experimental.pallas import tpu_sc as plsc

_N = 100000
_E = 3200000
_F = 16
_H = 20
_B = 128
_TILES = 32
_CPT = 784
_K = 112
_ROUNDS = _CPT // _K
_R = _TILES * _CPT
_EP = _R * _B
_PH = 4
_NP = 100352
_NH = _NP // _PH
_NPS = _NH // 16

_BR = 2000


def _make_sc_aggregate():
  mesh = plsc.VectorSubcoreMesh(
      core_axis_name="c", subcore_axis_name="s", num_cores=2, num_subcores=16)
  cp = pltpu.CompilerParams()
  if "needs_layout_passes" in pltpu.CompilerParams.__dataclass_fields__:
    cp = dataclasses.replace(cp, needs_layout_passes=False)
  if "use_tc_tiling_on_sc" in pltpu.CompilerParams.__dataclass_fields__:
    cp = dataclasses.replace(cp, use_tc_tiling_on_sc=False)

  @functools.partial(
      pl.kernel,
      out_type=jax.ShapeDtypeStruct((2, _NP, _F), jnp.float32),
      mesh=mesh,
      compiler_params=cp,
      scratch_types=[
          pltpu.VMEM((_K, _B), jnp.int32),
          pltpu.VMEM((_K, _B), jnp.int32),
          pltpu.VMEM((_K, _B), jnp.float32),
          pltpu.VMEM((_B, _F), jnp.float32),
          pltpu.VMEM((_B, _F), jnp.float32),
          pltpu.VMEM((_B, _F), jnp.float32),
          pltpu.VMEM((_B, _F), jnp.float32),
          pltpu.VMEM((_NPS, _F), jnp.float32),
          pltpu.VMEM_SHARED((_NH, _F), jnp.float32),
          pltpu.SemaphoreType.DMA,
          pltpu.SemaphoreType.DMA,
          pltpu.SemaphoreType.DMA,
          pltpu.SemaphoreType.DMA,
          pltpu.SemaphoreType.DMA,
          pltpu.SemaphoreType.DMA,
          pltpu.SemaphoreType.DMA,
          pltpu.SemaphoreType.DMA,
          pltpu.SemaphoreType.DMA,
      ],
  )
  def body(g_hbm, src_hbm, dst_hbm, w_hbm, out_hbm,
           srcs, dsts, ws, r0, r1, r2, r3, zbuf, aggsh,
           stsem, g0s, g1s, g2s, g3s, s0s, s1s, s2s, s3s):
    cid = lax.axis_index("c")
    sid = lax.axis_index("s")
    wid = cid * 16 + sid
    lane_full = [jnp.full((16,), t, jnp.int32) for t in range(16)]
    rowbuf = (r0, r1, r2, r3)
    gsem = (g0s, g1s, g2s, g3s)
    ssem = (s0s, s1s, s2s, s3s)

    @pl.loop(0, _NPS, unroll=8)
    def _(i):
      zbuf[i] = jnp.zeros((_F,), jnp.float32)
    nbase = sid * _NPS
    row0 = wid * _CPT

    def issue_gather(t, c):
      return pltpu.async_copy(
          g_hbm.at[plsc.Indices(srcs.at[c], ignored_value=-1)],
          rowbuf[t], gsem[t])

    def wait_gather(t, c):
      pltpu.make_async_copy(
          g_hbm.at[plsc.Indices(srcs.at[c], ignored_value=-1)],
          rowbuf[t], gsem[t]).wait()

    def issue_scatter(t, c):
      return pltpu.async_copy(
          rowbuf[t],
          aggsh.at[plsc.Indices(dsts.at[c], ignored_value=-1)],
          ssem[t], add=True)

    def wait_scatter(t, c):
      pltpu.make_async_copy(
          rowbuf[t],
          aggsh.at[plsc.Indices(dsts.at[c], ignored_value=-1)],
          ssem[t]).wait()

    @pl.loop(0, _PH)
    def _(ph):
      pltpu.sync_copy(zbuf, aggsh.at[pl.ds(nbase, _NPS)])
      plsc.subcore_barrier()

      @pl.loop(0, _ROUNDS)
      def _(r):
        rbase = row0 + r * _K
        d1 = pltpu.async_copy(src_hbm.at[ph, pl.ds(rbase, _K)], srcs, stsem)
        d2 = pltpu.async_copy(dst_hbm.at[ph, pl.ds(rbase, _K)], dsts, stsem)
        d3 = pltpu.async_copy(w_hbm.at[pl.ds(rbase, _K)], ws, stsem)
        d1.wait()
        d2.wait()
        d3.wait()
        for t in range(4):
          issue_gather(t, t)

        @pl.loop(0, _K // 4)
        def _(q):
          c0 = q * 4
          for t in range(4):
            c = c0 + t
            wait_gather(t, c)
            rt = rowbuf[t]

            cvec = jnp.full((16,), c, jnp.int32)

            @pl.loop(0, _B // 16)
            def _(gq):
              i0 = gq * 16
              i0vec = jnp.full((16,), i0, jnp.int32)
              for t16 in range(16):
                s = plsc.load_gather(ws, [cvec, i0vec + lane_full[t16]])
                rt[i0 + t16, :] = rt[i0 + t16, :] * s

            issue_scatter(t, c)
          for t in range(4):
            wait_scatter(t, c0 + t)

            @pl.when(c0 + 4 + t < _K)
            def _():
              issue_gather(t, c0 + 4 + t)

      plsc.subcore_barrier()
      pltpu.sync_copy(aggsh.at[pl.ds(nbase, _NPS)],
                      out_hbm.at[cid, pl.ds(ph * _NH + nbase, _NPS)])
      plsc.subcore_barrier()

  return body


_sc_aggregate = _make_sc_aggregate()


def _dot_t(a, w):
  return lax.dot_general(a, w, (((1,), (1,)), ((), ())),
                         preferred_element_type=jnp.float32)


def _tc_step(agg, h, p, b, wn, wrn):
  def tc_body(agg_ref, h_ref, p_ref, b_ref, wn_ref, wrn_ref, ho_ref, go_ref):
    a = agg_ref[0] + agg_ref[1]
    z = _dot_t(a, p_ref[...]) + b_ref[...] + _dot_t(h_ref[...], wn_ref[...])
    hn = jnp.maximum(z, 0.0)
    ho_ref[...] = hn
    go_ref[...] = _dot_t(hn, wrn_ref[...])

  return pl.pallas_call(
      tc_body,
      grid=(_N // _BR,),
      in_specs=[
          pl.BlockSpec((2, _BR, _F), lambda i: (0, i, 0)),
          pl.BlockSpec((_BR, _H), lambda i: (i, 0)),
          pl.BlockSpec((_H, _F), lambda i: (0, 0)),
          pl.BlockSpec((1, _H), lambda i: (0, 0)),
          pl.BlockSpec((_H, _H), lambda i: (0, 0)),
          pl.BlockSpec((_F, _H), lambda i: (0, 0)),
      ],
      out_specs=[
          pl.BlockSpec((_BR, _H), lambda i: (i, 0)),
          pl.BlockSpec((_BR, _F), lambda i: (i, 0)),
      ],
      out_shape=[
          jax.ShapeDtypeStruct((_N, _H), jnp.float32),
          jax.ShapeDtypeStruct((_N, _F), jnp.float32),
      ],
  )(agg, h, p, b, wn, wrn)


def _tc_softmax(h):
  def tc_body(h_ref, o_ref):
    z = h_ref[...][:, :2]
    m = jnp.max(z, axis=1, keepdims=True)
    e = jnp.exp(z - m)
    o_ref[...] = e / jnp.sum(e, axis=1, keepdims=True)

  return pl.pallas_call(
      tc_body,
      grid=(_N // _BR,),
      in_specs=[pl.BlockSpec((_BR, _H), lambda i: (i, 0))],
      out_specs=pl.BlockSpec((_BR, 2), lambda i: (i, 0)),
      out_shape=jax.ShapeDtypeStruct((_N, 2), jnp.float32),
  )(h)


def _pad2(w, rows, cols):
  out = jnp.zeros((rows, cols), jnp.float32)
  return out.at[:w.shape[0], :w.shape[1]].set(w)


def kernel(x, edge_index, edge_weight,
           W_rel0, b_rel0, W_root0,
           W_rel1, b_rel1, W_root1,
           W_rel2, b_rel2, W_root2,
           W_rel3, b_rel3, W_root3,
           W_rel4, b_rel4, W_root4):
  pad = _EP - _E
  srcp = jnp.concatenate([edge_index[0], jnp.zeros((pad,), jnp.int32)])
  dstp = jnp.concatenate([edge_index[1], jnp.zeros((pad,), jnp.int32)])
  wp = jnp.concatenate([edge_weight, jnp.zeros((pad,), jnp.float32)])
  neg1 = jnp.int32(-1)
  srcs_ph, dsts_ph = [], []
  for ph in range(_PH):
    live = (dstp >= ph * _NH) & (dstp < (ph + 1) * _NH)
    srcs_ph.append(jnp.where(live, srcp, neg1))
    dsts_ph.append(jnp.where(live, dstp - ph * _NH, neg1))
  src_st = jnp.stack(srcs_ph).reshape(_PH, _R, _B)
  dst_st = jnp.stack(dsts_ph).reshape(_PH, _R, _B)
  w2 = wp.reshape(_R, _B)

  eye = jnp.zeros((_H, _F), jnp.float32).at[:_F, :_F].set(jnp.eye(_F))
  p_all = jnp.stack([_pad2(W_rel0, _H, _F), eye, eye, eye, eye])
  wn_all = jnp.stack([_pad2(w, _H, _H)
                      for w in (W_root0, W_root1, W_root2, W_root3, W_root4)])
  b_all = jnp.stack([_pad2(b.reshape(1, -1), 1, _H)
                     for b in (b_rel0, b_rel1, b_rel2, b_rel3, b_rel4)])
  wrn_all = jnp.stack([_pad2(w, _F, _H)
                       for w in (W_rel1, W_rel2, W_rel3, W_rel4,
                                 jnp.zeros((2, 5), jnp.float32))])

  h0 = _pad2(x, _N, _H)
  g0 = _pad2(x, _N, _F)

  def layer(carry, params):
    h, g = carry
    p, b, wn, wrn = params
    agg = _sc_aggregate(g, src_st, dst_st, w2)
    hn, gn = _tc_step(agg, h, p, b, wn, wrn)
    return (hn, gn), None

  (h5, _), _ = lax.scan(layer, (h0, g0), (p_all, b_all, wn_all, wrn_all))
  return _tc_softmax(h5)

# --- scband reference (transcript-rebuilt; emitter-appended) ---
"""Pipeline reference for scband-climb-generator-592705487394 (READ-ONLY COPY).

The authoritative reference and input builder live on the scoring server;
editing this copy changes nothing except your own understanding.
"""

import jax, jax.numpy as jnp
import numpy as np

N = 100000
E = 3200000
DIMS = [6, 20, 15, 10, 5, 2]


def setup_inputs(seed: int = 0):
    key = jax.random.key(seed)
    inp = {}
    inp["x"] = jax.random.normal(jax.random.fold_in(key, 0), (N, DIMS[0]), dtype=jnp.float32)
    inp["edge_index"] = jax.random.randint(jax.random.fold_in(key, 1), (2, E), 0, N, dtype=jnp.int32)
    inp["edge_weight"] = jax.random.uniform(jax.random.fold_in(key, 2), (E,), dtype=jnp.float32)
    for i in range(5):
        fi, fo = DIMS[i], DIMS[i + 1]
        b = 1.0 / np.sqrt(fi)
        inp[f"W_rel{i}"] = jax.random.uniform(jax.random.fold_in(key, 10 + 3 * i), (fo, fi), minval=-b, maxval=b, dtype=jnp.float32)
        inp[f"b_rel{i}"] = jax.random.uniform(jax.random.fold_in(key, 11 + 3 * i), (fo,), minval=-b, maxval=b, dtype=jnp.float32)
        inp[f"W_root{i}"] = jax.random.uniform(jax.random.fold_in(key, 12 + 3 * i), (fo, fi), minval=-b, maxval=b, dtype=jnp.float32)
    return inp


def _graph_conv(x, edge_index, edge_weight, W_rel, b_rel, W_root):
    # PyG GraphConv: x_i' = W_root x_i + W_rel * sum_{j in N(i)} e_ji * x_j
    src = edge_index[0]
    dst = edge_index[1]
    msg = x[src] * edge_weight[:, None]            # gather (SparseCore)
    agg = jax.ops.segment_sum(msg, dst, num_segments=N)  # scatter-add
    return agg @ W_rel.T + b_rel + x @ W_root.T


def reference(x, edge_index, edge_weight,
              W_rel0, b_rel0, W_root0,
              W_rel1, b_rel1, W_root1,
              W_rel2, b_rel2, W_root2,
              W_rel3, b_rel3, W_root3,
              W_rel4, b_rel4, W_root4):
    params = [(W_rel0, b_rel0, W_root0), (W_rel1, b_rel1, W_root1),
              (W_rel2, b_rel2, W_root2), (W_rel3, b_rel3, W_root3),
              (W_rel4, b_rel4, W_root4)]
    h = x
    for (Wr, br, Wn) in params:
        h = _graph_conv(h, edge_index, edge_weight, Wr, br, Wn)
        h = jax.nn.relu(h)
    h = jax.nn.softmax(h, axis=1)
    return h

if __name__ == "__main__":
    import jax
    _d = setup_inputs()
    print(jax.jit(kernel)(*tuple(_d.values())))

</pallas_src>

<mosaic_0001>
#map = affine_map<(d0, d1) -> (0, 0)>
#map1 = affine_map<(d0, d1) -> (0, 0, 0)>
module attributes {stable_mosaic.version = 14 : i64} {
  func.func @body(%arg0: i32, %arg1: i32, %arg2: memref<100000x16xf32, #tpu.memory_space<hbm>>, %arg3: memref<4x25088x128xi32, #tpu.memory_space<hbm>>, %arg4: memref<4x25088x128xi32, #tpu.memory_space<hbm>>, %arg5: memref<25088x128xf32, #tpu.memory_space<hbm>>, %arg6: memref<2x100352x16xf32, #tpu.memory_space<hbm>>, %arg7: memref<112x128xi32, #tpu.memory_space<vmem>>, %arg8: memref<112x128xi32, #tpu.memory_space<vmem>>, %arg9: memref<112x128xf32, #tpu.memory_space<vmem>>, %arg10: memref<128x16xf32, #tpu.memory_space<vmem>>, %arg11: memref<128x16xf32, #tpu.memory_space<vmem>>, %arg12: memref<128x16xf32, #tpu.memory_space<vmem>>, %arg13: memref<128x16xf32, #tpu.memory_space<vmem>>, %arg14: memref<1568x16xf32, #tpu.memory_space<vmem>>, %arg15: memref<25088x16xf32, #tpu.memory_space<vmem_shared>>, %arg16: memref<!tpu.dma_semaphore, #tpu.memory_space<semaphore_mem>>, %arg17: memref<!tpu.dma_semaphore, #tpu.memory_space<semaphore_mem>>, %arg18: memref<!tpu.dma_semaphore, #tpu.memory_space<semaphore_mem>>, %arg19: memref<!tpu.dma_semaphore, #tpu.memory_space<semaphore_mem>>, %arg20: memref<!tpu.dma_semaphore, #tpu.memory_space<semaphore_mem>>, %arg21: memref<!tpu.dma_semaphore, #tpu.memory_space<semaphore_mem>>, %arg22: memref<!tpu.dma_semaphore, #tpu.memory_space<semaphore_mem>>, %arg23: memref<!tpu.dma_semaphore, #tpu.memory_space<semaphore_mem>>, %arg24: memref<!tpu.dma_semaphore, #tpu.memory_space<semaphore_mem>>) attributes {dimension_semantics = [#tpu.dimension_semantics<core_parallel>, #tpu.dimension_semantics<subcore_parallel>], iteration_bounds = array<i64: 2, 16>, scalar_prefetch = 0 : i64, scratch_operands = 18 : i64, tpu.core_type = #tpu.core_type<sc_vector_subcore>, window_params = [{transform_indices = #map}, {transform_indices = #map1}, {transform_indices = #map1}, {transform_indices = #map}, {transform_indices = #map1}]} {
    %mul3A = arith.constant 16 : i32
    %mul3A_0 = arith.muli %arg0, %mul3A : i32
    %add3A = arith.addi %mul3A_0, %arg1 : i32
    %broadcast_in_dim3A = arith.constant 0 : i32
    %broadcast_in_dim3A_1 = vector.broadcast %broadcast_in_dim3A : i32 to vector<16xi32>
    %broadcast_in_dim3A_2 = arith.constant 1 : i32
    %broadcast_in_dim3A_3 = vector.broadcast %broadcast_in_dim3A_2 : i32 to vector<16xi32>
    %broadcast_in_dim3A_4 = arith.constant 2 : i32
    %broadcast_in_dim3A_5 = vector.broadcast %broadcast_in_dim3A_4 : i32 to vector<16xi32>
    %broadcast_in_dim3A_6 = arith.constant 3 : i32
    %broadcast_in_dim3A_7 = vector.broadcast %broadcast_in_dim3A_6 : i32 to vector<16xi32>
    %broadcast_in_dim3A_8 = arith.constant 4 : i32
    %broadcast_in_dim3A_9 = vector.broadcast %broadcast_in_dim3A_8 : i32 to vector<16xi32>
    %broadcast_in_dim3A_10 = arith.constant 5 : i32
    %broadcast_in_dim3A_11 = vector.broadcast %broadcast_in_dim3A_10 : i32 to vector<16xi32>
    %broadcast_in_dim3A_12 = arith.constant 6 : i32
    %broadcast_in_dim3A_13 = vector.broadcast %broadcast_in_dim3A_12 : i32 to vector<16xi32>
    %broadcast_in_dim3A_14 = arith.constant 7 : i32
    %broadcast_in_dim3A_15 = vector.broadcast %broadcast_in_dim3A_14 : i32 to vector<16xi32>
    %broadcast_in_dim3A_16 = arith.constant 8 : i32
    %broadcast_in_dim3A_17 = vector.broadcast %broadcast_in_dim3A_16 : i32 to vector<16xi32>
    %broadcast_in_dim3A_18 = arith.constant 9 : i32
    %broadcast_in_dim3A_19 = vector.broadcast %broadcast_in_dim3A_18 : i32 to vector<16xi32>
    %broadcast_in_dim3A_20 = arith.constant 10 : i32
    %broadcast_in_dim3A_21 = vector.broadcast %broadcast_in_dim3A_20 : i32 to vector<16xi32>
    %broadcast_in_dim3A_22 = arith.constant 11 : i32
    %broadcast_in_dim3A_23 = vector.broadcast %broadcast_in_dim3A_22 : i32 to vector<16xi32>
    %broadcast_in_dim3A_24 = arith.constant 12 : i32
    %broadcast_in_dim3A_25 = vector.broadcast %broadcast_in_dim3A_24 : i32 to vector<16xi32>
    %broadcast_in_dim3A_26 = arith.constant 13 : i32
    %broadcast_in_dim3A_27 = vector.broadcast %broadcast_in_dim3A_26 : i32 to vector<16xi32>
    %broadcast_in_dim3A_28 = arith.constant 14 : i32
    %broadcast_in_dim3A_29 = vector.broadcast %broadcast_in_dim3A_28 : i32 to vector<16xi32>
    %broadcast_in_dim3A_30 = arith.constant 15 : i32
    %broadcast_in_dim3A_31 = vector.broadcast %broadcast_in_dim3A_30 : i32 to vector<16xi32>
    %scan3A = arith.constant 0 : i32
    %scan3A_32 = arith.constant 1568 : i32
    %scan3A_33 = arith.addi %scan3A, %scan3A_32 : i32
    %scan3A_34 = arith.constant 8 : i32
    scf.for %scan3A_45 = %scan3A to %scan3A_33 step %scan3A_34  : i32 {
      %mul3A_46 = arith.constant 1 : i32
      %mul3A_47 = arith.muli %scan3A_45, %mul3A_46 : i32
      %add3A_48 = arith.constant 0 : i32
      %add3A_49 = arith.addi %add3A_48, %mul3A_47 : i32
      %broadcast_in_dim3A_50 = arith.constant 0.000000e+00 : f32
      %broadcast_in_dim3A_51 = vector.broadcast %broadcast_in_dim3A_50 : f32 to vector<16xf32>
      %swap3A = arith.index_cast %add3A_49 : i32 to index
      %swap3A_52 = arith.constant 0 : index
      %swap3A_53 = tpu.vector_load %arg14[%swap3A, %swap3A_52] {strides = array<i32>} : memref<1568x16xf32, #tpu.memory_space<vmem>>, vector<16xf32>,
      tpu.vector_store %arg14[%swap3A, %swap3A_52], %broadcast_in_dim3A_51 {strides = array<i32>} : memref<1568x16xf32, #tpu.memory_space<vmem>>, vector<16xf32>,
      %scan3A_54 = arith.constant 1 : i32
      %scan3A_55 = arith.addi %scan3A_45, %scan3A_54 : i32
      %mul3A_56 = arith.constant 1 : i32
      %mul3A_57 = arith.muli %scan3A_55, %mul3A_56 : i32
      %add3A_58 = arith.constant 0 : i32
      %add3A_59 = arith.addi %add3A_58, %mul3A_57 : i32
      %broadcast_in_dim3A_60 = arith.constant 0.000000e+00 : f32
      %broadcast_in_dim3A_61 = vector.broadcast %broadcast_in_dim3A_60 : f32 to vector<16xf32>
      %swap3A_62 = arith.index_cast %add3A_59 : i32 to index
      %swap3A_63 = arith.constant 0 : index
      %swap3A_64 = tpu.vector_load %arg14[%swap3A_62, %swap3A_63] {strides = array<i32>} : memref<1568x16xf32, #tpu.memory_space<vmem>>, vector<16xf32>,
      tpu.vector_store %arg14[%swap3A_62, %swap3A_63], %broadcast_in_dim3A_61 {strides = array<i32>} : memref<1568x16xf32, #tpu.memory_space<vmem>>, vector<16xf32>,
      %scan3A_65 = arith.constant 2 : i32
      %scan3A_66 = arith.addi %scan3A_45, %scan3A_65 : i32
      %mul3A_67 = arith.constant 1 : i32
      %mul3A_68 = arith.muli %scan3A_66, %mul3A_67 : i32
      %add3A_69 = arith.constant 0 : i32
      %add3A_70 = arith.addi %add3A_69, %mul3A_68 : i32
      %broadcast_in_dim3A_71 = arith.constant 0.000000e+00 : f32
      %broadcast_in_dim3A_72 = vector.broadcast %broadcast_in_dim3A_71 : f32 to vector<16xf32>
      %swap3A_73 = arith.index_cast %add3A_70 : i32 to index
      %swap3A_74 = arith.constant 0 : index
      %swap3A_75 = tpu.vector_load %arg14[%swap3A_73, %swap3A_74] {strides = array<i32>} : memref<1568x16xf32, #tpu.memory_space<vmem>>, vector<16xf32>,
      tpu.vector_store %arg14[%swap3A_73, %swap3A_74], %broadcast_in_dim3A_72 {strides = array<i32>} : memref<1568x16xf32, #tpu.memory_space<vmem>>, vector<16xf32>,
      %scan3A_76 = arith.constant 3 : i32
      %scan3A_77 = arith.addi %scan3A_45, %scan3A_76 : i32
      %mul3A_78 = arith.constant 1 : i32
      %mul3A_79 = arith.muli %scan3A_77, %mul3A_78 : i32
      %add3A_80 = arith.constant 0 : i32
      %add3A_81 = arith.addi %add3A_80, %mul3A_79 : i32
      %broadcast_in_dim3A_82 = arith.constant 0.000000e+00 : f32
      %broadcast_in_dim3A_83 = vector.broadcast %broadcast_in_dim3A_82 : f32 to vector<16xf32>
      %swap3A_84 = arith.index_cast %add3A_81 : i32 to index
      %swap3A_85 = arith.constant 0 : index
      %swap3A_86 = tpu.vector_load %arg14[%swap3A_84, %swap3A_85] {strides = array<i32>} : memref<1568x16xf32, #tpu.memory_space<vmem>>, vector<16xf32>,
      tpu.vector_store %arg14[%swap3A_84, %swap3A_85], %broadcast_in_dim3A_83 {strides = array<i32>} : memref<1568x16xf32, #tpu.memory_space<vmem>>, vector<16xf32>,
      %scan3A_87 = arith.constant 4 : i32
      %scan3A_88 = arith.addi %scan3A_45, %scan3A_87 : i32
      %mul3A_89 = arith.constant 1 : i32
      %mul3A_90 = arith.muli %scan3A_88, %mul3A_89 : i32
      %add3A_91 = arith.constant 0 : i32
      %add3A_92 = arith.addi %add3A_91, %mul3A_90 : i32
      %broadcast_in_dim3A_93 = arith.constant 0.000000e+00 : f32
      %broadcast_in_dim3A_94 = vector.broadcast %broadcast_in_dim3A_93 : f32 to vector<16xf32>
      %swap3A_95 = arith.index_cast %add3A_92 : i32 to index
      %swap3A_96 = arith.constant 0 : index
      %swap3A_97 = tpu.vector_load %arg14[%swap3A_95, %swap3A_96] {strides = array<i32>} : memref<1568x16xf32, #tpu.memory_space<vmem>>, vector<16xf32>,
      tpu.vector_store %arg14[%swap3A_95, %swap3A_96], %broadcast_in_dim3A_94 {strides = array<i32>} : memref<1568x16xf32, #tpu.memory_space<vmem>>, vector<16xf32>,
      %scan3A_98 = arith.constant 5 : i32
      %scan3A_99 = arith.addi %scan3A_45, %scan3A_98 : i32
      %mul3A_100 = arith.constant 1 : i32
      %mul3A_101 = arith.muli %scan3A_99, %mul3A_100 : i32
      %add3A_102 = arith.constant 0 : i32
      %add3A_103 = arith.addi %add3A_102, %mul3A_101 : i32
      %broadcast_in_dim3A_104 = arith.constant 0.000000e+00 : f32
      %broadcast_in_dim3A_105 = vector.broadcast %broadcast_in_dim3A_104 : f32 to vector<16xf32>
      %swap3A_106 = arith.index_cast %add3A_103 : i32 to index
      %swap3A_107 = arith.constant 0 : index
      %swap3A_108 = tpu.vector_load %arg14[%swap3A_106, %swap3A_107] {strides = array<i32>} : memref<1568x16xf32, #tpu.memory_space<vmem>>, vector<16xf32>,
      tpu.vector_store %arg14[%swap3A_106, %swap3A_107], %broadcast_in_dim3A_105 {strides = array<i32>} : memref<1568x16xf32, #tpu.memory_space<vmem>>, vector<16xf32>,
      %scan3A_109 = arith.constant 6 : i32
      %scan3A_110 = arith.addi %scan3A_45, %scan3A_109 : i32
      %mul3A_111 = arith.constant 1 : i32
      %mul3A_112 = arith.muli %scan3A_110, %mul3A_111 : i32
      %add3A_113 = arith.constant 0 : i32
      %add3A_114 = arith.addi %add3A_113, %mul3A_112 : i32
      %broadcast_in_dim3A_115 = arith.constant 0.000000e+00 : f32
      %broadcast_in_dim3A_116 = vector.broadcast %broadcast_in_dim3A_115 : f32 to vector<16xf32>
      %swap3A_117 = arith.index_cast %add3A_114 : i32 to index
      %swap3A_118 = arith.constant 0 : index
      %swap3A_119 = tpu.vector_load %arg14[%swap3A_117, %swap3A_118] {strides = array<i32>} : memref<1568x16xf32, #tpu.memory_space<vmem>>, vector<16xf32>,
      tpu.vector_store %arg14[%swap3A_117, %swap3A_118], %broadcast_in_dim3A_116 {strides = array<i32>} : memref<1568x16xf32, #tpu.memory_space<vmem>>, vector<16xf32>,
      %scan3A_120 = arith.constant 7 : i32
      %scan3A_121 = arith.addi %scan3A_45, %scan3A_120 : i32
      %mul3A_122 = arith.constant 1 : i32
      %mul3A_123 = arith.muli %scan3A_121, %mul3A_122 : i32
      %add3A_124 = arith.constant 0 : i32
      %add3A_125 = arith.addi %add3A_124, %mul3A_123 : i32
      %broadcast_in_dim3A_126 = arith.constant 0.000000e+00 : f32
      %broadcast_in_dim3A_127 = vector.broadcast %broadcast_in_dim3A_126 : f32 to vector<16xf32>
      %swap3A_128 = arith.index_cast %add3A_125 : i32 to index
      %swap3A_129 = arith.constant 0 : index
      %swap3A_130 = tpu.vector_load %arg14[%swap3A_128, %swap3A_129] {strides = array<i32>} : memref<1568x16xf32, #tpu.memory_space<vmem>>, vector<16xf32>,
      tpu.vector_store %arg14[%swap3A_128, %swap3A_129], %broadcast_in_dim3A_127 {strides = array<i32>} : memref<1568x16xf32, #tpu.memory_space<vmem>>, vector<16xf32>,
    }
    %scan3A_35 = arith.constant 1568 : i32
    %mul3A_36 = arith.constant 1568 : i32
    %mul3A_37 = arith.muli %arg1, %mul3A_36 : i32
    %mul3A_38 = arith.constant 784 : i32
    %mul3A_39 = arith.muli %add3A, %mul3A_38 : i32
    %scan3A_40 = arith.constant 0 : i32
    %scan3A_41 = arith.constant 4 : i32
    %scan3A_42 = arith.addi %scan3A_40, %scan3A_41 : i32
    %scan3A_43 = arith.constant 1 : i32
    scf.for %scan3A_45 = %scan3A_40 to %scan3A_42 step %scan3A_43  : i32 {
      %mul3A_46 = arith.constant 1 : i32
      %mul3A_47 = arith.muli %scan3A_45, %mul3A_46 : i32
      %add3A_48 = arith.constant 0 : i32
      %add3A_49 = arith.addi %add3A_48, %mul3A_47 : i32
      "tpu.region"() ({
        %run_scoped3A = tpu.sem_alloc : memref<!tpu.dma_semaphore, #tpu.memory_space<semaphore_mem>>
        %dma_start3A = arith.constant 0 : i32
        %dma_start3A_60 = tpu.memref_slice %arg15[%mul3A_37, %dma_start3A] : memref<25088x16xf32, #tpu.memory_space<vmem_shared>> -> memref<1568x16xf32, #tpu.memory_space<vmem_shared>>
        %dma_start3A_61 = arith.constant 0 : i32
        %dma_start3A_62 = tpu.memref_slice %arg15[%mul3A_37, %dma_start3A_61] : memref<25088x16xf32, #tpu.memory_space<vmem_shared>> -> memref<1568x16xf32, #tpu.memory_space<vmem_shared>>
        tpu.enqueue_dma source(%arg14 : memref<1568x16xf32, #tpu.memory_space<vmem>>) target(%dma_start3A_62 : memref<1568x16xf32, #tpu.memory_space<vmem_shared>>) target_semaphore(%run_scoped3A : memref<!tpu.dma_semaphore, #tpu.memory_space<semaphore_mem>>)
        %dma_wait3A = arith.constant 0 : i32
        %dma_wait3A_63 = tpu.memref_slice %arg15[%mul3A_37, %dma_wait3A] : memref<25088x16xf32, #tpu.memory_space<vmem_shared>> -> memref<1568x16xf32, #tpu.memory_space<vmem_shared>>
        %dma_wait3A_64 = arith.constant 0 : i32
        %dma_wait3A_65 = tpu.memref_slice %arg15[%mul3A_37, %dma_wait3A_64] : memref<25088x16xf32, #tpu.memory_space<vmem_shared>> -> memref<1568x16xf32, #tpu.memory_space<vmem_shared>>
        tpu.wait_dma2 semaphore(%run_scoped3A : memref<!tpu.dma_semaphore, #tpu.memory_space<semaphore_mem>>) src(%arg14 : memref<1568x16xf32, #tpu.memory_space<vmem>>) dst(%dma_wait3A_65 : memref<1568x16xf32, #tpu.memory_space<vmem_shared>>)
        tpu.yield
      }) : () -> ()
      %barrier3A = arith.constant 0 : index
      tpu.barrier barrier_id(%barrier3A)
      %scan3A_50 = arith.constant 0 : i32
      %scan3A_51 = arith.constant 7 : i32
      %scan3A_52 = arith.addi %scan3A_50, %scan3A_51 : i32
      %scan3A_53 = arith.constant 1 : i32
      scf.for %scan3A_60 = %scan3A_50 to %scan3A_52 step %scan3A_53  : i32 {
        %mul3A_61 = arith.constant 1 : i32
        %mul3A_62 = arith.muli %scan3A_60, %mul3A_61 : i32
        %add3A_63 = arith.constant 0 : i32
        %add3A_64 = arith.addi %add3A_63, %mul3A_62 : i32
        %mul3A_65 = arith.constant 112 : i32
        %mul3A_66 = arith.muli %add3A_64, %mul3A_65 : i32
        %add3A_67 = arith.addi %mul3A_39, %mul3A_66 : i32
        %dma_start3A = arith.constant 0 : i32
        %dma_start3A_68 = tpu.memref_slice %arg3[%add3A_49, %add3A_67, %dma_start3A] : memref<4x25088x128xi32, #tpu.memory_space<hbm>> -> memref<1x112x128xi32, #tpu.memory_space<hbm>>
        %dma_start3A_69 = tpu.memref_squeeze %dma_start3A_68 : memref<1x112x128xi32, #tpu.memory_space<hbm>> -> memref<112x128xi32, #tpu.memory_space<hbm>>
        %dma_start3A_70 = arith.constant 0 : i32
        %dma_start3A_71 = tpu.memref_slice %arg3[%add3A_49, %add3A_67, %dma_start3A_70] : memref<4x25088x128xi32, #tpu.memory_space<hbm>> -> memref<1x112x128xi32, #tpu.memory_space<hbm>>
        %dma_start3A_72 = tpu.memref_squeeze %dma_start3A_71 : memref<1x112x128xi32, #tpu.memory_space<hbm>> -> memref<112x128xi32, #tpu.memory_space<hbm>>
        tpu.enqueue_dma source(%dma_start3A_72 : memref<112x128xi32, #tpu.memory_space<hbm>>) target(%arg7 : memref<112x128xi32, #tpu.memory_space<vmem>>) target_semaphore(%arg16 : memref<!tpu.dma_semaphore, #tpu.memory_space<semaphore_mem>>)
        %dma_start3A_73 = arith.constant 0 : i32
        %dma_start3A_74 = tpu.memref_slice %arg4[%add3A_49, %add3A_67, %dma_start3A_73] : memref<4x25088x128xi32, #tpu.memory_space<hbm>> -> memref<1x112x128xi32, #tpu.memory_space<hbm>>
        %dma_start3A_75 = tpu.memref_squeeze %dma_start3A_74 : memref<1x112x128xi32, #tpu.memory_space<hbm>> -> memref<112x128xi32, #tpu.memory_space<hbm>>
        %dma_start3A_76 = arith.constant 0 : i32
        %dma_start3A_77 = tpu.memref_slice %arg4[%add3A_49, %add3A_67, %dma_start3A_76] : memref<4x25088x128xi32, #tpu.memory_space<hbm>> -> memref<1x112x128xi32, #tpu.memory_space<hbm>>
        %dma_start3A_78 = tpu.memref_squeeze %dma_start3A_77 : memref<1x112x128xi32, #tpu.memory_space<hbm>> -> memref<112x128xi32, #tpu.memory_space<hbm>>
        tpu.enqueue_dma source(%dma_start3A_78 : memref<112x128xi32, #tpu.memory_space<hbm>>) target(%arg8 : memref<112x128xi32, #tpu.memory_space<vmem>>) target_semaphore(%arg16 : memref<!tpu.dma_semaphore, #tpu.memory_space<semaphore_mem>>)
        %dma_start3A_79 = arith.constant 0 : i32
        %dma_start3A_80 = tpu.memref_slice %arg5[%add3A_67, %dma_start3A_79] : memref<25088x128xf32, #tpu.memory_space<hbm>> -> memref<112x128xf32, #tpu.memory_space<hbm>>
        %dma_start3A_81 = arith.constant 0 : i32
        %dma_start3A_82 = tpu.memref_slice %arg5[%add3A_67, %dma_start3A_81] : memref<25088x128xf32, #tpu.memory_space<hbm>> -> memref<112x128xf32, #tpu.memory_space<hbm>>
        tpu.enqueue_dma source(%dma_start3A_82 : memref<112x128xf32, #tpu.memory_space<hbm>>) target(%arg9 : memref<112x128xf32, #tpu.memory_space<vmem>>) target_semaphore(%arg16 : memref<!tpu.dma_semaphore, #tpu.memory_space<semaphore_mem>>)
        %dma_wait3A = arith.constant 0 : i32
        %dma_wait3A_83 = tpu.memref_slice %arg3[%add3A_49, %add3A_67, %dma_wait3A] : memref<4x25088x128xi32, #tpu.memory_space<hbm>> -> memref<1x112x128xi32, #tpu.memory_space<hbm>>
        %dma_wait3A_84 = tpu.memref_squeeze %dma_wait3A_83 : memref<1x112x128xi32, #tpu.memory_space<hbm>> -> memref<112x128xi32, #tpu.memory_space<hbm>>
        %dma_wait3A_85 = arith.constant 0 : i32
        %dma_wait3A_86 = tpu.memref_slice %arg3[%add3A_49, %add3A_67, %dma_wait3A_85] : memref<4x25088x128xi32, #tpu.memory_space<hbm>> -> memref<1x112x128xi32, #tpu.memory_space<hbm>>
        %dma_wait3A_87 = tpu.memref_squeeze %dma_wait3A_86 : memref<1x112x128xi32, #tpu.memory_space<hbm>> -> memref<112x128xi32, #tpu.memory_space<hbm>>
        tpu.wait_dma2 semaphore(%arg16 : memref<!tpu.dma_semaphore, #tpu.memory_space<semaphore_mem>>) src(%dma_wait3A_87 : memref<112x128xi32, #tpu.memory_space<hbm>>) dst(%arg7 : memref<112x128xi32, #tpu.memory_space<vmem>>)
        %dma_wait3A_88 = arith.constant 0 : i32
        %dma_wait3A_89 = tpu.memref_slice %arg4[%add3A_49, %add3A_67, %dma_wait3A_88] : memref<4x25088x128xi32, #tpu.memory_space<hbm>> -> memref<1x112x128xi32, #tpu.memory_space<hbm>>
        %dma_wait3A_90 = tpu.memref_squeeze %dma_wait3A_89 : memref<1x112x128xi32, #tpu.memory_space<hbm>> -> memref<112x128xi32, #tpu.memory_space<hbm>>
        %dma_wait3A_91 = arith.constant 0 : i32
        %dma_wait3A_92 = tpu.memref_slice %arg4[%add3A_49, %add3A_67, %dma_wait3A_91] : memref<4x25088x128xi32, #tpu.memory_space<hbm>> -> memref<1x112x128xi32, #tpu.memory_space<hbm>>
        %dma_wait3A_93 = tpu.memref_squeeze %dma_wait3A_92 : memref<1x112x128xi32, #tpu.memory_space<hbm>> -> memref<112x128xi32, #tpu.memory_space<hbm>>
        tpu.wait_dma2 semaphore(%arg16 : memref<!tpu.dma_semaphore, #tpu.memory_space<semaphore_mem>>) src(%dma_wait3A_93 : memref<112x128xi32, #tpu.memory_space<hbm>>) dst(%arg8 : memref<112x128xi32, #tpu.memory_space<vmem>>)
        %dma_wait3A_94 = arith.constant 0 : i32
        %dma_wait3A_95 = tpu.memref_slice %arg5[%add3A_67, %dma_wait3A_94] : memref<25088x128xf32, #tpu.memory_space<hbm>> -> memref<112x128xf32, #tpu.memory_space<hbm>>
        %dma_wait3A_96 = arith.constant 0 : i32
        %dma_wait3A_97 = tpu.memref_slice %arg5[%add3A_67, %dma_wait3A_96] : memref<25088x128xf32, #tpu.memory_space<hbm>> -> memref<112x128xf32, #tpu.memory_space<hbm>>
        tpu.wait_dma2 semaphore(%arg16 : memref<!tpu.dma_semaphore, #tpu.memory_space<semaphore_mem>>) src(%dma_wait3A_97 : memref<112x128xf32, #tpu.memory_space<hbm>>) dst(%arg9 : memref<112x128xf32, #tpu.memory_space<vmem>>)
        %dma_start3A_98 = arith.constant 0 : i32
        %dma_start3A_99 = arith.constant 0 : i32
        %dma_start3A_100 = tpu.memref_slice %arg7[%dma_start3A_98, %dma_start3A_99] : memref<112x128xi32, #tpu.memory_space<vmem>> -> memref<1x128xi32, #tpu.memory_space<vmem>>
        %dma_start3A_101 = tpu.memref_squeeze %dma_start3A_100 : memref<1x128xi32, #tpu.memory_space<vmem>> -> memref<128xi32, #tpu.memory_space<vmem>>
        %dma_start3A_102 = arith.constant 0 : i32
        %dma_start3A_103 = arith.constant 0 : i32
        %dma_start3A_104 = tpu.memref_slice %arg2[%dma_start3A_102, %dma_start3A_103] : memref<100000x16xf32, #tpu.memory_space<hbm>> -> memref<100000x16xf32, #tpu.memory_space<hbm>>
        %dma_start3A_105 = arith.constant -1 : i32
        tpu.enqueue_indirect_dma source(%dma_start3A_104 : memref<100000x16xf32, #tpu.memory_space<hbm>>) target(%arg10 : memref<128x16xf32, #tpu.memory_space<vmem>>) offsets(%dma_start3A_101 : memref<128xi32, #tpu.memory_space<vmem>>) offset_filter(%dma_start3A_105) semaphore(%arg17 : memref<!tpu.dma_semaphore, #tpu.memory_space<semaphore_mem>>)
        %dma_start3A_106 = arith.constant 1 : i32
        %dma_start3A_107 = arith.constant 0 : i32
        %dma_start3A_108 = tpu.memref_slice %arg7[%dma_start3A_106, %dma_start3A_107] : memref<112x128xi32, #tpu.memory_space<vmem>> -> memref<1x128xi32, #tpu.memory_space<vmem>>
        %dma_start3A_109 = tpu.memref_squeeze %dma_start3A_108 : memref<1x128xi32, #tpu.memory_space<vmem>> -> memref<128xi32, #tpu.memory_space<vmem>>
        %dma_start3A_110 = arith.constant 0 : i32
        %dma_start3A_111 = arith.constant 0 : i32
        %dma_start3A_112 = tpu.memref_slice %arg2[%dma_start3A_110, %dma_start3A_111] : memref<100000x16xf32, #tpu.memory_space<hbm>> -> memref<100000x16xf32, #tpu.memory_space<hbm>>
        %dma_start3A_113 = arith.constant -1 : i32
        tpu.enqueue_indirect_dma source(%dma_start3A_112 : memref<100000x16xf32, #tpu.memory_space<hbm>>) target(%arg11 : memref<128x16xf32, #tpu.memory_space<vmem>>) offsets(%dma_start3A_109 : memref<128xi32, #tpu.memory_space<vmem>>) offset_filter(%dma_start3A_113) semaphore(%arg18 : memref<!tpu.dma_semaphore, #tpu.memory_space<semaphore_mem>>)
        %dma_start3A_114 = arith.constant 2 : i32
        %dma_start3A_115 = arith.constant 0 : i32
        %dma_start3A_116 = tpu.memref_slice %arg7[%dma_start3A_114, %dma_start3A_115] : memref<112x128xi32, #tpu.memory_space<vmem>> -> memref<1x128xi32, #tpu.memory_space<vmem>>
        %dma_start3A_117 = tpu.memref_squeeze %dma_start3A_116 : memref<1x128xi32, #tpu.memory_space<vmem>> -> memref<128xi32, #tpu.memory_space<vmem>>
        %dma_start3A_118 = arith.constant 0 : i32
        %dma_start3A_119 = arith.constant 0 : i32
        %dma_start3A_120 = tpu.memref_slice %arg2[%dma_start3A_118, %dma_start3A_119] : memref<100000x16xf32, #tpu.memory_space<hbm>> -> memref<100000x16xf32, #tpu.memory_space<hbm>>
        %dma_start3A_121 = arith.constant -1 : i32
        tpu.enqueue_indirect_dma source(%dma_start3A_120 : memref<100000x16xf32, #tpu.memory_space<hbm>>) target(%arg12 : memref<128x16xf32, #tpu.memory_space<vmem>>) offsets(%dma_start3A_117 : memref<128xi32, #tpu.memory_space<vmem>>) offset_filter(%dma_start3A_121) semaphore(%arg19 : memref<!tpu.dma_semaphore, #tpu.memory_space<semaphore_mem>>)
        %dma_start3A_122 = arith.constant 3 : i32
        %dma_start3A_123 = arith.constant 0 : i32
        %dma_start3A_124 = tpu.memref_slice %arg7[%dma_start3A_122, %dma_start3A_123] : memref<112x128xi32, #tpu.memory_space<vmem>> -> memref<1x128xi32, #tpu.memory_space<vmem>>
        %dma_start3A_125 = tpu.memref_squeeze %dma_start3A_124 : memref<1x128xi32, #tpu.memory_space<vmem>> -> memref<128xi32, #tpu.memory_space<vmem>>
        %dma_start3A_126 = arith.constant 0 : i32
        %dma_start3A_127 = arith.constant 0 : i32
        %dma_start3A_128 = tpu.memref_slice %arg2[%dma_start3A_126, %dma_start3A_127] : memref<100000x16xf32, #tpu.memory_space<hbm>> -> memref<100000x16xf32, #tpu.memory_space<hbm>>
        %dma_start3A_129 = arith.constant -1 : i32
        tpu.enqueue_indirect_dma source(%dma_start3A_128 : memref<100000x16xf32, #tpu.memory_space<hbm>>) target(%arg13 : memref<128x16xf32, #tpu.memory_space<vmem>>) offsets(%dma_start3A_125 : memref<128xi32, #tpu.memory_space<vmem>>) offset_filter(%dma_start3A_129) semaphore(%arg20 : memref<!tpu.dma_semaphore, #tpu.memory_space<semaphore_mem>>)
        %scan3A_130 = arith.constant 0 : i32
        %scan3A_131 = arith.constant 28 : i32
        %scan3A_132 = arith.addi %scan3A_130, %scan3A_131 : i32
        %scan3A_133 = arith.constant 1 : i32
        scf.for %scan3A_135 = %scan3A_130 to %scan3A_132 step %scan3A_133  : i32 {
          %mul3A_136 = arith.constant 1 : i32
          %mul3A_137 = arith.muli %scan3A_135, %mul3A_136 : i32
          %add3A_138 = arith.constant 0 : i32
          %add3A_139 = arith.addi %add3A_138, %mul3A_137 : i32
          %mul3A_140 = arith.constant 4 : i32
          %mul3A_141 = arith.muli %add3A_139, %mul3A_140 : i32
          %add3A_142 = arith.constant 0 : i32
          %add3A_143 = arith.addi %mul3A_141, %add3A_142 : i32
          %dma_wait3A_144 = arith.constant 0 : i32
          %dma_wait3A_145 = tpu.memref_slice %arg7[%add3A_143, %dma_wait3A_144] : memref<112x128xi32, #tpu.memory_space<vmem>> -> memref<1x128xi32, #tpu.memory_space<vmem>>
          %dma_wait3A_146 = tpu.memref_squeeze %dma_wait3A_145 : memref<1x128xi32, #tpu.memory_space<vmem>> -> memref<128xi32, #tpu.memory_space<vmem>>
          %dma_wait3A_147 = arith.constant 0 : i32
          %dma_wait3A_148 = arith.constant 0 : i32
          %dma_wait3A_149 = tpu.memref_slice %arg2[%dma_wait3A_147, %dma_wait3A_148] : memref<100000x16xf32, #tpu.memory_space<hbm>> -> memref<100000x16xf32, #tpu.memory_space<hbm>>
          tpu.wait_indirect_dma semaphore(%arg17 : memref<!tpu.dma_semaphore, #tpu.memory_space<semaphore_mem>>) src(%dma_wait3A_149 : memref<100000x16xf32, #tpu.memory_space<hbm>>) dst(%arg10 : memref<128x16xf32, #tpu.memory_space<vmem>>)
          %broadcast_in_dim3A_150 = vector.broadcast %add3A_143 : i32 to vector<16xi32>
          %scan3A_151 = arith.constant 0 : i32
          %scan3A_152 = arith.constant 8 : i32
          %scan3A_153 = arith.addi %scan3A_151, %scan3A_152 : i32
          %scan3A_154 = arith.constant 1 : i32
          scf.for %scan3A_291 = %scan3A_151 to %scan3A_153 step %scan3A_154  : i32 {
            %mul3A_292 = arith.constant 1 : i32
            %mul3A_293 = arith.muli %scan3A_291, %mul3A_292 : i32
            %add3A_294 = arith.constant 0 : i32
            %add3A_295 = arith.addi %add3A_294, %mul3A_293 : i32
            %mul3A_296 = arith.constant 16 : i32
            %mul3A_297 = arith.muli %add3A_295, %mul3A_296 : i32
            %broadcast_in_dim3A_298 = vector.broadcast %mul3A_297 : i32 to vector<16xi32>
            %add3A_299 = arith.addi %broadcast_in_dim3A_298, %broadcast_in_dim3A_1 : vector<16xi32>
            %gather3A = tpu.vector_load_idx %arg9[%broadcast_in_dim3A_150, %add3A_299] : memref<112x128xf32, #tpu.memory_space<vmem>>[vector<16xi32>, vector<16xi32>], vector<16xf32>,
            %add3A_300 = arith.constant 0 : i32
            %add3A_301 = arith.addi %mul3A_297, %add3A_300 : i32
            %get3A = arith.index_cast %add3A_301 : i32 to index
            %get3A_302 = arith.constant 0 : index
            %get3A_303 = tpu.vector_load %arg10[%get3A, %get3A_302] {strides = array<i32>} : memref<128x16xf32, #tpu.memory_space<vmem>>, vector<16xf32>,
            %mul3A_304 = arith.mulf %get3A_303, %gather3A : vector<16xf32>
            %add3A_305 = arith.constant 0 : i32
            %add3A_306 = arith.addi %mul3A_297, %add3A_305 : i32
            %swap3A = arith.index_cast %add3A_306 : i32 to index
            %swap3A_307 = arith.constant 0 : index
            %swap3A_308 = tpu.vector_load %arg10[%swap3A, %swap3A_307] {strides = array<i32>} : memref<128x16xf32, #tpu.memory_space<vmem>>, vector<16xf32>,
            tpu.vector_store %arg10[%swap3A, %swap3A_307], %mul3A_304 {strides = array<i32>} : memref<128x16xf32, #tpu.memory_space<vmem>>, vector<16xf32>,
            %add3A_309 = arith.addi %broadcast_in_dim3A_298, %broadcast_in_dim3A_3 : vector<16xi32>
            %gather3A_310 = tpu.vector_load_idx %arg9[%broadcast_in_dim3A_150, %add3A_309] : memref<112x128xf32, #tpu.memory_space<vmem>>[vector<16xi32>, vector<16xi32>], vector<16xf32>,
            %add3A_311 = arith.constant 1 : i32
            %add3A_312 = arith.addi %mul3A_297, %add3A_311 : i32
            %get3A_313 = arith.index_cast %add3A_312 : i32 to index
            %get3A_314 = arith.constant 0 : index
            %get3A_315 = tpu.vector_load %arg10[%get3A_313, %get3A_314] {strides = array<i32>} : memref<128x16xf32, #tpu.memory_space<vmem>>, vector<16xf32>,
            %mul3A_316 = arith.mulf %get3A_315, %gather3A_310 : vector<16xf32>
            %add3A_317 = arith.constant 1 : i32
            %add3A_318 = arith.addi %mul3A_297, %add3A_317 : i32
            %swap3A_319 = arith.index_cast %add3A_318 : i32 to index
            %swap3A_320 = arith.constant 0 : index
            %swap3A_321 = tpu.vector_load %arg10[%swap3A_319, %swap3A_320] {strides = array<i32>} : memref<128x16xf32, #tpu.memory_space<vmem>>, vector<16xf32>,
            tpu.vector_store %arg10[%swap3A_319, %swap3A_320], %mul3A_316 {strides = array<i32>} : memref<128x16xf32, #tpu.memory_space<vmem>>, vector<16xf32>,
            %add3A_322 = arith.addi %broadcast_in_dim3A_298, %broadcast_in_dim3A_5 : vector<16xi32>
            %gather3A_323 = tpu.vector_load_idx %arg9[%broadcast_in_dim3A_150, %add3A_322] : memref<112x128xf32, #tpu.memory_space<vmem>>[vector<16xi32>, vector<16xi32>], vector<16xf32>,
            %add3A_324 = arith.constant 2 : i32
            %add3A_325 = arith.addi %mul3A_297, %add3A_324 : i32
            %get3A_326 = arith.index_cast %add3A_325 : i32 to index
            %get3A_327 = arith.constant 0 : index
            %get3A_328 = tpu.vector_load %arg10[%get3A_326, %get3A_327] {strides = array<i32>} : memref<128x16xf32, #tpu.memory_space<vmem>>, vector<16xf32>,
            %mul3A_329 = arith.mulf %get3A_328, %gather3A_323 : vector<16xf32>
            %add3A_330 = arith.constant 2 : i32
            %add3A_331 = arith.addi %mul3A_297, %add3A_330 : i32
            %swap3A_332 = arith.index_cast %add3A_331 : i32 to index
            %swap3A_333 = arith.constant 0 : index
            %swap3A_334 = tpu.vector_load %arg10[%swap3A_332, %swap3A_333] {strides = array<i32>} : memref<128x16xf32, #tpu.memory_space<vmem>>, vector<16xf32>,
            tpu.vector_store %arg10[%swap3A_332, %swap3A_333], %mul3A_329 {strides = array<i32>} : memref<128x16xf32, #tpu.memory_space<vmem>>, vector<16xf32>,
            %add3A_335 = arith.addi %broadcast_in_dim3A_298, %broadcast_in_dim3A_7 : vector<16xi32>
            %gather3A_336 = tpu.vector_load_idx %arg9[%broadcast_in_dim3A_150, %add3A_335] : memref<112x128xf32, #tpu.memory_space<vmem>>[vector<16xi32>, vector<16xi32>], vector<16xf32>,
            %add3A_337 = arith.constant 3 : i32
            %add3A_338 = arith.addi %mul3A_297, %add3A_337 : i32
            %get3A_339 = arith.index_cast %add3A_338 : i32 to index
            %get3A_340 = arith.constant 0 : index
            %get3A_341 = tpu.vector_load %arg10[%get3A_339, %get3A_340] {strides = array<i32>} : memref<128x16xf32, #tpu.memory_space<vmem>>, vector<16xf32>,
            %mul3A_342 = arith.mulf %get3A_341, %gather3A_336 : vector<16xf32>
            %add3A_343 = arith.constant 3 : i32
            %add3A_344 = arith.addi %mul3A_297, %add3A_343 : i32
            %swap3A_345 = arith.index_cast %add3A_344 : i32 to index
            %swap3A_346 = arith.constant 0 : index
            %swap3A_347 = tpu.vector_load %arg10[%swap3A_345, %swap3A_346] {strides = array<i32>} : memref<128x16xf32, #tpu.memory_space<vmem>>, vector<16xf32>,
            tpu.vector_store %arg10[%swap3A_345, %swap3A_346], %mul3A_342 {strides = array<i32>} : memref<128x16xf32, #tpu.memory_space<vmem>>, vector<16xf32>,
            %add3A_348 = arith.addi %broadcast_in_dim3A_298, %broadcast_in_dim3A_9 : vector<16xi32>
            %gather3A_349 = tpu.vector_load_idx %arg9[%broadcast_in_dim3A_150, %add3A_348] : memref<112x128xf32, #tpu.memory_space<vmem>>[vector<16xi32>, vector<16xi32>], vector<16xf32>,
            %add3A_350 = arith.constant 4 : i32
            %add3A_351 = arith.addi %mul3A_297, %add3A_350 : i32
            %get3A_352 = arith.index_cast %add3A_351 : i32 to index
            %get3A_353 = arith.constant 0 : index
            %get3A_354 = tpu.vector_load %arg10[%get3A_352, %get3A_353] {strides = array<i32>} : memref<128x16xf32, #tpu.memory_space<vmem>>, vector<16xf32>,
            %mul3A_355 = arith.mulf %get3A_354, %gather3A_349 : vector<16xf32>
            %add3A_356 = arith.constant 4 : i32
            %add3A_357 = arith.addi %mul3A_297, %add3A_356 : i32
            %swap3A_358 = arith.index_cast %add3A_357 : i32 to index
            %swap3A_359 = arith.constant 0 : index
            %swap3A_360 = tpu.vector_load %arg10[%swap3A_358, %swap3A_359] {strides = array<i32>} : memref<128x16xf32, #tpu.memory_space<vmem>>, vector<16xf32>,
            tpu.vector_store %arg10[%swap3A_358, %swap3A_359], %mul3A_355 {strides = array<i32>} : memref<128x16xf32, #tpu.memory_space<vmem>>, vector<16xf32>,
            %add3A_361 = arith.addi %broadcast_in_dim3A_298, %broadcast_in_dim3A_11 : vector<16xi32>
            %gather3A_362 = tpu.vector_load_idx %arg9[%broadcast_in_dim3A_150, %add3A_361] : memref<112x128xf32, #tpu.memory_space<vmem>>[vector<16xi32>, vector<16xi32>], vector<16xf32>,
            %add3A_363 = arith.constant 5 : i32
            %add3A_364 = arith.addi %mul3A_297, %add3A_363 : i32
            %get3A_365 = arith.index_cast %add3A_364 : i32 to index
            %get3A_366 = arith.constant 0 : index
            %get3A_367 = tpu.vector_load %arg10[%get3A_365, %get3A_366] {strides = array<i32>} : memref<128x16xf32, #tpu.memory_space<vmem>>, vector<16xf32>,
            %mul3A_368 = arith.mulf %get3A_367, %gather3A_362 : vector<16xf32>
            %add3A_369 = arith.constant 5 : i32
            %add3A_370 = arith.addi %mul3A_297, %add3A_369 : i32
            %swap3A_371 = arith.index_cast %add3A_370 : i32 to index
            %swap3A_372 = arith.constant 0 : index
            %swap3A_373 = tpu.vector_load %arg10[%swap3A_371, %swap3A_372] {strides = array<i32>} : memref<128x16xf32, #tpu.memory_space<vmem>>, vector<16xf32>,
            tpu.vector_store %arg10[%swap3A_371, %swap3A_372], %mul3A_368 {strides = array<i32>} : memref<128x16xf32, #tpu.memory_space<vmem>>, vector<16xf32>,
            %add3A_374 = arith.addi %broadcast_in_dim3A_298, %broadcast_in_dim3A_13 : vector<16xi32>
            %gather3A_375 = tpu.vector_load_idx %arg9[%broadcast_in_dim3A_150, %add3A_374] : memref<112x128xf32, #tpu.memory_space<vmem>>[vector<16xi32>, vector<16xi32>], vector<16xf32>,
            %add3A_376 = arith.constant 6 : i32
            %add3A_377 = arith.addi %mul3A_297, %add3A_376 : i32
            %get3A_378 = arith.index_cast %add3A_377 : i32 to index
            %get3A_379 = arith.constant 0 : index
            %get3A_380 = tpu.vector_load %arg10[%get3A_378, %get3A_379] {strides = array<i32>} : memref<128x16xf32, #tpu.memory_space<vmem>>, vector<16xf32>,
            %mul3A_381 = arith.mulf %get3A_380, %gather3A_375 : vector<16xf32>
            %add3A_382 = arith.constant 6 : i32
            %add3A_383 = arith.addi %mul3A_297, %add3A_382 : i32
            %swap3A_384 = arith.index_cast %add3A_383 : i32 to index
            %swap3A_385 = arith.constant 0 : index
            %swap3A_386 = tpu.vector_load %arg10[%swap3A_384, %swap3A_385] {strides = array<i32>} : memref<128x16xf32, #tpu.memory_space<vmem>>, vector<16xf32>,
            tpu.vector_store %arg10[%swap3A_384, %swap3A_385], %mul3A_381 {strides = array<i32>} : memref<128x16xf32, #tpu.memory_space<vmem>>, vector<16xf32>,
            %add3A_387 = arith.addi %broadcast_in_dim3A_298, %broadcast_in_dim3A_15 : vector<16xi32>
            %gather3A_388 = tpu.vector_load_idx %arg9[%broadcast_in_dim3A_150, %add3A_387] : memref<112x128xf32, #tpu.memory_space<vmem>>[vector<16xi32>, vector<16xi32>], vector<16xf32>,
            %add3A_389 = arith.constant 7 : i32
            %add3A_390 = arith.addi %mul3A_297, %add3A_389 : i32
            %get3A_391 = arith.index_cast %add3A_390 : i32 to index
            %get3A_392 = arith.constant 0 : index
            %get3A_393 = tpu.vector_load %arg10[%get3A_391, %get3A_392] {strides = array<i32>} : memref<128x16xf32, #tpu.memory_space<vmem>>, vector<16xf32>,
            %mul3A_394 = arith.mulf %get3A_393, %gather3A_388 : vector<16xf32>
            %add3A_395 = arith.constant 7 : i32
            %add3A_396 = arith.addi %mul3A_297, %add3A_395 : i32
            %swap3A_397 = arith.index_cast %add3A_396 : i32 to index
            %swap3A_398 = arith.constant 0 : index
            %swap3A_399 = tpu.vector_load %arg10[%swap3A_397, %swap3A_398] {strides = array<i32>} : memref<128x16xf32, #tpu.memory_space<vmem>>, vector<16xf32>,
            tpu.vector_store %arg10[%swap3A_397, %swap3A_398], %mul3A_394 {strides = array<i32>} : memref<128x16xf32, #tpu.memory_space<vmem>>, vector<16xf32>,
            %add3A_400 = arith.addi %broadcast_in_dim3A_298, %broadcast_in_dim3A_17 : vector<16xi32>
            %gather3A_401 = tpu.vector_load_idx %arg9[%broadcast_in_dim3A_150, %add3A_400] : memref<112x128xf32, #tpu.memory_space<vmem>>[vector<16xi32>, vector<16xi32>], vector<16xf32>,
            %add3A_402 = arith.constant 8 : i32
            %add3A_403 = arith.addi %mul3A_297, %add3A_402 : i32
            %get3A_404 = arith.index_cast %add3A_403 : i32 to index
            %get3A_405 = arith.constant 0 : index
            %get3A_406 = tpu.vector_load %arg10[%get3A_404, %get3A_405] {strides = array<i32>} : memref<128x16xf32, #tpu.memory_space<vmem>>, vector<16xf32>,
            %mul3A_407 = arith.mulf %get3A_406, %gather3A_401 : vector<16xf32>
            %add3A_408 = arith.constant 8 : i32
            %add3A_409 = arith.addi %mul3A_297, %add3A_408 : i32
            %swap3A_410 = arith.index_cast %add3A_409 : i32 to index
            %swap3A_411 = arith.constant 0 : index
            %swap3A_412 = tpu.vector_load %arg10[%swap3A_410, %swap3A_411] {strides = array<i32>} : memref<128x16xf32, #tpu.memory_space<vmem>>, vector<16xf32>,
            tpu.vector_store %arg10[%swap3A_410, %swap3A_411], %mul3A_407 {strides = array<i32>} : memref<128x16xf32, #tpu.memory_space<vmem>>, vector<16xf32>,
            %add3A_413 = arith.addi %broadcast_in_dim3A_298, %broadcast_in_dim3A_19 : vector<16xi32>
            %gather3A_414 = tpu.vector_load_idx %arg9[%broadcast_in_dim3A_150, %add3A_413] : memref<112x128xf32, #tpu.memory_space<vmem>>[vector<16xi32>, vector<16xi32>], vector<16xf32>,
            %add3A_415 = arith.constant 9 : i32
            %add3A_416 = arith.addi %mul3A_297, %add3A_415 : i32
            %get3A_417 = arith.index_cast %add3A_416 : i32 to index
            %get3A_418 = arith.constant 0 : index
            %get3A_419 = tpu.vector_load %arg10[%get3A_417, %get3A_418] {strides = array<i32>} : memref<128x16xf32, #tpu.memory_space<vmem>>, vector<16xf32>,
            %mul3A_420 = arith.mulf %get3A_419, %gather3A_414 : vector<16xf32>
            %add3A_421 = arith.constant 9 : i32
            %add3A_422 = arith.addi %mul3A_297, %add3A_421 : i32
            %swap3A_423 = arith.index_cast %add3A_422 : i32 to index
            %swap3A_424 = arith.constant 0 : index
            %swap3A_425 = tpu.vector_load %arg10[%swap3A_423, %swap3A_424] {strides = array<i32>} : memref<128x16xf32, #tpu.memory_space<vmem>>, vector<16xf32>,
            tpu.vector_store %arg10[%swap3A_423, %swap3A_424], %mul3A_420 {strides = array<i32>} : memref<128x16xf32, #tpu.memory_space<vmem>>, vector<16xf32>,
            %add3A_426 = arith.addi %broadcast_in_dim3A_298, %broadcast_in_dim3A_21 : vector<16xi32>
            %gather3A_427 = tpu.vector_load_idx %arg9[%broadcast_in_dim3A_150, %add3A_426] : memref<112x128xf32, #tpu.memory_space<vmem>>[vector<16xi32>, vector<16xi32>], vector<16xf32>,
            %add3A_428 = arith.constant 10 : i32
            %add3A_429 = arith.addi %mul3A_297, %add3A_428 : i32
            %get3A_430 = arith.index_cast %add3A_429 : i32 to index
            %get3A_431 = arith.constant 0 : index
            %get3A_432 = tpu.vector_load %arg10[%get3A_430, %get3A_431] {strides = array<i32>} : memref<128x16xf32, #tpu.memory_space<vmem>>, vector<16xf32>,
            %mul3A_433 = arith.mulf %get3A_432, %gather3A_427 : vector<16xf32>
            %add3A_434 = arith.constant 10 : i32
            %add3A_435 = arith.addi %mul3A_297, %add3A_434 : i32
            %swap3A_436 = arith.index_cast %add3A_435 : i32 to index
            %swap3A_437 = arith.constant 0 : index
            %swap3A_438 = tpu.vector_load %arg10[%swap3A_436, %swap3A_437] {strides = array<i32>} : memref<128x16xf32, #tpu.memory_space<vmem>>, vector<16xf32>,
            tpu.vector_store %arg10[%swap3A_436, %swap3A_437], %mul3A_433 {strides = array<i32>} : memref<128x16xf32, #tpu.memory_space<vmem>>, vector<16xf32>,
            %add3A_439 = arith.addi %broadcast_in_dim3A_298, %broadcast_in_dim3A_23 : vector<16xi32>
            %gather3A_440 = tpu.vector_load_idx %arg9[%broadcast_in_dim3A_150, %add3A_439] : memref<112x128xf32, #tpu.memory_space<vmem>>[vector<16xi32>, vector<16xi32>], vector<16xf32>,
            %add3A_441 = arith.constant 11 : i32
            %add3A_442 = arith.addi %mul3A_297, %add3A_441 : i32
            %get3A_443 = arith.index_cast %add3A_442 : i32 to index
            %get3A_444 = arith.constant 0 : index
            %get3A_445 = tpu.vector_load %arg10[%get3A_443, %get3A_444] {strides = array<i32>} : memref<128x16xf32, #tpu.memory_space<vmem>>, vector<16xf32>,
            %mul3A_446 = arith.mulf %get3A_445, %gather3A_440 : vector<16xf32>
            %add3A_447 = arith.constant 11 : i32
            %add3A_448 = arith.addi %mul3A_297, %add3A_447 : i32
            %swap3A_449 = arith.index_cast %add3A_448 : i32 to index
            %swap3A_450 = arith.constant 0 : index
            %swap3A_451 = tpu.vector_load %arg10[%swap3A_449, %swap3A_450] {strides = array<i32>} : memref<128x16xf32, #tpu.memory_space<vmem>>, vector<16xf32>,
            tpu.vector_store %arg10[%swap3A_449, %swap3A_450], %mul3A_446 {strides = array<i32>} : memref<128x16xf32, #tpu.memory_space<vmem>>, vector<16xf32>,
            %add3A_452 = arith.addi %broadcast_in_dim3A_298, %broadcast_in_dim3A_25 : vector<16xi32>
            %gather3A_453 = tpu.vector_load_idx %arg9[%broadcast_in_dim3A_150, %add3A_452] : memref<112x128xf32, #tpu.memory_space<vmem>>[vector<16xi32>, vector<16xi32>], vector<16xf32>,
            %add3A_454 = arith.constant 12 : i32
            %add3A_455 = arith.addi %mul3A_297, %add3A_454 : i32
            %get3A_456 = arith.index_cast %add3A_455 : i32 to index
            %get3A_457 = arith.constant 0 : index
            %get3A_458 = tpu.vector_load %arg10[%get3A_456, %get3A_457] {strides = array<i32>} : memref<128x16xf32, #tpu.memory_space<vmem>>, vector<16xf32>,
            %mul3A_459 = arith.mulf %get3A_458, %gather3A_453 : vector<16xf32>
            %add3A_460 = arith.constant 12 : i32
            %add3A_461 = arith.addi %mul3A_297, %add3A_460 : i32
            %swap3A_462 = arith.index_cast %add3A_461 : i32 to index
            %swap3A_463 = arith.constant 0 : index
            %swap3A_464 = tpu.vector_load %arg10[%swap3A_462, %swap3A_463] {strides = array<i32>} : memref<128x16xf32, #tpu.memory_space<vmem>>, vector<16xf32>,
            tpu.vector_store %arg10[%swap3A_462, %swap3A_463], %mul3A_459 {strides = array<i32>} : memref<128x16xf32, #tpu.memory_space<vmem>>, vector<16xf32>,
            %add3A_465 = arith.addi %broadcast_in_dim3A_298, %broadcast_in_dim3A_27 : vector<16xi32>
            %gather3A_466 = tpu.vector_load_idx %arg9[%broadcast_in_dim3A_150, %add3A_465] : memref<112x128xf32, #tpu.memory_space<vmem>>[vector<16xi32>, vector<16xi32>], vector<16xf32>,
            %add3A_467 = arith.constant 13 : i32
            %add3A_468 = arith.addi %mul3A_297, %add3A_467 : i32
            %get3A_469 = arith.index_cast %add3A_468 : i32 to index
            %get3A_470 = arith.constant 0 : index
            %get3A_471 = tpu.vector_load %arg10[%get3A_469, %get3A_470] {strides = array<i32>} : memref<128x16xf32, #tpu.memory_space<vmem>>, vector<16xf32>,
            %mul3A_472 = arith.mulf %get3A_471, %gather3A_466 : vector<16xf32>
            %add3A_473 = arith.constant 13 : i32
            %add3A_474 = arith.addi %mul3A_297, %add3A_473 : i32
            %swap3A_475 = arith.index_cast %add3A_474 : i32 to index
            %swap3A_476 = arith.constant 0 : index
            %swap3A_477 = tpu.vector_load %arg10[%swap3A_475, %swap3A_476] {strides = array<i32>} : memref<128x16xf32, #tpu.memory_space<vmem>>, vector<16xf32>,
            tpu.vector_store %arg10[%swap3A_475, %swap3A_476], %mul3A_472 {strides = array<i32>} : memref<128x16xf32, #tpu.memory_space<vmem>>, vector<16xf32>,
            %add3A_478 = arith.addi %broadcast_in_dim3A_298, %broadcast_in_dim3A_29 : vector<16xi32>
            %gather3A_479 = tpu.vector_load_idx %arg9[%broadcast_in_dim3A_150, %add3A_478] : memref<112x128xf32, #tpu.memory_space<vmem>>[vector<16xi32>, vector<16xi32>], vector<16xf32>,
            %add3A_480 = arith.constant 14 : i32
            %add3A_481 = arith.addi %mul3A_297, %add3A_480 : i32
            %get3A_482 = arith.index_cast %add3A_481 : i32 to index
            %get3A_483 = arith.constant 0 : index
            %get3A_484 = tpu.vector_load %arg10[%get3A_482, %get3A_483] {strides = array<i32>} : memref<128x16xf32, #tpu.memory_space<vmem>>, vector<16xf32>,
            %mul3A_485 = arith.mulf %get3A_484, %gather3A_479 : vector<16xf32>
            %add3A_486 = arith.constant 14 : i32
            %add3A_487 = arith.addi %mul3A_297, %add3A_486 : i32
            %swap3A_488 = arith.index_cast %add3A_487 : i32 to index
            %swap3A_489 = arith.constant 0 : index
            %swap3A_490 = tpu.vector_load %arg10[%swap3A_488, %swap3A_489] {strides = array<i32>} : memref<128x16xf32, #tpu.memory_space<vmem>>, vector<16xf32>,
            tpu.vector_store %arg10[%swap3A_488, %swap3A_489], %mul3A_485 {strides = array<i32>} : memref<128x16xf32, #tpu.memory_space<vmem>>, vector<16xf32>,
            %add3A_491 = arith.addi %broadcast_in_dim3A_298, %broadcast_in_dim3A_31 : vector<16xi32>
            %gather3A_492 = tpu.vector_load_idx %arg9[%broadcast_in_dim3A_150, %add3A_491] : memref<112x128xf32, #tpu.memory_space<vmem>>[vector<16xi32>, vector<16xi32>], vector<16xf32>,
            %add3A_493 = arith.constant 15 : i32
            %add3A_494 = arith.addi %mul3A_297, %add3A_493 : i32
            %get3A_495 = arith.index_cast %add3A_494 : i32 to index
            %get3A_496 = arith.constant 0 : index
            %get3A_497 = tpu.vector_load %arg10[%get3A_495, %get3A_496] {strides = array<i32>} : memref<128x16xf32, #tpu.memory_space<vmem>>, vector<16xf32>,
            %mul3A_498 = arith.mulf %get3A_497, %gather3A_492 : vector<16xf32>
            %add3A_499 = arith.constant 15 : i32
            %add3A_500 = arith.addi %mul3A_297, %add3A_499 : i32
            %swap3A_501 = arith.index_cast %add3A_500 : i32 to index
            %swap3A_502 = arith.constant 0 : index
            %swap3A_503 = tpu.vector_load %arg10[%swap3A_501, %swap3A_502] {strides = array<i32>} : memref<128x16xf32, #tpu.memory_space<vmem>>, vector<16xf32>,
            tpu.vector_store %arg10[%swap3A_501, %swap3A_502], %mul3A_498 {strides = array<i32>} : memref<128x16xf32, #tpu.memory_space<vmem>>, vector<16xf32>,
          }
          %scan3A_155 = arith.constant 8 : i32
          %dma_start3A_156 = arith.constant 0 : i32
          %dma_start3A_157 = tpu.memref_slice %arg8[%add3A_143, %dma_start3A_156] : memref<112x128xi32, #tpu.memory_space<vmem>> -> memref<1x128xi32, #tpu.memory_space<vmem>>
          %dma_start3A_158 = tpu.memref_squeeze %dma_start3A_157 : memref<1x128xi32, #tpu.memory_space<vmem>> -> memref<128xi32, #tpu.memory_space<vmem>>
          %dma_start3A_159 = arith.constant 0 : i32
          %dma_start3A_160 = arith.constant 0 : i32
          %dma_start3A_161 = tpu.memref_slice %arg15[%dma_start3A_159, %dma_start3A_160] : memref<25088x16xf32, #tpu.memory_space<vmem_shared>> -> memref<25088x16xf32, #tpu.memory_space<vmem_shared>>
          %dma_start3A_162 = arith.constant -1 : i32
          tpu.enqueue_indirect_dma source(%arg10 : memref<128x16xf32, #tpu.memory_space<vmem>>) target(%dma_start3A_161 : memref<25088x16xf32, #tpu.memory_space<vmem_shared>>) offsets(%dma_start3A_158 : memref<128xi32, #tpu.memory_space<vmem>>) offset_filter(%dma_start3A_162) semaphore(%arg21 : memref<!tpu.dma_semaphore, #tpu.memory_space<semaphore_mem>>) {add = true}
          %add3A_163 = arith.constant 1 : i32
          %add3A_164 = arith.addi %mul3A_141, %add3A_163 : i32
          %dma_wait3A_165 = arith.constant 0 : i32
          %dma_wait3A_166 = tpu.memref_slice %arg7[%add3A_164, %dma_wait3A_165] : memref<112x128xi32, #tpu.memory_space<vmem>> -> memref<1x128xi32, #tpu.memory_space<vmem>>
          %dma_wait3A_167 = tpu.memref_squeeze %dma_wait3A_166 : memref<1x128xi32, #tpu.memory_space<vmem>> -> memref<128xi32, #tpu.memory_space<vmem>>
          %dma_wait3A_168 = arith.constant 0 : i32
          %dma_wait3A_169 = arith.constant 0 : i32
          %dma_wait3A_170 = tpu.memref_slice %arg2[%dma_wait3A_168, %dma_wait3A_169] : memref<100000x16xf32, #tpu.memory_space<hbm>> -> memref<100000x16xf32, #tpu.memory_space<hbm>>
          tpu.wait_indirect_dma semaphore(%arg18 : memref<!tpu.dma_semaphore, #tpu.memory_space<semaphore_mem>>) src(%dma_wait3A_170 : memref<100000x16xf32, #tpu.memory_space<hbm>>) dst(%arg11 : memref<128x16xf32, #tpu.memory_space<vmem>>)
          %broadcast_in_dim3A_171 = vector.broadcast %add3A_164 : i32 to vector<16xi32>
          %scan3A_172 = arith.constant 0 : i32
          %scan3A_173 = arith.constant 8 : i32
          %scan3A_174 = arith.addi %scan3A_172, %scan3A_173 : i32
          %scan3A_175 = arith.constant 1 : i32
          scf.for %scan3A_291 = %scan3A_172 to %scan3A_174 step %scan3A_175  : i32 {
            %mul3A_292 = arith.constant 1 : i32
            %mul3A_293 = arith.muli %scan3A_291, %mul3A_292 : i32
            %add3A_294 = arith.constant 0 : i32
            %add3A_295 = arith.addi %add3A_294, %mul3A_293 : i32
            %mul3A_296 = arith.constant 16 : i32
            %mul3A_297 = arith.muli %add3A_295, %mul3A_296 : i32
            %broadcast_in_dim3A_298 = vector.broadcast %mul3A_297 : i32 to vector<16xi32>
            %add3A_299 = arith.addi %broadcast_in_dim3A_298, %broadcast_in_dim3A_1 : vector<16xi32>
            %gather3A = tpu.vector_load_idx %arg9[%broadcast_in_dim3A_171, %add3A_299] : memref<112x128xf32, #tpu.memory_space<vmem>>[vector<16xi32>, vector<16xi32>], vector<16xf32>,
            %add3A_300 = arith.constant 0 : i32
            %add3A_301 = arith.addi %mul3A_297, %add3A_300 : i32
            %get3A = arith.index_cast %add3A_301 : i32 to index
            %get3A_302 = arith.constant 0 : index
            %get3A_303 = tpu.vector_load %arg11[%get3A, %get3A_302] {strides = array<i32>} : memref<128x16xf32, #tpu.memory_space<vmem>>, vector<16xf32>,
            %mul3A_304 = arith.mulf %get3A_303, %gather3A : vector<16xf32>
            %add3A_305 = arith.constant 0 : i32
            %add3A_306 = arith.addi %mul3A_297, %add3A_305 : i32
            %swap3A = arith.index_cast %add3A_306 : i32 to index
            %swap3A_307 = arith.constant 0 : index
            %swap3A_308 = tpu.vector_load %arg11[%swap3A, %swap3A_307] {strides = array<i32>} : memref<128x16xf32, #tpu.memory_space<vmem>>, vector<16xf32>,
            tpu.vector_store %arg11[%swap3A, %swap3A_307], %mul3A_304 {strides = array<i32>} : memref<128x16xf32, #tpu.memory_space<vmem>>, vector<16xf32>,
            %add3A_309 = arith.addi %broadcast_in_dim3A_298, %broadcast_in_dim3A_3 : vector<16xi32>
            %gather3A_310 = tpu.vector_load_idx %arg9[%broadcast_in_dim3A_171, %add3A_309] : memref<112x128xf32, #tpu.memory_space<vmem>>[vector<16xi32>, vector<16xi32>], vector<16xf32>,
            %add3A_311 = arith.constant 1 : i32
            %add3A_312 = arith.addi %mul3A_297, %add3A_311 : i32
            %get3A_313 = arith.index_cast %add3A_312 : i32 to index
            %get3A_314 = arith.constant 0 : index
            %get3A_315 = tpu.vector_load %arg11[%get3A_313, %get3A_314] {strides = array<i32>} : memref<128x16xf32, #tpu.memory_space<vmem>>, vector<16xf32>,
            %mul3A_316 = arith.mulf %get3A_315, %gather3A_310 : vector<16xf32>
            %add3A_317 = arith.constant 1 : i32
            %add3A_318 = arith.addi %mul3A_297, %add3A_317 : i32
            %swap3A_319 = arith.index_cast %add3A_318 : i32 to index
            %swap3A_320 = arith.constant 0 : index
            %swap3A_321 = tpu.vector_load %arg11[%swap3A_319, %swap3A_320] {strides = array<i32>} : memref<128x16xf32, #tpu.memory_space<vmem>>, vector<16xf32>,
            tpu.vector_store %arg11[%swap3A_319, %swap3A_320], %mul3A_316 {strides = array<i32>} : memref<128x16xf32, #tpu.memory_space<vmem>>, vector<16xf32>,
            %add3A_322 = arith.addi %broadcast_in_dim3A_298, %broadcast_in_dim3A_5 : vector<16xi32>
            %gather3A_323 = tpu.vector_load_idx %arg9[%broadcast_in_dim3A_171, %add3A_322] : memref<112x128xf32, #tpu.memory_space<vmem>>[vector<16xi32>, vector<16xi32>], vector<16xf32>,
            %add3A_324 = arith.constant 2 : i32
            %add3A_325 = arith.addi %mul3A_297, %add3A_324 : i32
            %get3A_326 = arith.index_cast %add3A_325 : i32 to index
            %get3A_327 = arith.constant 0 : index
            %get3A_328 = tpu.vector_load %arg11[%get3A_326, %get3A_327] {strides = array<i32>} : memref<128x16xf32, #tpu.memory_space<vmem>>, vector<16xf32>,
            %mul3A_329 = arith.mulf %get3A_328, %gather3A_323 : vector<16xf32>
            %add3A_330 = arith.constant 2 : i32
            %add3A_331 = arith.addi %mul3A_297, %add3A_330 : i32
            %swap3A_332 = arith.index_cast %add3A_331 : i32 to index
            %swap3A_333 = arith.constant 0 : index
            %swap3A_334 = tpu.vector_load %arg11[%swap3A_332, %swap3A_333] {strides = array<i32>} : memref<128x16xf32, #tpu.memory_space<vmem>>, vector<16xf32>,
            tpu.vector_store %arg11[%swap3A_332, %swap3A_333], %mul3A_329 {strides = array<i32>} : memref<128x16xf32, #tpu.memory_space<vmem>>, vector<16xf32>,
            %add3A_335 = arith.addi %broadcast_in_dim3A_298, %broadcast_in_dim3A_7 : vector<16xi32>
            %gather3A_336 = tpu.vector_load_idx %arg9[%broadcast_in_dim3A_171, %add3A_335] : memref<112x128xf32, #tpu.memory_space<vmem>>[vector<16xi32>, vector<16xi32>], vector<16xf32>,
            %add3A_337 = arith.constant 3 : i32
            %add3A_338 = arith.addi %mul3A_297, %add3A_337 : i32
            %get3A_339 = arith.index_cast %add3A_338 : i32 to index
            %get3A_340 = arith.constant 0 : index
            %get3A_341 = tpu.vector_load %arg11[%get3A_339, %get3A_340] {strides = array<i32>} : memref<128x16xf32, #tpu.memory_space<vmem>>, vector<16xf32>,
            %mul3A_342 = arith.mulf %get3A_341, %gather3A_336 : vector<16xf32>
            %add3A_343 = arith.constant 3 : i32
            %add3A_344 = arith.addi %mul3A_297, %add3A_343 : i32
            %swap3A_345 = arith.index_cast %add3A_344 : i32 to index
            %swap3A_346 = arith.constant 0 : index
            %swap3A_347 = tpu.vector_load %arg11[%swap3A_345, %swap3A_346] {strides = array<i32>} : memref<128x16xf32, #tpu.memory_space<vmem>>, vector<16xf32>,
            tpu.vector_store %arg11[%swap3A_345, %swap3A_346], %mul3A_342 {strides = array<i32>} : memref<128x16xf32, #tpu.memory_space<vmem>>, vector<16xf32>,
            %add3A_348 = arith.addi %broadcast_in_dim3A_298, %broadcast_in_dim3A_9 : vector<16xi32>
            %gather3A_349 = tpu.vector_load_idx %arg9[%broadcast_in_dim3A_171, %add3A_348] : memref<112x128xf32, #tpu.memory_space<vmem>>[vector<16xi32>, vector<16xi32>], vector<16xf32>,
            %add3A_350 = arith.constant 4 : i32
            %add3A_351 = arith.addi %mul3A_297, %add3A_350 : i32
            %get3A_352 = arith.index_cast %add3A_351 : i32 to index
            %get3A_353 = arith.constant 0 : index
            %get3A_354 = tpu.vector_load %arg11[%get3A_352, %get3A_353] {strides = array<i32>} : memref<128x16xf32, #tpu.memory_space<vmem>>, vector<16xf32>,
            %mul3A_355 = arith.mulf %get3A_354, %gather3A_349 : vector<16xf32>
            %add3A_356 = arith.constant 4 : i32
            %add3A_357 = arith.addi %mul3A_297, %add3A_356 : i32
            %swap3A_358 = arith.index_cast %add3A_357 : i32 to index
            %swap3A_359 = arith.constant 0 : index
            %swap3A_360 = tpu.vector_load %arg11[%swap3A_358, %swap3A_359] {strides = array<i32>} : memref<128x16xf32, #tpu.memory_space<vmem>>, vector<16xf32>,
            tpu.vector_store %arg11[%swap3A_358, %swap3A_359], %mul3A_355 {strides = array<i32>} : memref<128x16xf32, #tpu.memory_space<vmem>>, vector<16xf32>,
            %add3A_361 = arith.addi %broadcast_in_dim3A_298, %broadcast_in_dim3A_11 : vector<16xi32>
            %gather3A_362 = tpu.vector_load_idx %arg9[%broadcast_in_dim3A_171, %add3A_361] : memref<112x128xf32, #tpu.memory_space<vmem>>[vector<16xi32>, vector<16xi32>], vector<16xf32>,
            %add3A_363 = arith.constant 5 : i32
            %add3A_364 = arith.addi %mul3A_297, %add3A_363 : i32
            %get3A_365 = arith.index_cast %add3A_364 : i32 to index
            %get3A_366 = arith.constant 0 : index
            %get3A_367 = tpu.vector_load %arg11[%get3A_365, %get3A_366] {strides = array<i32>} : memref<128x16xf32, #tpu.memory_space<vmem>>, vector<16xf32>,
            %mul3A_368 = arith.mulf %get3A_367, %gather3A_362 : vector<16xf32>
            %add3A_369 = arith.constant 5 : i32
            %add3A_370 = arith.addi %mul3A_297, %add3A_369 : i32
            %swap3A_371 = arith.index_cast %add3A_370 : i32 to index
            %swap3A_372 = arith.constant 0 : index
            %swap3A_373 = tpu.vector_load %arg11[%swap3A_371, %swap3A_372] {strides = array<i32>} : memref<128x16xf32, #tpu.memory_space<vmem>>, vector<16xf32>,
            tpu.vector_store %arg11[%swap3A_371, %swap3A_372], %mul3A_368 {strides = array<i32>} : memref<128x16xf32, #tpu.memory_space<vmem>>, vector<16xf32>,
            %add3A_374 = arith.addi %broadcast_in_dim3A_298, %broadcast_in_dim3A_13 : vector<16xi32>
            %gather3A_375 = tpu.vector_load_idx %arg9[%broadcast_in_dim3A_171, %add3A_374] : memref<112x128xf32, #tpu.memory_space<vmem>>[vector<16xi32>, vector<16xi32>], vector<16xf32>,
            %add3A_376 = arith.constant 6 : i32
            %add3A_377 = arith.addi %mul3A_297, %add3A_376 : i32
            %get3A_378 = arith.index_cast %add3A_377 : i32 to index
            %get3A_379 = arith.constant 0 : index
            %get3A_380 = tpu.vector_load %arg11[%get3A_378, %get3A_379] {strides = array<i32>} : memref<128x16xf32, #tpu.memory_space<vmem>>, vector<16xf32>,
            %mul3A_381 = arith.mulf %get3A_380, %gather3A_375 : vector<16xf32>
            %add3A_382 = arith.constant 6 : i32
            %add3A_383 = arith.addi %mul3A_297, %add3A_382 : i32
            %swap3A_384 = arith.index_cast %add3A_383 : i32 to index
            %swap3A_385 = arith.constant 0 : index
            %swap3A_386 = tpu.vector_load %arg11[%swap3A_384, %swap3A_385] {strides = array<i32>} : memref<128x16xf32, #tpu.memory_space<vmem>>, vector<16xf32>,
            tpu.vector_store %arg11[%swap3A_384, %swap3A_385], %mul3A_381 {strides = array<i32>} : memref<128x16xf32, #tpu.memory_space<vmem>>, vector<16xf32>,
            %add3A_387 = arith.addi %broadcast_in_dim3A_298, %broadcast_in_dim3A_15 : vector<16xi32>
            %gather3A_388 = tpu.vector_load_idx %arg9[%broadcast_in_dim3A_171, %add3A_387] : memref<112x128xf32, #tpu.memory_space<vmem>>[vector<16xi32>, vector<16xi32>], vector<16xf32>,
            %add3A_389 = arith.constant 7 : i32
            %add3A_390 = arith.addi %mul3A_297, %add3A_389 : i32
            %get3A_391 = arith.index_cast %add3A_390 : i32 to index
            %get3A_392 = arith.constant 0 : index
            %get3A_393 = tpu.vector_load %arg11[%get3A_391, %get3A_392] {strides = array<i32>} : memref<128x16xf32, #tpu.memory_space<vmem>>, vector<16xf32>,
            %mul3A_394 = arith.mulf %get3A_393, %gather3A_388 : vector<16xf32>
            %add3A_395 = arith.constant 7 : i32
            %add3A_396 = arith.addi %mul3A_297, %add3A_395 : i32
            %swap3A_397 = arith.index_cast %add3A_396 : i32 to index
            %swap3A_398 = arith.constant 0 : index
            %swap3A_399 = tpu.vector_load %arg11[%swap3A_397, %swap3A_398] {strides = array<i32>} : memref<128x16xf32, #tpu.memory_space<vmem>>, vector<16xf32>,
            tpu.vector_store %arg11[%swap3A_397, %swap3A_398], %mul3A_394 {strides = array<i32>} : memref<128x16xf32, #tpu.memory_space<vmem>>, vector<16xf32>,
            %add3A_400 = arith.addi %broadcast_in_dim3A_298, %broadcast_in_dim3A_17 : vector<16xi32>
            %gather3A_401 = tpu.vector_load_idx %arg9[%broadcast_in_dim3A_171, %add3A_400] : memref<112x128xf32, #tpu.memory_space<vmem>>[vector<16xi32>, vector<16xi32>], vector<16xf32>,
            %add3A_402 = arith.constant 8 : i32
            %add3A_403 = arith.addi %mul3A_297, %add3A_402 : i32
            %get3A_404 = arith.index_cast %add3A_403 : i32 to index
            %get3A_405 = arith.constant 0 : index
            %get3A_406 = tpu.vector_load %arg11[%get3A_404, %get3A_405] {strides = array<i32>} : memref<128x16xf32, #tpu.memory_space<vmem>>, vector<16xf32>,
            %mul3A_407 = arith.mulf %get3A_406, %gather3A_401 : vector<16xf32>
            %add3A_408 = arith.constant 8 : i32
            %add3A_409 = arith.addi %mul3A_297, %add3A_408 : i32
            %swap3A_410 = arith.index_cast %add3A_409 : i32 to index
            %swap3A_411 = arith.constant 0 : index
            %swap3A_412 = tpu.vector_load %arg11[%swap3A_410, %swap3A_411] {strides = array<i32>} : memref<128x16xf32, #tpu.memory_space<vmem>>, vector<16xf32>,
            tpu.vector_store %arg11[%swap3A_410, %swap3A_411], %mul3A_407 {strides = array<i32>} : memref<128x16xf32, #tpu.memory_space<vmem>>, vector<16xf32>,
            %add3A_413 = arith.addi %broadcast_in_dim3A_298, %broadcast_in_dim3A_19 : vector<16xi32>
            %gather3A_414 = tpu.vector_load_idx %arg9[%broadcast_in_dim3A_171, %add3A_413] : memref<112x128xf32, #tpu.memory_space<vmem>>[vector<16xi32>, vector<16xi32>], vector<16xf32>,
            %add3A_415 = arith.constant 9 : i32
            %add3A_416 = arith.addi %mul3A_297, %add3A_415 : i32
            %get3A_417 = arith.index_cast %add3A_416 : i32 to index
            %get3A_418 = arith.constant 0 : index
            %get3A_419 = tpu.vector_load %arg11[%get3A_417, %get3A_418] {strides = array<i32>} : memref<128x16xf32, #tpu.memory_space<vmem>>, vector<16xf32>,
            %mul3A_420 = arith.mulf %get3A_419, %gather3A_414 : vector<16xf32>
            %add3A_421 = arith.constant 9 : i32
            %add3A_422 = arith.addi %mul3A_297, %add3A_421 : i32
            %swap3A_423 = arith.index_cast %add3A_422 : i32 to index
            %swap3A_424 = arith.constant 0 : index
            %swap3A_425 = tpu.vector_load %arg11[%swap3A_423, %swap3A_424] {strides = array<i32>} : memref<128x16xf32, #tpu.memory_space<vmem>>, vector<16xf32>,
            tpu.vector_store %arg11[%swap3A_423, %swap3A_424], %mul3A_420 {strides = array<i32>} : memref<128x16xf32, #tpu.memory_space<vmem>>, vector<16xf32>,
            %add3A_426 = arith.addi %broadcast_in_dim3A_298, %broadcast_in_dim3A_21 : vector<16xi32>
            %gather3A_427 = tpu.vector_load_idx %arg9[%broadcast_in_dim3A_171, %add3A_426] : memref<112x128xf32, #tpu.memory_space<vmem>>[vector<16xi32>, vector<16xi32>], vector<16xf32>,
            %add3A_428 = arith.constant 10 : i32
            %add3A_429 = arith.addi %mul3A_297, %add3A_428 : i32
            %get3A_430 = arith.index_cast %add3A_429 : i32 to index
            %get3A_431 = arith.constant 0 : index
            %get3A_432 = tpu.vector_load %arg11[%get3A_430, %get3A_431] {strides = array<i32>} : memref<128x16xf32, #tpu.memory_space<vmem>>, vector<16xf32>,
            %mul3A_433 = arith.mulf %get3A_432, %gather3A_427 : vector<16xf32>
            %add3A_434 = arith.constant 10 : i32
            %add3A_435 = arith.addi %mul3A_297, %add3A_434 : i32
            %swap3A_436 = arith.index_cast %add3A_435 : i32 to index
            %swap3A_437 = arith.constant 0 : index
            %swap3A_438 = tpu.vector_load %arg11[%swap3A_436, %swap3A_437] {strides = array<i32>} : memref<128x16xf32, #tpu.memory_space<vmem>>, vector<16xf32>,
            tpu.vector_store %arg11[%swap3A_436, %swap3A_437], %mul3A_433 {strides = array<i32>} : memref<128x16xf32, #tpu.memory_space<vmem>>, vector<16xf32>,
            %add3A_439 = arith.addi %broadcast_in_dim3A_298, %broadcast_in_dim3A_23 : vector<16xi32>
            %gather3A_440 = tpu.vector_load_idx %arg9[%broadcast_in_dim3A_171, %add3A_439] : memref<112x128xf32, #tpu.memory_space<vmem>>[vector<16xi32>, vector<16xi32>], vector<16xf32>,
            %add3A_441 = arith.constant 11 : i32
            %add3A_442 = arith.addi %mul3A_297, %add3A_441 : i32
            %get3A_443 = arith.index_cast %add3A_442 : i32 to index
            %get3A_444 = arith.constant 0 : index
            %get3A_445 = tpu.vector_load %arg11[%get3A_443, %get3A_444] {strides = array<i32>} : memref<128x16xf32, #tpu.memory_space<vmem>>, vector<16xf32>,
            %mul3A_446 = arith.mulf %get3A_445, %gather3A_440 : vector<16xf32>
            %add3A_447 = arith.constant 11 : i32
            %add3A_448 = arith.addi %mul3A_297, %add3A_447 : i32
            %swap3A_449 = arith.index_cast %add3A_448 : i32 to index
            %swap3A_450 = arith.constant 0 : index
            %swap3A_451 = tpu.vector_load %arg11[%swap3A_449, %swap3A_450] {strides = array<i32>} : memref<128x16xf32, #tpu.memory_space<vmem>>, vector<16xf32>,
            tpu.vector_store %arg11[%swap3A_449, %swap3A_450], %mul3A_446 {strides = array<i32>} : memref<128x16xf32, #tpu.memory_space<vmem>>, vector<16xf32>,
            %add3A_452 = arith.addi %broadcast_in_dim3A_298, %broadcast_in_dim3A_25 : vector<16xi32>
            %gather3A_453 = tpu.vector_load_idx %arg9[%broadcast_in_dim3A_171, %add3A_452] : memref<112x128xf32, #tpu.memory_space<vmem>>[vector<16xi32>, vector<16xi32>], vector<16xf32>,
            %add3A_454 = arith.constant 12 : i32
            %add3A_455 = arith.addi %mul3A_297, %add3A_454 : i32
            %get3A_456 = arith.index_cast %add3A_455 : i32 to index
            %get3A_457 = arith.constant 0 : index
            %get3A_458 = tpu.vector_load %arg11[%get3A_456, %get3A_457] {strides = array<i32>} : memref<128x16xf32, #tpu.memory_space<vmem>>, vector<16xf32>,
            %mul3A_459 = arith.mulf %get3A_458, %gather3A_453 : vector<16xf32>
            %add3A_460 = arith.constant 12 : i32
            %add3A_461 = arith.addi %mul3A_297, %add3A_460 : i32
            %swap3A_462 = arith.index_cast %add3A_461 : i32 to index
            %swap3A_463 = arith.constant 0 : index
            %swap3A_464 = tpu.vector_load %arg11[%swap3A_462, %swap3A_463] {strides = array<i32>} : memref<128x16xf32, #tpu.memory_space<vmem>>, vector<16xf32>,
            tpu.vector_store %arg11[%swap3A_462, %swap3A_463], %mul3A_459 {strides = array<i32>} : memref<128x16xf32, #tpu.memory_space<vmem>>, vector<16xf32>,
            %add3A_465 = arith.addi %broadcast_in_dim3A_298, %broadcast_in_dim3A_27 : vector<16xi32>
            %gather3A_466 = tpu.vector_load_idx %arg9[%broadcast_in_dim3A_171, %add3A_465] : memref<112x128xf32, #tpu.memory_space<vmem>>[vector<16xi32>, vector<16xi32>], vector<16xf32>,
            %add3A_467 = arith.constant 13 : i32
            %add3A_468 = arith.addi %mul3A_297, %add3A_467 : i32
            %get3A_469 = arith.index_cast %add3A_468 : i32 to index
            %get3A_470 = arith.constant 0 : index
            %get3A_471 = tpu.vector_load %arg11[%get3A_469, %get3A_470] {strides = array<i32>} : memref<128x16xf32, #tpu.memory_space<vmem>>, vector<16xf32>,
            %mul3A_472 = arith.mulf %get3A_471, %gather3A_466 : vector<16xf32>
            %add3A_473 = arith.constant 13 : i32
            %add3A_474 = arith.addi %mul3A_297, %add3A_473 : i32
            %swap3A_475 = arith.index_cast %add3A_474 : i32 to index
            %swap3A_476 = arith.constant 0 : index
            %swap3A_477 = tpu.vector_load %arg11[%swap3A_475, %swap3A_476] {strides = array<i32>} : memref<128x16xf32, #tpu.memory_space<vmem>>, vector<16xf32>,
            tpu.vector_store %arg11[%swap3A_475, %swap3A_476], %mul3A_472 {strides = array<i32>} : memref<128x16xf32, #tpu.memory_space<vmem>>, vector<16xf32>,
            %add3A_478 = arith.addi %broadcast_in_dim3A_298, %broadcast_in_dim3A_29 : vector<16xi32>
            %gather3A_479 = tpu.vector_load_idx %arg9[%broadcast_in_dim3A_171, %add3A_478] : memref<112x128xf32, #tpu.memory_space<vmem>>[vector<16xi32>, vector<16xi32>], vector<16xf32>,
            %add3A_480 = arith.constant 14 : i32
            %add3A_481 = arith.addi %mul3A_297, %add3A_480 : i32
            %get3A_482 = arith.index_cast %add3A_481 : i32 to index
            %get3A_483 = arith.constant 0 : index
            %get3A_484 = tpu.vector_load %arg11[%get3A_482, %get3A_483] {strides = array<i32>} : memref<128x16xf32, #tpu.memory_space<vmem>>, vector<16xf32>,
            %mul3A_485 = arith.mulf %get3A_484, %gather3A_479 : vector<16xf32>
            %add3A_486 = arith.constant 14 : i32
            %add3A_487 = arith.addi %mul3A_297, %add3A_486 : i32
            %swap3A_488 = arith.index_cast %add3A_487 : i32 to index
            %swap3A_489 = arith.constant 0 : index
            %swap3A_490 = tpu.vector_load %arg11[%swap3A_488, %swap3A_489] {strides = array<i32>} : memref<128x16xf32, #tpu.memory_space<vmem>>, vector<16xf32>,
            tpu.vector_store %arg11[%swap3A_488, %swap3A_489], %mul3A_485 {strides = array<i32>} : memref<128x16xf32, #tpu.memory_space<vmem>>, vector<16xf32>,
            %add3A_491 = arith.addi %broadcast_in_dim3A_298, %broadcast_in_dim3A_31 : vector<16xi32>
            %gather3A_492 = tpu.vector_load_idx %arg9[%broadcast_in_dim3A_171, %add3A_491] : memref<112x128xf32, #tpu.memory_space<vmem>>[vector<16xi32>, vector<16xi32>], vector<16xf32>,
            %add3A_493 = arith.constant 15 : i32
            %add3A_494 = arith.addi %mul3A_297, %add3A_493 : i32
            %get3A_495 = arith.index_cast %add3A_494 : i32 to index
            %get3A_496 = arith.constant 0 : index
            %get3A_497 = tpu.vector_load %arg11[%get3A_495, %get3A_496] {strides = array<i32>} : memref<128x16xf32, #tpu.memory_space<vmem>>, vector<16xf32>,
            %mul3A_498 = arith.mulf %get3A_497, %gather3A_492 : vector<16xf32>
            %add3A_499 = arith.constant 15 : i32
            %add3A_500 = arith.addi %mul3A_297, %add3A_499 : i32
            %swap3A_501 = arith.index_cast %add3A_500 : i32 to index
            %swap3A_502 = arith.constant 0 : index
            %swap3A_503 = tpu.vector_load %arg11[%swap3A_501, %swap3A_502] {strides = array<i32>} : memref<128x16xf32, #tpu.memory_space<vmem>>, vector<16xf32>,
            tpu.vector_store %arg11[%swap3A_501, %swap3A_502], %mul3A_498 {strides = array<i32>} : memref<128x16xf32, #tpu.memory_space<vmem>>, vector<16xf32>,
          }
          %scan3A_176 = arith.constant 8 : i32
          %dma_start3A_177 = arith.constant 0 : i32
          %dma_start3A_178 = tpu.memref_slice %arg8[%add3A_164, %dma_start3A_177] : memref<112x128xi32, #tpu.memory_space<vmem>> -> memref<1x128xi32, #tpu.memory_space<vmem>>
          %dma_start3A_179 = tpu.memref_squeeze %dma_start3A_178 : memref<1x128xi32, #tpu.memory_space<vmem>> -> memref<128xi32, #tpu.memory_space<vmem>>
          %dma_start3A_180 = arith.constant 0 : i32
          %dma_start3A_181 = arith.constant 0 : i32
          %dma_start3A_182 = tpu.memref_slice %arg15[%dma_start3A_180, %dma_start3A_181] : memref<25088x16xf32, #tpu.memory_space<vmem_shared>> -> memref<25088x16xf32, #tpu.memory_space<vmem_shared>>
          %dma_start3A_183 = arith.constant -1 : i32
          tpu.enqueue_indirect_dma source(%arg11 : memref<128x16xf32, #tpu.memory_space<vmem>>) target(%dma_start3A_182 : memref<25088x16xf32, #tpu.memory_space<vmem_shared>>) offsets(%dma_start3A_179 : memref<128xi32, #tpu.memory_space<vmem>>) offset_filter(%dma_start3A_183) semaphore(%arg22 : memref<!tpu.dma_semaphore, #tpu.memory_space<semaphore_mem>>) {add = true}
          %add3A_184 = arith.constant 2 : i32
          %add3A_185 = arith.addi %mul3A_141, %add3A_184 : i32
          %dma_wait3A_186 = arith.constant 0 : i32
          %dma_wait3A_187 = tpu.memref_slice %arg7[%add3A_185, %dma_wait3A_186] : memref<112x128xi32, #tpu.memory_space<vmem>> -> memref<1x128xi32, #tpu.memory_space<vmem>>
          %dma_wait3A_188 = tpu.memref_squeeze %dma_wait3A_187 : memref<1x128xi32, #tpu.memory_space<vmem>> -> memref<128xi32, #tpu.memory_space<vmem>>
          %dma_wait3A_189 = arith.constant 0 : i32
          %dma_wait3A_190 = arith.constant 0 : i32
          %dma_wait3A_191 = tpu.memref_slice %arg2[%dma_wait3A_189, %dma_wait3A_190] : memref<100000x16xf32, #tpu.memory_space<hbm>> -> memref<100000x16xf32, #tpu.memory_space<hbm>>
          tpu.wait_indirect_dma semaphore(%arg19 : memref<!tpu.dma_semaphore, #tpu.memory_space<semaphore_mem>>) src(%dma_wait3A_191 : memref<100000x16xf32, #tpu.memory_space<hbm>>) dst(%arg12 : memref<128x16xf32, #tpu.memory_space<vmem>>)
          %broadcast_in_dim3A_192 = vector.broadcast %add3A_185 : i32 to vector<16xi32>
          %scan3A_193 = arith.constant 0 : i32
          %scan3A_194 = arith.constant 8 : i32
          %scan3A_195 = arith.addi %scan3A_193, %scan3A_194 : i32
          %scan3A_196 = arith.constant 1 : i32
          scf.for %scan3A_291 = %scan3A_193 to %scan3A_195 step %scan3A_196  : i32 {
            %mul3A_292 = arith.constant 1 : i32
            %mul3A_293 = arith.muli %scan3A_291, %mul3A_292 : i32
            %add3A_294 = arith.constant 0 : i32
            %add3A_295 = arith.addi %add3A_294, %mul3A_293 : i32
            %mul3A_296 = arith.constant 16 : i32
            %mul3A_297 = arith.muli %add3A_295, %mul3A_296 : i32
            %broadcast_in_dim3A_298 = vector.broadcast %mul3A_297 : i32 to vector<16xi32>
            %add3A_299 = arith.addi %broadcast_in_dim3A_298, %broadcast_in_dim3A_1 : vector<16xi32>
            %gather3A = tpu.vector_load_idx %arg9[%broadcast_in_dim3A_192, %add3A_299] : memref<112x128xf32, #tpu.memory_space<vmem>>[vector<16xi32>, vector<16xi32>], vector<16xf32>,
            %add3A_300 = arith.constant 0 : i32
            %add3A_301 = arith.addi %mul3A_297, %add3A_300 : i32
            %get3A = arith.index_cast %add3A_301 : i32 to index
            %get3A_302 = arith.constant 0 : index
            %get3A_303 = tpu.vector_load %arg12[%get3A, %get3A_302] {strides = array<i32>} : memref<128x16xf32, #tpu.memory_space<vmem>>, vector<16xf32>,
            %mul3A_304 = arith.mulf %get3A_303, %gather3A : vector<16xf32>
            %add3A_305 = arith.constant 0 : i32
            %add3A_306 = arith.addi %mul3A_297, %add3A_305 : i32
            %swap3A = arith.index_cast %add3A_306 : i32 to index
            %swap3A_307 = arith.constant 0 : index
            %swap3A_308 = tpu.vector_load %arg12[%swap3A, %swap3A_307] {strides = array<i32>} : memref<128x16xf32, #tpu.memory_space<vmem>>, vector<16xf32>,
            tpu.vector_store %arg12[%swap3A, %swap3A_307], %mul3A_304 {strides = array<i32>} : memref<128x16xf32, #tpu.memory_space<vmem>>, vector<16xf32>,
            %add3A_309 = arith.addi %broadcast_in_dim3A_298, %broadcast_in_dim3A_3 : vector<16xi32>
            %gather3A_310 = tpu.vector_load_idx %arg9[%broadcast_in_dim3A_192, %add3A_309] : memref<112x128xf32, #tpu.memory_space<vmem>>[vector<16xi32>, vector<16xi32>], vector<16xf32>,
            %add3A_311 = arith.constant 1 : i32
            %add3A_312 = arith.addi %mul3A_297, %add3A_311 : i32
            %get3A_313 = arith.index_cast %add3A_312 : i32 to index
            %get3A_314 = arith.constant 0 : index
            %get3A_315 = tpu.vector_load %arg12[%get3A_313, %get3A_314] {strides = array<i32>} : memref<128x16xf32, #tpu.memory_space<vmem>>, vector<16xf32>,
            %mul3A_316 = arith.mulf %get3A_315, %gather3A_310 : vector<16xf32>
            %add3A_317 = arith.constant 1 : i32
            %add3A_318 = arith.addi %mul3A_297, %add3A_317 : i32
            %swap3A_319 = arith.index_cast %add3A_318 : i32 to index
            %swap3A_320 = arith.constant 0 : index
            %swap3A_321 = tpu.vector_load %arg12[%swap3A_319, %swap3A_320] {strides = array<i32>} : memref<128x16xf32, #tpu.memory_space<vmem>>, vector<16xf32>,
            tpu.vector_store %arg12[%swap3A_319, %swap3A_320], %mul3A_316 {strides = array<i32>} : memref<128x16xf32, #tpu.memory_space<vmem>>, vector<16xf32>,
            %add3A_322 = arith.addi %broadcast_in_dim3A_298, %broadcast_in_dim3A_5 : vector<16xi32>
            %gather3A_323 = tpu.vector_load_idx %arg9[%broadcast_in_dim3A_192, %add3A_322] : memref<112x128xf32, #tpu.memory_space<vmem>>[vector<16xi32>, vector<16xi32>], vector<16xf32>,
            %add3A_324 = arith.constant 2 : i32
            %add3A_325 = arith.addi %mul3A_297, %add3A_324 : i32
            %get3A_326 = arith.index_cast %add3A_325 : i32 to index
            %get3A_327 = arith.constant 0 : index
            %get3A_328 = tpu.vector_load %arg12[%get3A_326, %get3A_327] {strides = array<i32>} : memref<128x16xf32, #tpu.memory_space<vmem>>, vector<16xf32>,
            %mul3A_329 = arith.mulf %get3A_328, %gather3A_323 : vector<16xf32>
            %add3A_330 = arith.constant 2 : i32
            %add3A_331 = arith.addi %mul3A_297, %add3A_330 : i32
            %swap3A_332 = arith.index_cast %add3A_331 : i32 to index
            %swap3A_333 = arith.constant 0 : index
            %swap3A_334 = tpu.vector_load %arg12[%swap3A_332, %swap3A_333] {strides = array<i32>} : memref<128x16xf32, #tpu.memory_space<vmem>>, vector<16xf32>,
            tpu.vector_store %arg12[%swap3A_332, %swap3A_333], %mul3A_329 {strides = array<i32>} : memref<128x16xf32, #tpu.memory_space<vmem>>, vector<16xf32>,
            %add3A_335 = arith.addi %broadcast_in_dim3A_298, %broadcast_in_dim3A_7 : vector<16xi32>
            %gather3A_336 = tpu.vector_load_idx %arg9[%broadcast_in_dim3A_192, %add3A_335] : memref<112x128xf32, #tpu.memory_space<vmem>>[vector<16xi32>, vector<16xi32>], vector<16xf32>,
            %add3A_337 = arith.constant 3 : i32
            %add3A_338 = arith.addi %mul3A_297, %add3A_337 : i32
            %get3A_339 = arith.index_cast %add3A_338 : i32 to index
            %get3A_340 = arith.constant 0 : index
            %get3A_341 = tpu.vector_load %arg12[%get3A_339, %get3A_340] {strides = array<i32>} : memref<128x16xf32, #tpu.memory_space<vmem>>, vector<16xf32>,
            %mul3A_342 = arith.mulf %get3A_341, %gather3A_336 : vector<16xf32>
            %add3A_343 = arith.constant 3 : i32
            %add3A_344 = arith.addi %mul3A_297, %add3A_343 : i32
            %swap3A_345 = arith.index_cast %add3A_344 : i32 to index
            %swap3A_346 = arith.constant 0 : index
            %swap3A_347 = tpu.vector_load %arg12[%swap3A_345, %swap3A_346] {strides = array<i32>} : memref<128x16xf32, #tpu.memory_space<vmem>>, vector<16xf32>,
            tpu.vector_store %arg12[%swap3A_345, %swap3A_346], %mul3A_342 {strides = array<i32>} : memref<128x16xf32, #tpu.memory_space<vmem>>, vector<16xf32>,
            %add3A_348 = arith.addi %broadcast_in_dim3A_298, %broadcast_in_dim3A_9 : vector<16xi32>
            %gather3A_349 = tpu.vector_load_idx %arg9[%broadcast_in_dim3A_192, %add3A_348] : memref<112x128xf32, #tpu.memory_space<vmem>>[vector<16xi32>, vector<16xi32>], vector<16xf32>,
            %add3A_350 = arith.constant 4 : i32
            %add3A_351 = arith.addi %mul3A_297, %add3A_350 : i32
            %get3A_352 = arith.index_cast %add3A_351 : i32 to index
            %get3A_353 = arith.constant 0 : index
            %get3A_354 = tpu.vector_load %arg12[%get3A_352, %get3A_353] {strides = array<i32>} : memref<128x16xf32, #tpu.memory_space<vmem>>, vector<16xf32>,
            %mul3A_355 = arith.mulf %get3A_354, %gather3A_349 : vector<16xf32>
            %add3A_356 = arith.constant 4 : i32
            %add3A_357 = arith.addi %mul3A_297, %add3A_356 : i32
            %swap3A_358 = arith.index_cast %add3A_357 : i32 to index
            %swap3A_359 = arith.constant 0 : index
            %swap3A_360 = tpu.vector_load %arg12[%swap3A_358, %swap3A_359] {strides = array<i32>} : memref<128x16xf32, #tpu.memory_space<vmem>>, vector<16xf32>,
            tpu.vector_store %arg12[%swap3A_358, %swap3A_359], %mul3A_355 {strides = array<i32>} : memref<128x16xf32, #tpu.memory_space<vmem>>, vector<16xf32>,
            %add3A_361 = arith.addi %broadcast_in_dim3A_298, %broadcast_in_dim3A_11 : vector<16xi32>
            %gather3A_362 = tpu.vector_load_idx %arg9[%broadcast_in_dim3A_192, %add3A_361] : memref<112x128xf32, #tpu.memory_space<vmem>>[vector<16xi32>, vector<16xi32>], vector<16xf32>,
            %add3A_363 = arith.constant 5 : i32
            %add3A_364 = arith.addi %mul3A_297, %add3A_363 : i32
            %get3A_365 = arith.index_cast %add3A_364 : i32 to index
            %get3A_366 = arith.constant 0 : index
            %get3A_367 = tpu.vector_load %arg12[%get3A_365, %get3A_366] {strides = array<i32>} : memref<128x16xf32, #tpu.memory_space<vmem>>, vector<16xf32>,
            %mul3A_368 = arith.mulf %get3A_367, %gather3A_362 : vector<16xf32>
            %add3A_369 = arith.constant 5 : i32
            %add3A_370 = arith.addi %mul3A_297, %add3A_369 : i32
            %swap3A_371 = arith.index_cast %add3A_370 : i32 to index
            %swap3A_372 = arith.constant 0 : index
            %swap3A_373 = tpu.vector_load %arg12[%swap3A_371, %swap3A_372] {strides = array<i32>} : memref<128x16xf32, #tpu.memory_space<vmem>>, vector<16xf32>,
            tpu.vector_store %arg12[%swap3A_371, %swap3A_372], %mul3A_368 {strides = array<i32>} : memref<128x16xf32, #tpu.memory_space<vmem>>, vector<16xf32>,
            %add3A_374 = arith.addi %broadcast_in_dim3A_298, %broadcast_in_dim3A_13 : vector<16xi32>
            %gather3A_375 = tpu.vector_load_idx %arg9[%broadcast_in_dim3A_192, %add3A_374] : memref<112x128xf32, #tpu.memory_space<vmem>>[vector<16xi32>, vector<16xi32>], vector<16xf32>,
            %add3A_376 = arith.constant 6 : i32
            %add3A_377 = arith.addi %mul3A_297, %add3A_376 : i32
            %get3A_378 = arith.index_cast %add3A_377 : i32 to index
            %get3A_379 = arith.constant 0 : index
            %get3A_380 = tpu.vector_load %arg12[%get3A_378, %get3A_379] {strides = array<i32>} : memref<128x16xf32, #tpu.memory_space<vmem>>, vector<16xf32>,
            %mul3A_381 = arith.mulf %get3A_380, %gather3A_375 : vector<16xf32>
            %add3A_382 = arith.constant 6 : i32
            %add3A_383 = arith.addi %mul3A_297, %add3A_382 : i32
            %swap3A_384 = arith.index_cast %add3A_383 : i32 to index
            %swap3A_385 = arith.constant 0 : index
            %swap3A_386 = tpu.vector_load %arg12[%swap3A_384, %swap3A_385] {strides = array<i32>} : memref<128x16xf32, #tpu.memory_space<vmem>>, vector<16xf32>,
            tpu.vector_store %arg12[%swap3A_384, %swap3A_385], %mul3A_381 {strides = array<i32>} : memref<128x16xf32, #tpu.memory_space<vmem>>, vector<16xf32>,
            %add3A_387 = arith.addi %broadcast_in_dim3A_298, %broadcast_in_dim3A_15 : vector<16xi32>
            %gather3A_388 = tpu.vector_load_idx %arg9[%broadcast_in_dim3A_192, %add3A_387] : memref<112x128xf32, #tpu.memory_space<vmem>>[vector<16xi32>, vector<16xi32>], vector<16xf32>,
            %add3A_389 = arith.constant 7 : i32
            %add3A_390 = arith.addi %mul3A_297, %add3A_389 : i32
            %get3A_391 = arith.index_cast %add3A_390 : i32 to index
            %get3A_392 = arith.constant 0 : index
            %get3A_393 = tpu.vector_load %arg12[%get3A_391, %get3A_392] {strides = array<i32>} : memref<128x16xf32, #tpu.memory_space<vmem>>, vector<16xf32>,
            %mul3A_394 = arith.mulf %get3A_393, %gather3A_388 : vector<16xf32>
            %add3A_395 = arith.constant 7 : i32
            %add3A_396 = arith.addi %mul3A_297, %add3A_395 : i32
            %swap3A_397 = arith.index_cast %add3A_396 : i32 to index
            %swap3A_398 = arith.constant 0 : index
            %swap3A_399 = tpu.vector_load %arg12[%swap3A_397, %swap3A_398] {strides = array<i32>} : memref<128x16xf32, #tpu.memory_space<vmem>>, vector<16xf32>,
            tpu.vector_store %arg12[%swap3A_397, %swap3A_398], %mul3A_394 {strides = array<i32>} : memref<128x16xf32, #tpu.memory_space<vmem>>, vector<16xf32>,
            %add3A_400 = arith.addi %broadcast_in_dim3A_298, %broadcast_in_dim3A_17 : vector<16xi32>
            %gather3A_401 = tpu.vector_load_idx %arg9[%broadcast_in_dim3A_192, %add3A_400] : memref<112x128xf32, #tpu.memory_space<vmem>>[vector<16xi32>, vector<16xi32>], vector<16xf32>,
            %add3A_402 = arith.constant 8 : i32
            %add3A_403 = arith.addi %mul3A_297, %add3A_402 : i32
            %get3A_404 = arith.index_cast %add3A_403 : i32 to index
            %get3A_405 = arith.constant 0 : index
            %get3A_406 = tpu.vector_load %arg12[%get3A_404, %get3A_405] {strides = array<i32>} : memref<128x16xf32, #tpu.memory_space<vmem>>, vector<16xf32>,
            %mul3A_407 = arith.mulf %get3A_406, %gather3A_401 : vector<16xf32>
            %add3A_408 = arith.constant 8 : i32
            %add3A_409 = arith.addi %mul3A_297, %add3A_408 : i32
            %swap3A_410 = arith.index_cast %add3A_409 : i32 to index
            %swap3A_411 = arith.constant 0 : index
            %swap3A_412 = tpu.vector_load %arg12[%swap3A_410, %swap3A_411] {strides = array<i32>} : memref<128x16xf32, #tpu.memory_space<vmem>>, vector<16xf32>,
            tpu.vector_store %arg12[%swap3A_410, %swap3A_411], %mul3A_407 {strides = array<i32>} : memref<128x16xf32, #tpu.memory_space<vmem>>, vector<16xf32>,
            %add3A_413 = arith.addi %broadcast_in_dim3A_298, %broadcast_in_dim3A_19 : vector<16xi32>
            %gather3A_414 = tpu.vector_load_idx %arg9[%broadcast_in_dim3A_192, %add3A_413] : memref<112x128xf32, #tpu.memory_space<vmem>>[vector<16xi32>, vector<16xi32>], vector<16xf32>,
            %add3A_415 = arith.constant 9 : i32
            %add3A_416 = arith.addi %mul3A_297, %add3A_415 : i32
            %get3A_417 = arith.index_cast %add3A_416 : i32 to index
            %get3A_418 = arith.constant 0 : index
            %get3A_419 = tpu.vector_load %arg12[%get3A_417, %get3A_418] {strides = array<i32>} : memref<128x16xf32, #tpu.memory_space<vmem>>, vector<16xf32>,
            %mul3A_420 = arith.mulf %get3A_419, %gather3A_414 : vector<16xf32>
            %add3A_421 = arith.constant 9 : i32
            %add3A_422 = arith.addi %mul3A_297, %add3A_421 : i32
            %swap3A_423 = arith.index_cast %add3A_422 : i32 to index
            %swap3A_424 = arith.constant 0 : index
            %swap3A_425 = tpu.vector_load %arg12[%swap3A_423, %swap3A_424] {strides = array<i32>} : memref<128x16xf32, #tpu.memory_space<vmem>>, vector<16xf32>,
            tpu.vector_store %arg12[%swap3A_423, %swap3A_424], %mul3A_420 {strides = array<i32>} : memref<128x16xf32, #tpu.memory_space<vmem>>, vector<16xf32>,
            %add3A_426 = arith.addi %broadcast_in_dim3A_298, %broadcast_in_dim3A_21 : vector<16xi32>
            %gather3A_427 = tpu.vector_load_idx %arg9[%broadcast_in_dim3A_192, %add3A_426] : memref<112x128xf32, #tpu.memory_space<vmem>>[vector<16xi32>, vector<16xi32>], vector<16xf32>,
            %add3A_428 = arith.constant 10 : i32
            %add3A_429 = arith.addi %mul3A_297, %add3A_428 : i32
            %get3A_430 = arith.index_cast %add3A_429 : i32 to index
            %get3A_431 = arith.constant 0 : index
            %get3A_432 = tpu.vector_load %arg12[%get3A_430, %get3A_431] {strides = array<i32>} : memref<128x16xf32, #tpu.memory_space<vmem>>, vector<16xf32>,
            %mul3A_433 = arith.mulf %get3A_432, %gather3A_427 : vector<16xf32>
            %add3A_434 = arith.constant 10 : i32
            %add3A_435 = arith.addi %mul3A_297, %add3A_434 : i32
            %swap3A_436 = arith.index_cast %add3A_435 : i32 to index
            %swap3A_437 = arith.constant 0 : index
            %swap3A_438 = tpu.vector_load %arg12[%swap3A_436, %swap3A_437] {strides = array<i32>} : memref<128x16xf32, #tpu.memory_space<vmem>>, vector<16xf32>,
            tpu.vector_store %arg12[%swap3A_436, %swap3A_437], %mul3A_433 {strides = array<i32>} : memref<128x16xf32, #tpu.memory_space<vmem>>, vector<16xf32>,
            %add3A_439 = arith.addi %broadcast_in_dim3A_298, %broadcast_in_dim3A_23 : vector<16xi32>
            %gather3A_440 = tpu.vector_load_idx %arg9[%broadcast_in_dim3A_192, %add3A_439] : memref<112x128xf32, #tpu.memory_space<vmem>>[vector<16xi32>, vector<16xi32>], vector<16xf32>,
            %add3A_441 = arith.constant 11 : i32
            %add3A_442 = arith.addi %mul3A_297, %add3A_441 : i32
            %get3A_443 = arith.index_cast %add3A_442 : i32 to index
            %get3A_444 = arith.constant 0 : index
            %get3A_445 = tpu.vector_load %arg12[%get3A_443, %get3A_444] {strides = array<i32>} : memref<128x16xf32, #tpu.memory_space<vmem>>, vector<16xf32>,
            %mul3A_446 = arith.mulf %get3A_445, %gather3A_440 : vector<16xf32>
            %add3A_447 = arith.constant 11 : i32
            %add3A_448 = arith.addi %mul3A_297, %add3A_447 : i32
            %swap3A_449 = arith.index_cast %add3A_448 : i32 to index
            %swap3A_450 = arith.constant 0 : index
            %swap3A_451 = tpu.vector_load %arg12[%swap3A_449, %swap3A_450] {strides = array<i32>} : memref<128x16xf32, #tpu.memory_space<vmem>>, vector<16xf32>,
            tpu.vector_store %arg12[%swap3A_449, %swap3A_450], %mul3A_446 {strides = array<i32>} : memref<128x16xf32, #tpu.memory_space<vmem>>, vector<16xf32>,
            %add3A_452 = arith.addi %broadcast_in_dim3A_298, %broadcast_in_dim3A_25 : vector<16xi32>
            %gather3A_453 = tpu.vector_load_idx %arg9[%broadcast_in_dim3A_192, %add3A_452] : memref<112x128xf32, #tpu.memory_space<vmem>>[vector<16xi32>, vector<16xi32>], vector<16xf32>,
            %add3A_454 = arith.constant 12 : i32
            %add3A_455 = arith.addi %mul3A_297, %add3A_454 : i32
            %get3A_456 = arith.index_cast %add3A_455 : i32 to index
            %get3A_457 = arith.constant 0 : index
            %get3A_458 = tpu.vector_load %arg12[%get3A_456, %get3A_457] {strides = array<i32>} : memref<128x16xf32, #tpu.memory_space<vmem>>, vector<16xf32>,
            %mul3A_459 = arith.mulf %get3A_458, %gather3A_453 : vector<16xf32>
            %add3A_460 = arith.constant 12 : i32
            %add3A_461 = arith.addi %mul3A_297, %add3A_460 : i32
            %swap3A_462 = arith.index_cast %add3A_461 : i32 to index
            %swap3A_463 = arith.constant 0 : index
            %swap3A_464 = tpu.vector_load %arg12[%swap3A_462, %swap3A_463] {strides = array<i32>} : memref<128x16xf32, #tpu.memory_space<vmem>>, vector<16xf32>,
            tpu.vector_store %arg12[%swap3A_462, %swap3A_463], %mul3A_459 {strides = array<i32>} : memref<128x16xf32, #tpu.memory_space<vmem>>, vector<16xf32>,
            %add3A_465 = arith.addi %broadcast_in_dim3A_298, %broadcast_in_dim3A_27 : vector<16xi32>
            %gather3A_466 = tpu.vector_load_idx %arg9[%broadcast_in_dim3A_192, %add3A_465] : memref<112x128xf32, #tpu.memory_space<vmem>>[vector<16xi32>, vector<16xi32>], vector<16xf32>,
            %add3A_467 = arith.constant 13 : i32
            %add3A_468 = arith.addi %mul3A_297, %add3A_467 : i32
            %get3A_469 = arith.index_cast %add3A_468 : i32 to index
            %get3A_470 = arith.constant 0 : index
            %get3A_471 = tpu.vector_load %arg12[%get3A_469, %get3A_470] {strides = array<i32>} : memref<128x16xf32, #tpu.memory_space<vmem>>, vector<16xf32>,
            %mul3A_472 = arith.mulf %get3A_471, %gather3A_466 : vector<16xf32>
            %add3A_473 = arith.constant 13 : i32
            %add3A_474 = arith.addi %mul3A_297, %add3A_473 : i32
            %swap3A_475 = arith.index_cast %add3A_474 : i32 to index
            %swap3A_476 = arith.constant 0 : index
            %swap3A_477 = tpu.vector_load %arg12[%swap3A_475, %swap3A_476] {strides = array<i32>} : memref<128x16xf32, #tpu.memory_space<vmem>>, vector<16xf32>,
            tpu.vector_store %arg12[%swap3A_475, %swap3A_476], %mul3A_472 {strides = array<i32>} : memref<128x16xf32, #tpu.memory_space<vmem>>, vector<16xf32>,
            %add3A_478 = arith.addi %broadcast_in_dim3A_298, %broadcast_in_dim3A_29 : vector<16xi32>
            %gather3A_479 = tpu.vector_load_idx %arg9[%broadcast_in_dim3A_192, %add3A_478] : memref<112x128xf32, #tpu.memory_space<vmem>>[vector<16xi32>, vector<16xi32>], vector<16xf32>,
            %add3A_480 = arith.constant 14 : i32
            %add3A_481 = arith.addi %mul3A_297, %add3A_480 : i32
            %get3A_482 = arith.index_cast %add3A_481 : i32 to index
            %get3A_483 = arith.constant 0 : index
            %get3A_484 = tpu.vector_load %arg12[%get3A_482, %get3A_483] {strides = array<i32>} : memref<128x16xf32, #tpu.memory_space<vmem>>, vector<16xf32>,
            %mul3A_485 = arith.mulf %get3A_484, %gather3A_479 : vector<16xf32>
            %add3A_486 = arith.constant 14 : i32
            %add3A_487 = arith.addi %mul3A_297, %add3A_486 : i32
            %swap3A_488 = arith.index_cast %add3A_487 : i32 to index
            %swap3A_489 = arith.constant 0 : index
            %swap3A_490 = tpu.vector_load %arg12[%swap3A_488, %swap3A_489] {strides = array<i32>} : memref<128x16xf32, #tpu.memory_space<vmem>>, vector<16xf32>,
            tpu.vector_store %arg12[%swap3A_488, %swap3A_489], %mul3A_485 {strides = array<i32>} : memref<128x16xf32, #tpu.memory_space<vmem>>, vector<16xf32>,
            %add3A_491 = arith.addi %broadcast_in_dim3A_298, %broadcast_in_dim3A_31 : vector<16xi32>
            %gather3A_492 = tpu.vector_load_idx %arg9[%broadcast_in_dim3A_192, %add3A_491] : memref<112x128xf32, #tpu.memory_space<vmem>>[vector<16xi32>, vector<16xi32>], vector<16xf32>,
            %add3A_493 = arith.constant 15 : i32
            %add3A_494 = arith.addi %mul3A_297, %add3A_493 : i32
            %get3A_495 = arith.index_cast %add3A_494 : i32 to index
            %get3A_496 = arith.constant 0 : index
            %get3A_497 = tpu.vector_load %arg12[%get3A_495, %get3A_496] {strides = array<i32>} : memref<128x16xf32, #tpu.memory_space<vmem>>, vector<16xf32>,
            %mul3A_498 = arith.mulf %get3A_497, %gather3A_492 : vector<16xf32>
            %add3A_499 = arith.constant 15 : i32
            %add3A_500 = arith.addi %mul3A_297, %add3A_499 : i32
            %swap3A_501 = arith.index_cast %add3A_500 : i32 to index
            %swap3A_502 = arith.constant 0 : index
            %swap3A_503 = tpu.vector_load %arg12[%swap3A_501, %swap3A_502] {strides = array<i32>} : memref<128x16xf32, #tpu.memory_space<vmem>>, vector<16xf32>,
            tpu.vector_store %arg12[%swap3A_501, %swap3A_502], %mul3A_498 {strides = array<i32>} : memref<128x16xf32, #tpu.memory_space<vmem>>, vector<16xf32>,
          }
          %scan3A_197 = arith.constant 8 : i32
          %dma_start3A_198 = arith.constant 0 : i32
          %dma_start3A_199 = tpu.memref_slice %arg8[%add3A_185, %dma_start3A_198] : memref<112x128xi32, #tpu.memory_space<vmem>> -> memref<1x128xi32, #tpu.memory_space<vmem>>
          %dma_start3A_200 = tpu.memref_squeeze %dma_start3A_199 : memref<1x128xi32, #tpu.memory_space<vmem>> -> memref<128xi32, #tpu.memory_space<vmem>>
          %dma_start3A_201 = arith.constant 0 : i32
          %dma_start3A_202 = arith.constant 0 : i32
          %dma_start3A_203 = tpu.memref_slice %arg15[%dma_start3A_201, %dma_start3A_202] : memref<25088x16xf32, #tpu.memory_space<vmem_shared>> -> memref<25088x16xf32, #tpu.memory_space<vmem_shared>>
          %dma_start3A_204 = arith.constant -1 : i32
          tpu.enqueue_indirect_dma source(%arg12 : memref<128x16xf32, #tpu.memory_space<vmem>>) target(%dma_start3A_203 : memref<25088x16xf32, #tpu.memory_space<vmem_shared>>) offsets(%dma_start3A_200 : memref<128xi32, #tpu.memory_space<vmem>>) offset_filter(%dma_start3A_204) semaphore(%arg23 : memref<!tpu.dma_semaphore, #tpu.memory_space<semaphore_mem>>) {add = true}
          %add3A_205 = arith.constant 3 : i32
          %add3A_206 = arith.addi %mul3A_141, %add3A_205 : i32
          %dma_wait3A_207 = arith.constant 0 : i32
          %dma_wait3A_208 = tpu.memref_slice %arg7[%add3A_206, %dma_wait3A_207] : memref<112x128xi32, #tpu.memory_space<vmem>> -> memref<1x128xi32, #tpu.memory_space<vmem>>
          %dma_wait3A_209 = tpu.memref_squeeze %dma_wait3A_208 : memref<1x128xi32, #tpu.memory_space<vmem>> -> memref<128xi32, #tpu.memory_space<vmem>>
          %dma_wait3A_210 = arith.constant 0 : i32
          %dma_wait3A_211 = arith.constant 0 : i32
          %dma_wait3A_212 = tpu.memref_slice %arg2[%dma_wait3A_210, %dma_wait3A_211] : memref<100000x16xf32, #tpu.memory_space<hbm>> -> memref<100000x16xf32, #tpu.memory_space<hbm>>
          tpu.wait_indirect_dma semaphore(%arg20 : memref<!tpu.dma_semaphore, #tpu.memory_space<semaphore_mem>>) src(%dma_wait3A_212 : memref<100000x16xf32, #tpu.memory_space<hbm>>) dst(%arg13 : memref<128x16xf32, #tpu.memory_space<vmem>>)
          %broadcast_in_dim3A_213 = vector.broadcast %add3A_206 : i32 to vector<16xi32>
          %scan3A_214 = arith.constant 0 : i32
          %scan3A_215 = arith.constant 8 : i32
          %scan3A_216 = arith.addi %scan3A_214, %scan3A_215 : i32
          %scan3A_217 = arith.constant 1 : i32
          scf.for %scan3A_291 = %scan3A_214 to %scan3A_216 step %scan3A_217  : i32 {
            %mul3A_292 = arith.constant 1 : i32
            %mul3A_293 = arith.muli %scan3A_291, %mul3A_292 : i32
            %add3A_294 = arith.constant 0 : i32
            %add3A_295 = arith.addi %add3A_294, %mul3A_293 : i32
            %mul3A_296 = arith.constant 16 : i32
            %mul3A_297 = arith.muli %add3A_295, %mul3A_296 : i32
            %broadcast_in_dim3A_298 = vector.broadcast %mul3A_297 : i32 to vector<16xi32>
            %add3A_299 = arith.addi %broadcast_in_dim3A_298, %broadcast_in_dim3A_1 : vector<16xi32>
            %gather3A = tpu.vector_load_idx %arg9[%broadcast_in_dim3A_213, %add3A_299] : memref<112x128xf32, #tpu.memory_space<vmem>>[vector<16xi32>, vector<16xi32>], vector<16xf32>,
            %add3A_300 = arith.constant 0 : i32
            %add3A_301 = arith.addi %mul3A_297, %add3A_300 : i32
            %get3A = arith.index_cast %add3A_301 : i32 to index
            %get3A_302 = arith.constant 0 : index
            %get3A_303 = tpu.vector_load %arg13[%get3A, %get3A_302] {strides = array<i32>} : memref<128x16xf32, #tpu.memory_space<vmem>>, vector<16xf32>,
            %mul3A_304 = arith.mulf %get3A_303, %gather3A : vector<16xf32>
            %add3A_305 = arith.constant 0 : i32
            %add3A_306 = arith.addi %mul3A_297, %add3A_305 : i32
            %swap3A = arith.index_cast %add3A_306 : i32 to index
            %swap3A_307 = arith.constant 0 : index
            %swap3A_308 = tpu.vector_load %arg13[%swap3A, %swap3A_307] {strides = array<i32>} : memref<128x16xf32, #tpu.memory_space<vmem>>, vector<16xf32>,
            tpu.vector_store %arg13[%swap3A, %swap3A_307], %mul3A_304 {strides = array<i32>} : memref<128x16xf32, #tpu.memory_space<vmem>>, vector<16xf32>,
            %add3A_309 = arith.addi %broadcast_in_dim3A_298, %broadcast_in_dim3A_3 : vector<16xi32>
            %gather3A_310 = tpu.vector_load_idx %arg9[%broadcast_in_dim3A_213, %add3A_309] : memref<112x128xf32, #tpu.memory_space<vmem>>[vector<16xi32>, vector<16xi32>], vector<16xf32>,
            %add3A_311 = arith.constant 1 : i32
            %add3A_312 = arith.addi %mul3A_297, %add3A_311 : i32
            %get3A_313 = arith.index_cast %add3A_312 : i32 to index
            %get3A_314 = arith.constant 0 : index
            %get3A_315 = tpu.vector_load %arg13[%get3A_313, %get3A_314] {strides = array<i32>} : memref<128x16xf32, #tpu.memory_space<vmem>>, vector<16xf32>,
            %mul3A_316 = arith.mulf %get3A_315, %gather3A_310 : vector<16xf32>
            %add3A_317 = arith.constant 1 : i32
            %add3A_318 = arith.addi %mul3A_297, %add3A_317 : i32
            %swap3A_319 = arith.index_cast %add3A_318 : i32 to index
            %swap3A_320 = arith.constant 0 : index
            %swap3A_321 = tpu.vector_load %arg13[%swap3A_319, %swap3A_320] {strides = array<i32>} : memref<128x16xf32, #tpu.memory_space<vmem>>, vector<16xf32>,
            tpu.vector_store %arg13[%swap3A_319, %swap3A_320], %mul3A_316 {strides = array<i32>} : memref<128x16xf32, #tpu.memory_space<vmem>>, vector<16xf32>,
            %add3A_322 = arith.addi %broadcast_in_dim3A_298, %broadcast_in_dim3A_5 : vector<16xi32>
            %gather3A_323 = tpu.vector_load_idx %arg9[%broadcast_in_dim3A_213, %add3A_322] : memref<112x128xf32, #tpu.memory_space<vmem>>[vector<16xi32>, vector<16xi32>], vector<16xf32>,
            %add3A_324 = arith.constant 2 : i32
            %add3A_325 = arith.addi %mul3A_297, %add3A_324 : i32
            %get3A_326 = arith.index_cast %add3A_325 : i32 to index
            %get3A_327 = arith.constant 0 : index
            %get3A_328 = tpu.vector_load %arg13[%get3A_326, %get3A_327] {strides = array<i32>} : memref<128x16xf32, #tpu.memory_space<vmem>>, vector<16xf32>,
            %mul3A_329 = arith.mulf %get3A_328, %gather3A_323 : vector<16xf32>
            %add3A_330 = arith.constant 2 : i32
            %add3A_331 = arith.addi %mul3A_297, %add3A_330 : i32
            %swap3A_332 = arith.index_cast %add3A_331 : i32 to index
            %swap3A_333 = arith.constant 0 : index
            %swap3A_334 = tpu.vector_load %arg13[%swap3A_332, %swap3A_333] {strides = array<i32>} : memref<128x16xf32, #tpu.memory_space<vmem>>, vector<16xf32>,
            tpu.vector_store %arg13[%swap3A_332, %swap3A_333], %mul3A_329 {strides = array<i32>} : memref<128x16xf32, #tpu.memory_space<vmem>>, vector<16xf32>,
            %add3A_335 = arith.addi %broadcast_in_dim3A_298, %broadcast_in_dim3A_7 : vector<16xi32>
            %gather3A_336 = tpu.vector_load_idx %arg9[%broadcast_in_dim3A_213, %add3A_335] : memref<112x128xf32, #tpu.memory_space<vmem>>[vector<16xi32>, vector<16xi32>], vector<16xf32>,
            %add3A_337 = arith.constant 3 : i32
            %add3A_338 = arith.addi %mul3A_297, %add3A_337 : i32
            %get3A_339 = arith.index_cast %add3A_338 : i32 to index
            %get3A_340 = arith.constant 0 : index
            %get3A_341 = tpu.vector_load %arg13[%get3A_339, %get3A_340] {strides = array<i32>} : memref<128x16xf32, #tpu.memory_space<vmem>>, vector<16xf32>,
            %mul3A_342 = arith.mulf %get3A_341, %gather3A_336 : vector<16xf32>
            %add3A_343 = arith.constant 3 : i32
            %add3A_344 = arith.addi %mul3A_297, %add3A_343 : i32
            %swap3A_345 = arith.index_cast %add3A_344 : i32 to index
            %swap3A_346 = arith.constant 0 : index
            %swap3A_347 = tpu.vector_load %arg13[%swap3A_345, %swap3A_346] {strides = array<i32>} : memref<128x16xf32, #tpu.memory_space<vmem>>, vector<16xf32>,
            tpu.vector_store %arg13[%swap3A_345, %swap3A_346], %mul3A_342 {strides = array<i32>} : memref<128x16xf32, #tpu.memory_space<vmem>>, vector<16xf32>,
            %add3A_348 = arith.addi %broadcast_in_dim3A_298, %broadcast_in_dim3A_9 : vector<16xi32>
            %gather3A_349 = tpu.vector_load_idx %arg9[%broadcast_in_dim3A_213, %add3A_348] : memref<112x128xf32, #tpu.memory_space<vmem>>[vector<16xi32>, vector<16xi32>], vector<16xf32>,
            %add3A_350 = arith.constant 4 : i32
            %add3A_351 = arith.addi %mul3A_297, %add3A_350 : i32
            %get3A_352 = arith.index_cast %add3A_351 : i32 to index
            %get3A_353 = arith.constant 0 : index
            %get3A_354 = tpu.vector_load %arg13[%get3A_352, %get3A_353] {strides = array<i32>} : memref<128x16xf32, #tpu.memory_space<vmem>>, vector<16xf32>,
            %mul3A_355 = arith.mulf %get3A_354, %gather3A_349 : vector<16xf32>
            %add3A_356 = arith.constant 4 : i32
            %add3A_357 = arith.addi %mul3A_297, %add3A_356 : i32
            %swap3A_358 = arith.index_cast %add3A_357 : i32 to index
            %swap3A_359 = arith.constant 0 : index
            %swap3A_360 = tpu.vector_load %arg13[%swap3A_358, %swap3A_359] {strides = array<i32>} : memref<128x16xf32, #tpu.memory_space<vmem>>, vector<16xf32>,
            tpu.vector_store %arg13[%swap3A_358, %swap3A_359], %mul3A_355 {strides = array<i32>} : memref<128x16xf32, #tpu.memory_space<vmem>>, vector<16xf32>,
            %add3A_361 = arith.addi %broadcast_in_dim3A_298, %broadcast_in_dim3A_11 : vector<16xi32>
            %gather3A_362 = tpu.vector_load_idx %arg9[%broadcast_in_dim3A_213, %add3A_361] : memref<112x128xf32, #tpu.memory_space<vmem>>[vector<16xi32>, vector<16xi32>], vector<16xf32>,
            %add3A_363 = arith.constant 5 : i32
            %add3A_364 = arith.addi %mul3A_297, %add3A_363 : i32
            %get3A_365 = arith.index_cast %add3A_364 : i32 to index
            %get3A_366 = arith.constant 0 : index
            %get3A_367 = tpu.vector_load %arg13[%get3A_365, %get3A_366] {strides = array<i32>} : memref<128x16xf32, #tpu.memory_space<vmem>>, vector<16xf32>,
            %mul3A_368 = arith.mulf %get3A_367, %gather3A_362 : vector<16xf32>
            %add3A_369 = arith.constant 5 : i32
            %add3A_370 = arith.addi %mul3A_297, %add3A_369 : i32
            %swap3A_371 = arith.index_cast %add3A_370 : i32 to index
            %swap3A_372 = arith.constant 0 : index
            %swap3A_373 = tpu.vector_load %arg13[%swap3A_371, %swap3A_372] {strides = array<i32>} : memref<128x16xf32, #tpu.memory_space<vmem>>, vector<16xf32>,
            tpu.vector_store %arg13[%swap3A_371, %swap3A_372], %mul3A_368 {strides = array<i32>} : memref<128x16xf32, #tpu.memory_space<vmem>>, vector<16xf32>,
            %add3A_374 = arith.addi %broadcast_in_dim3A_298, %broadcast_in_dim3A_13 : vector<16xi32>
            %gather3A_375 = tpu.vector_load_idx %arg9[%broadcast_in_dim3A_213, %add3A_374] : memref<112x128xf32, #tpu.memory_space<vmem>>[vector<16xi32>, vector<16xi32>], vector<16xf32>,
            %add3A_376 = arith.constant 6 : i32
            %add3A_377 = arith.addi %mul3A_297, %add3A_376 : i32
            %get3A_378 = arith.index_cast %add3A_377 : i32 to index
            %get3A_379 = arith.constant 0 : index
            %get3A_380 = tpu.vector_load %arg13[%get3A_378, %get3A_379] {strides = array<i32>} : memref<128x16xf32, #tpu.memory_space<vmem>>, vector<16xf32>,
            %mul3A_381 = arith.mulf %get3A_380, %gather3A_375 : vector<16xf32>
            %add3A_382 = arith.constant 6 : i32
            %add3A_383 = arith.addi %mul3A_297, %add3A_382 : i32
            %swap3A_384 = arith.index_cast %add3A_383 : i32 to index
            %swap3A_385 = arith.constant 0 : index
            %swap3A_386 = tpu.vector_load %arg13[%swap3A_384, %swap3A_385] {strides = array<i32>} : memref<128x16xf32, #tpu.memory_space<vmem>>, vector<16xf32>,
            tpu.vector_store %arg13[%swap3A_384, %swap3A_385], %mul3A_381 {strides = array<i32>} : memref<128x16xf32, #tpu.memory_space<vmem>>, vector<16xf32>,
            %add3A_387 = arith.addi %broadcast_in_dim3A_298, %broadcast_in_dim3A_15 : vector<16xi32>
            %gather3A_388 = tpu.vector_load_idx %arg9[%broadcast_in_dim3A_213, %add3A_387] : memref<112x128xf32, #tpu.memory_space<vmem>>[vector<16xi32>, vector<16xi32>], vector<16xf32>,
            %add3A_389 = arith.constant 7 : i32
            %add3A_390 = arith.addi %mul3A_297, %add3A_389 : i32
            %get3A_391 = arith.index_cast %add3A_390 : i32 to index
            %get3A_392 = arith.constant 0 : index
            %get3A_393 = tpu.vector_load %arg13[%get3A_391, %get3A_392] {strides = array<i32>} : memref<128x16xf32, #tpu.memory_space<vmem>>, vector<16xf32>,
            %mul3A_394 = arith.mulf %get3A_393, %gather3A_388 : vector<16xf32>
            %add3A_395 = arith.constant 7 : i32
            %add3A_396 = arith.addi %mul3A_297, %add3A_395 : i32
            %swap3A_397 = arith.index_cast %add3A_396 : i32 to index
            %swap3A_398 = arith.constant 0 : index
            %swap3A_399 = tpu.vector_load %arg13[%swap3A_397, %swap3A_398] {strides = array<i32>} : memref<128x16xf32, #tpu.memory_space<vmem>>, vector<16xf32>,
            tpu.vector_store %arg13[%swap3A_397, %swap3A_398], %mul3A_394 {strides = array<i32>} : memref<128x16xf32, #tpu.memory_space<vmem>>, vector<16xf32>,
            %add3A_400 = arith.addi %broadcast_in_dim3A_298, %broadcast_in_dim3A_17 : vector<16xi32>
            %gather3A_401 = tpu.vector_load_idx %arg9[%broadcast_in_dim3A_213, %add3A_400] : memref<112x128xf32, #tpu.memory_space<vmem>>[vector<16xi32>, vector<16xi32>], vector<16xf32>,
            %add3A_402 = arith.constant 8 : i32
            %add3A_403 = arith.addi %mul3A_297, %add3A_402 : i32
            %get3A_404 = arith.index_cast %add3A_403 : i32 to index
            %get3A_405 = arith.constant 0 : index
            %get3A_406 = tpu.vector_load %arg13[%get3A_404, %get3A_405] {strides = array<i32>} : memref<128x16xf32, #tpu.memory_space<vmem>>, vector<16xf32>,
            %mul3A_407 = arith.mulf %get3A_406, %gather3A_401 : vector<16xf32>
            %add3A_408 = arith.constant 8 : i32
            %add3A_409 = arith.addi %mul3A_297, %add3A_408 : i32
            %swap3A_410 = arith.index_cast %add3A_409 : i32 to index
            %swap3A_411 = arith.constant 0 : index
            %swap3A_412 = tpu.vector_load %arg13[%swap3A_410, %swap3A_411] {strides = array<i32>} : memref<128x16xf32, #tpu.memory_space<vmem>>, vector<16xf32>,
            tpu.vector_store %arg13[%swap3A_410, %swap3A_411], %mul3A_407 {strides = array<i32>} : memref<128x16xf32, #tpu.memory_space<vmem>>, vector<16xf32>,
            %add3A_413 = arith.addi %broadcast_in_dim3A_298, %broadcast_in_dim3A_19 : vector<16xi32>
            %gather3A_414 = tpu.vector_load_idx %arg9[%broadcast_in_dim3A_213, %add3A_413] : memref<112x128xf32, #tpu.memory_space<vmem>>[vector<16xi32>, vector<16xi32>], vector<16xf32>,
            %add3A_415 = arith.constant 9 : i32
            %add3A_416 = arith.addi %mul3A_297, %add3A_415 : i32
            %get3A_417 = arith.index_cast %add3A_416 : i32 to index
            %get3A_418 = arith.constant 0 : index
            %get3A_419 = tpu.vector_load %arg13[%get3A_417, %get3A_418] {strides = array<i32>} : memref<128x16xf32, #tpu.memory_space<vmem>>, vector<16xf32>,
            %mul3A_420 = arith.mulf %get3A_419, %gather3A_414 : vector<16xf32>
            %add3A_421 = arith.constant 9 : i32
            %add3A_422 = arith.addi %mul3A_297, %add3A_421 : i32
            %swap3A_423 = arith.index_cast %add3A_422 : i32 to index
            %swap3A_424 = arith.constant 0 : index
            %swap3A_425 = tpu.vector_load %arg13[%swap3A_423, %swap3A_424] {strides = array<i32>} : memref<128x16xf32, #tpu.memory_space<vmem>>, vector<16xf32>,
            tpu.vector_store %arg13[%swap3A_423, %swap3A_424], %mul3A_420 {strides = array<i32>} : memref<128x16xf32, #tpu.memory_space<vmem>>, vector<16xf32>,
            %add3A_426 = arith.addi %broadcast_in_dim3A_298, %broadcast_in_dim3A_21 : vector<16xi32>
            %gather3A_427 = tpu.vector_load_idx %arg9[%broadcast_in_dim3A_213, %add3A_426] : memref<112x128xf32, #tpu.memory_space<vmem>>[vector<16xi32>, vector<16xi32>], vector<16xf32>,
            %add3A_428 = arith.constant 10 : i32
            %add3A_429 = arith.addi %mul3A_297, %add3A_428 : i32
            %get3A_430 = arith.index_cast %add3A_429 : i32 to index
            %get3A_431 = arith.constant 0 : index
            %get3A_432 = tpu.vector_load %arg13[%get3A_430, %get3A_431] {strides = array<i32>} : memref<128x16xf32, #tpu.memory_space<vmem>>, vector<16xf32>,
            %mul3A_433 = arith.mulf %get3A_432, %gather3A_427 : vector<16xf32>
            %add3A_434 = arith.constant 10 : i32
            %add3A_435 = arith.addi %mul3A_297, %add3A_434 : i32
            %swap3A_436 = arith.index_cast %add3A_435 : i32 to index
            %swap3A_437 = arith.constant 0 : index
            %swap3A_438 = tpu.vector_load %arg13[%swap3A_436, %swap3A_437] {strides = array<i32>} : memref<128x16xf32, #tpu.memory_space<vmem>>, vector<16xf32>,
            tpu.vector_store %arg13[%swap3A_436, %swap3A_437], %mul3A_433 {strides = array<i32>} : memref<128x16xf32, #tpu.memory_space<vmem>>, vector<16xf32>,
            %add3A_439 = arith.addi %broadcast_in_dim3A_298, %broadcast_in_dim3A_23 : vector<16xi32>
            %gather3A_440 = tpu.vector_load_idx %arg9[%broadcast_in_dim3A_213, %add3A_439] : memref<112x128xf32, #tpu.memory_space<vmem>>[vector<16xi32>, vector<16xi32>], vector<16xf32>,
            %add3A_441 = arith.constant 11 : i32
            %add3A_442 = arith.addi %mul3A_297, %add3A_441 : i32
            %get3A_443 = arith.index_cast %add3A_442 : i32 to index
            %get3A_444 = arith.constant 0 : index
            %get3A_445 = tpu.vector_load %arg13[%get3A_443, %get3A_444] {strides = array<i32>} : memref<128x16xf32, #tpu.memory_space<vmem>>, vector<16xf32>,
            %mul3A_446 = arith.mulf %get3A_445, %gather3A_440 : vector<16xf32>
            %add3A_447 = arith.constant 11 : i32
            %add3A_448 = arith.addi %mul3A_297, %add3A_447 : i32
            %swap3A_449 = arith.index_cast %add3A_448 : i32 to index
            %swap3A_450 = arith.constant 0 : index
            %swap3A_451 = tpu.vector_load %arg13[%swap3A_449, %swap3A_450] {strides = array<i32>} : memref<128x16xf32, #tpu.memory_space<vmem>>, vector<16xf32>,
            tpu.vector_store %arg13[%swap3A_449, %swap3A_450], %mul3A_446 {strides = array<i32>} : memref<128x16xf32, #tpu.memory_space<vmem>>, vector<16xf32>,
            %add3A_452 = arith.addi %broadcast_in_dim3A_298, %broadcast_in_dim3A_25 : vector<16xi32>
            %gather3A_453 = tpu.vector_load_idx %arg9[%broadcast_in_dim3A_213, %add3A_452] : memref<112x128xf32, #tpu.memory_space<vmem>>[vector<16xi32>, vector<16xi32>], vector<16xf32>,
            %add3A_454 = arith.constant 12 : i32
            %add3A_455 = arith.addi %mul3A_297, %add3A_454 : i32
            %get3A_456 = arith.index_cast %add3A_455 : i32 to index
            %get3A_457 = arith.constant 0 : index
            %get3A_458 = tpu.vector_load %arg13[%get3A_456, %get3A_457] {strides = array<i32>} : memref<128x16xf32, #tpu.memory_space<vmem>>, vector<16xf32>,
            %mul3A_459 = arith.mulf %get3A_458, %gather3A_453 : vector<16xf32>
            %add3A_460 = arith.constant 12 : i32
            %add3A_461 = arith.addi %mul3A_297, %add3A_460 : i32
            %swap3A_462 = arith.index_cast %add3A_461 : i32 to index
            %swap3A_463 = arith.constant 0 : index
            %swap3A_464 = tpu.vector_load %arg13[%swap3A_462, %swap3A_463] {strides = array<i32>} : memref<128x16xf32, #tpu.memory_space<vmem>>, vector<16xf32>,
            tpu.vector_store %arg13[%swap3A_462, %swap3A_463], %mul3A_459 {strides = array<i32>} : memref<128x16xf32, #tpu.memory_space<vmem>>, vector<16xf32>,
            %add3A_465 = arith.addi %broadcast_in_dim3A_298, %broadcast_in_dim3A_27 : vector<16xi32>
            %gather3A_466 = tpu.vector_load_idx %arg9[%broadcast_in_dim3A_213, %add3A_465] : memref<112x128xf32, #tpu.memory_space<vmem>>[vector<16xi32>, vector<16xi32>], vector<16xf32>,
            %add3A_467 = arith.constant 13 : i32
            %add3A_468 = arith.addi %mul3A_297, %add3A_467 : i32
            %get3A_469 = arith.index_cast %add3A_468 : i32 to index
            %get3A_470 = arith.constant 0 : index
            %get3A_471 = tpu.vector_load %arg13[%get3A_469, %get3A_470] {strides = array<i32>} : memref<128x16xf32, #tpu.memory_space<vmem>>, vector<16xf32>,
            %mul3A_472 = arith.mulf %get3A_471, %gather3A_466 : vector<16xf32>
            %add3A_473 = arith.constant 13 : i32
            %add3A_474 = arith.addi %mul3A_297, %add3A_473 : i32
            %swap3A_475 = arith.index_cast %add3A_474 : i32 to index
            %swap3A_476 = arith.constant 0 : index
            %swap3A_477 = tpu.vector_load %arg13[%swap3A_475, %swap3A_476] {strides = array<i32>} : memref<128x16xf32, #tpu.memory_space<vmem>>, vector<16xf32>,
            tpu.vector_store %arg13[%swap3A_475, %swap3A_476], %mul3A_472 {strides = array<i32>} : memref<128x16xf32, #tpu.memory_space<vmem>>, vector<16xf32>,
            %add3A_478 = arith.addi %broadcast_in_dim3A_298, %broadcast_in_dim3A_29 : vector<16xi32>
            %gather3A_479 = tpu.vector_load_idx %arg9[%broadcast_in_dim3A_213, %add3A_478] : memref<112x128xf32, #tpu.memory_space<vmem>>[vector<16xi32>, vector<16xi32>], vector<16xf32>,
            %add3A_480 = arith.constant 14 : i32
            %add3A_481 = arith.addi %mul3A_297, %add3A_480 : i32
            %get3A_482 = arith.index_cast %add3A_481 : i32 to index
            %get3A_483 = arith.constant 0 : index
            %get3A_484 = tpu.vector_load %arg13[%get3A_482, %get3A_483] {strides = array<i32>} : memref<128x16xf32, #tpu.memory_space<vmem>>, vector<16xf32>,
            %mul3A_485 = arith.mulf %get3A_484, %gather3A_479 : vector<16xf32>
            %add3A_486 = arith.constant 14 : i32
            %add3A_487 = arith.addi %mul3A_297, %add3A_486 : i32
            %swap3A_488 = arith.index_cast %add3A_487 : i32 to index
            %swap3A_489 = arith.constant 0 : index
            %swap3A_490 = tpu.vector_load %arg13[%swap3A_488, %swap3A_489] {strides = array<i32>} : memref<128x16xf32, #tpu.memory_space<vmem>>, vector<16xf32>,
            tpu.vector_store %arg13[%swap3A_488, %swap3A_489], %mul3A_485 {strides = array<i32>} : memref<128x16xf32, #tpu.memory_space<vmem>>, vector<16xf32>,
            %add3A_491 = arith.addi %broadcast_in_dim3A_298, %broadcast_in_dim3A_31 : vector<16xi32>
            %gather3A_492 = tpu.vector_load_idx %arg9[%broadcast_in_dim3A_213, %add3A_491] : memref<112x128xf32, #tpu.memory_space<vmem>>[vector<16xi32>, vector<16xi32>], vector<16xf32>,
            %add3A_493 = arith.constant 15 : i32
            %add3A_494 = arith.addi %mul3A_297, %add3A_493 : i32
            %get3A_495 = arith.index_cast %add3A_494 : i32 to index
            %get3A_496 = arith.constant 0 : index
            %get3A_497 = tpu.vector_load %arg13[%get3A_495, %get3A_496] {strides = array<i32>} : memref<128x16xf32, #tpu.memory_space<vmem>>, vector<16xf32>,
            %mul3A_498 = arith.mulf %get3A_497, %gather3A_492 : vector<16xf32>
            %add3A_499 = arith.constant 15 : i32
            %add3A_500 = arith.addi %mul3A_297, %add3A_499 : i32
            %swap3A_501 = arith.index_cast %add3A_500 : i32 to index
            %swap3A_502 = arith.constant 0 : index
            %swap3A_503 = tpu.vector_load %arg13[%swap3A_501, %swap3A_502] {strides = array<i32>} : memref<128x16xf32, #tpu.memory_space<vmem>>, vector<16xf32>,
            tpu.vector_store %arg13[%swap3A_501, %swap3A_502], %mul3A_498 {strides = array<i32>} : memref<128x16xf32, #tpu.memory_space<vmem>>, vector<16xf32>,
          }
          %scan3A_218 = arith.constant 8 : i32
          %dma_start3A_219 = arith.constant 0 : i32
          %dma_start3A_220 = tpu.memref_slice %arg8[%add3A_206, %dma_start3A_219] : memref<112x128xi32, #tpu.memory_space<vmem>> -> memref<1x128xi32, #tpu.memory_space<vmem>>
          %dma_start3A_221 = tpu.memref_squeeze %dma_start3A_220 : memref<1x128xi32, #tpu.memory_space<vmem>> -> memref<128xi32, #tpu.memory_space<vmem>>
          %dma_start3A_222 = arith.constant 0 : i32
          %dma_start3A_223 = arith.constant 0 : i32
          %dma_start3A_224 = tpu.memref_slice %arg15[%dma_start3A_222, %dma_start3A_223] : memref<25088x16xf32, #tpu.memory_space<vmem_shared>> -> memref<25088x16xf32, #tpu.memory_space<vmem_shared>>
          %dma_start3A_225 = arith.constant -1 : i32
          tpu.enqueue_indirect_dma source(%arg13 : memref<128x16xf32, #tpu.memory_space<vmem>>) target(%dma_start3A_224 : memref<25088x16xf32, #tpu.memory_space<vmem_shared>>) offsets(%dma_start3A_221 : memref<128xi32, #tpu.memory_space<vmem>>) offset_filter(%dma_start3A_225) semaphore(%arg24 : memref<!tpu.dma_semaphore, #tpu.memory_space<semaphore_mem>>) {add = true}
          %add3A_226 = arith.constant 0 : i32
          %add3A_227 = arith.addi %mul3A_141, %add3A_226 : i32
          %dma_wait3A_228 = arith.constant 0 : i32
          %dma_wait3A_229 = tpu.memref_slice %arg8[%add3A_227, %dma_wait3A_228] : memref<112x128xi32, #tpu.memory_space<vmem>> -> memref<1x128xi32, #tpu.memory_space<vmem>>
          %dma_wait3A_230 = tpu.memref_squeeze %dma_wait3A_229 : memref<1x128xi32, #tpu.memory_space<vmem>> -> memref<128xi32, #tpu.memory_space<vmem>>
          %dma_wait3A_231 = arith.constant 0 : i32
          %dma_wait3A_232 = arith.constant 0 : i32
          %dma_wait3A_233 = tpu.memref_slice %arg15[%dma_wait3A_231, %dma_wait3A_232] : memref<25088x16xf32, #tpu.memory_space<vmem_shared>> -> memref<25088x16xf32, #tpu.memory_space<vmem_shared>>
          tpu.wait_indirect_dma semaphore(%arg21 : memref<!tpu.dma_semaphore, #tpu.memory_space<semaphore_mem>>) src(%arg10 : memref<128x16xf32, #tpu.memory_space<vmem>>) dst(%dma_wait3A_233 : memref<25088x16xf32, #tpu.memory_space<vmem_shared>>)
          %add3A_234 = arith.constant 4 : i32
          %add3A_235 = arith.addi %mul3A_141, %add3A_234 : i32
          %add3A_236 = arith.constant 0 : i32
          %add3A_237 = arith.addi %add3A_235, %add3A_236 : i32
          %lt3A = arith.constant 112 : i32
          %lt3A_238 = arith.cmpi slt, %add3A_237, %lt3A : i32
          %convert_element_type3A = arith.extui %lt3A_238 : i1 to i32
          %cond3A = arith.constant 0 : i32
          %cond3A_239 = arith.cmpi ne, %convert_element_type3A, %cond3A : i32
          scf.if %cond3A_239 {
            %add3A_291 = arith.constant 4 : i32
            %add3A_292 = arith.addi %mul3A_141, %add3A_291 : i32
            %add3A_293 = arith.constant 0 : i32
            %add3A_294 = arith.addi %add3A_292, %add3A_293 : i32
            %dma_start3A_295 = arith.constant 0 : i32
            %dma_start3A_296 = tpu.memref_slice %arg7[%add3A_294, %dma_start3A_295] : memref<112x128xi32, #tpu.memory_space<vmem>> -> memref<1x128xi32, #tpu.memory_space<vmem>>
            %dma_start3A_297 = tpu.memref_squeeze %dma_start3A_296 : memref<1x128xi32, #tpu.memory_space<vmem>> -> memref<128xi32, #tpu.memory_space<vmem>>
            %dma_start3A_298 = arith.constant 0 : i32
            %dma_start3A_299 = arith.constant 0 : i32
            %dma_start3A_300 = tpu.memref_slice %arg2[%dma_start3A_298, %dma_start3A_299] : memref<100000x16xf32, #tpu.memory_space<hbm>> -> memref<100000x16xf32, #tpu.memory_space<hbm>>
            %dma_start3A_301 = arith.constant -1 : i32
            tpu.enqueue_indirect_dma source(%dma_start3A_300 : memref<100000x16xf32, #tpu.memory_space<hbm>>) target(%arg10 : memref<128x16xf32, #tpu.memory_space<vmem>>) offsets(%dma_start3A_297 : memref<128xi32, #tpu.memory_space<vmem>>) offset_filter(%dma_start3A_301) semaphore(%arg17 : memref<!tpu.dma_semaphore, #tpu.memory_space<semaphore_mem>>)
          } else {
          }
          %add3A_240 = arith.constant 1 : i32
          %add3A_241 = arith.addi %mul3A_141, %add3A_240 : i32
          %dma_wait3A_242 = arith.constant 0 : i32
          %dma_wait3A_243 = tpu.memref_slice %arg8[%add3A_241, %dma_wait3A_242] : memref<112x128xi32, #tpu.memory_space<vmem>> -> memref<1x128xi32, #tpu.memory_space<vmem>>
          %dma_wait3A_244 = tpu.memref_squeeze %dma_wait3A_243 : memref<1x128xi32, #tpu.memory_space<vmem>> -> memref<128xi32, #tpu.memory_space<vmem>>
          %dma_wait3A_245 = arith.constant 0 : i32
          %dma_wait3A_246 = arith.constant 0 : i32
          %dma_wait3A_247 = tpu.memref_slice %arg15[%dma_wait3A_245, %dma_wait3A_246] : memref<25088x16xf32, #tpu.memory_space<vmem_shared>> -> memref<25088x16xf32, #tpu.memory_space<vmem_shared>>
          tpu.wait_indirect_dma semaphore(%arg22 : memref<!tpu.dma_semaphore, #tpu.memory_space<semaphore_mem>>) src(%arg11 : memref<128x16xf32, #tpu.memory_space<vmem>>) dst(%dma_wait3A_247 : memref<25088x16xf32, #tpu.memory_space<vmem_shared>>)
          %add3A_248 = arith.constant 4 : i32
          %add3A_249 = arith.addi %mul3A_141, %add3A_248 : i32
          %add3A_250 = arith.constant 1 : i32
          %add3A_251 = arith.addi %add3A_249, %add3A_250 : i32
          %lt3A_252 = arith.constant 112 : i32
          %lt3A_253 = arith.cmpi slt, %add3A_251, %lt3A_252 : i32
          %convert_element_type3A_254 = arith.extui %lt3A_253 : i1 to i32
          %cond3A_255 = arith.constant 0 : i32
          %cond3A_256 = arith.cmpi ne, %convert_element_type3A_254, %cond3A_255 : i32
          scf.if %cond3A_256 {
            %add3A_291 = arith.constant 4 : i32
            %add3A_292 = arith.addi %mul3A_141, %add3A_291 : i32
            %add3A_293 = arith.constant 1 : i32
            %add3A_294 = arith.addi %add3A_292, %add3A_293 : i32
            %dma_start3A_295 = arith.constant 0 : i32
            %dma_start3A_296 = tpu.memref_slice %arg7[%add3A_294, %dma_start3A_295] : memref<112x128xi32, #tpu.memory_space<vmem>> -> memref<1x128xi32, #tpu.memory_space<vmem>>
            %dma_start3A_297 = tpu.memref_squeeze %dma_start3A_296 : memref<1x128xi32, #tpu.memory_space<vmem>> -> memref<128xi32, #tpu.memory_space<vmem>>
            %dma_start3A_298 = arith.constant 0 : i32
            %dma_start3A_299 = arith.constant 0 : i32
            %dma_start3A_300 = tpu.memref_slice %arg2[%dma_start3A_298, %dma_start3A_299] : memref<100000x16xf32, #tpu.memory_space<hbm>> -> memref<100000x16xf32, #tpu.memory_space<hbm>>
            %dma_start3A_301 = arith.constant -1 : i32
            tpu.enqueue_indirect_dma source(%dma_start3A_300 : memref<100000x16xf32, #tpu.memory_space<hbm>>) target(%arg11 : memref<128x16xf32, #tpu.memory_space<vmem>>) offsets(%dma_start3A_297 : memref<128xi32, #tpu.memory_space<vmem>>) offset_filter(%dma_start3A_301) semaphore(%arg18 : memref<!tpu.dma_semaphore, #tpu.memory_space<semaphore_mem>>)
          } else {
          }
          %add3A_257 = arith.constant 2 : i32
          %add3A_258 = arith.addi %mul3A_141, %add3A_257 : i32
          %dma_wait3A_259 = arith.constant 0 : i32
          %dma_wait3A_260 = tpu.memref_slice %arg8[%add3A_258, %dma_wait3A_259] : memref<112x128xi32, #tpu.memory_space<vmem>> -> memref<1x128xi32, #tpu.memory_space<vmem>>
          %dma_wait3A_261 = tpu.memref_squeeze %dma_wait3A_260 : memref<1x128xi32, #tpu.memory_space<vmem>> -> memref<128xi32, #tpu.memory_space<vmem>>
          %dma_wait3A_262 = arith.constant 0 : i32
          %dma_wait3A_263 = arith.constant 0 : i32
          %dma_wait3A_264 = tpu.memref_slice %arg15[%dma_wait3A_262, %dma_wait3A_263] : memref<25088x16xf32, #tpu.memory_space<vmem_shared>> -> memref<25088x16xf32, #tpu.memory_space<vmem_shared>>
          tpu.wait_indirect_dma semaphore(%arg23 : memref<!tpu.dma_semaphore, #tpu.memory_space<semaphore_mem>>) src(%arg12 : memref<128x16xf32, #tpu.memory_space<vmem>>) dst(%dma_wait3A_264 : memref<25088x16xf32, #tpu.memory_space<vmem_shared>>)
          %add3A_265 = arith.constant 4 : i32
          %add3A_266 = arith.addi %mul3A_141, %add3A_265 : i32
          %add3A_267 = arith.constant 2 : i32
          %add3A_268 = arith.addi %add3A_266, %add3A_267 : i32
          %lt3A_269 = arith.constant 112 : i32
          %lt3A_270 = arith.cmpi slt, %add3A_268, %lt3A_269 : i32
          %convert_element_type3A_271 = arith.extui %lt3A_270 : i1 to i32
          %cond3A_272 = arith.constant 0 : i32
          %cond3A_273 = arith.cmpi ne, %convert_element_type3A_271, %cond3A_272 : i32
          scf.if %cond3A_273 {
            %add3A_291 = arith.constant 4 : i32
            %add3A_292 = arith.addi %mul3A_141, %add3A_291 : i32
            %add3A_293 = arith.constant 2 : i32
            %add3A_294 = arith.addi %add3A_292, %add3A_293 : i32
            %dma_start3A_295 = arith.constant 0 : i32
            %dma_start3A_296 = tpu.memref_slice %arg7[%add3A_294, %dma_start3A_295] : memref<112x128xi32, #tpu.memory_space<vmem>> -> memref<1x128xi32, #tpu.memory_space<vmem>>
            %dma_start3A_297 = tpu.memref_squeeze %dma_start3A_296 : memref<1x128xi32, #tpu.memory_space<vmem>> -> memref<128xi32, #tpu.memory_space<vmem>>
            %dma_start3A_298 = arith.constant 0 : i32
            %dma_start3A_299 = arith.constant 0 : i32
            %dma_start3A_300 = tpu.memref_slice %arg2[%dma_start3A_298, %dma_start3A_299] : memref<100000x16xf32, #tpu.memory_space<hbm>> -> memref<100000x16xf32, #tpu.memory_space<hbm>>
            %dma_start3A_301 = arith.constant -1 : i32
            tpu.enqueue_indirect_dma source(%dma_start3A_300 : memref<100000x16xf32, #tpu.memory_space<hbm>>) target(%arg12 : memref<128x16xf32, #tpu.memory_space<vmem>>) offsets(%dma_start3A_297 : memref<128xi32, #tpu.memory_space<vmem>>) offset_filter(%dma_start3A_301) semaphore(%arg19 : memref<!tpu.dma_semaphore, #tpu.memory_space<semaphore_mem>>)
          } else {
          }
          %add3A_274 = arith.constant 3 : i32
          %add3A_275 = arith.addi %mul3A_141, %add3A_274 : i32
          %dma_wait3A_276 = arith.constant 0 : i32
          %dma_wait3A_277 = tpu.memref_slice %arg8[%add3A_275, %dma_wait3A_276] : memref<112x128xi32, #tpu.memory_space<vmem>> -> memref<1x128xi32, #tpu.memory_space<vmem>>
          %dma_wait3A_278 = tpu.memref_squeeze %dma_wait3A_277 : memref<1x128xi32, #tpu.memory_space<vmem>> -> memref<128xi32, #tpu.memory_space<vmem>>
          %dma_wait3A_279 = arith.constant 0 : i32
          %dma_wait3A_280 = arith.constant 0 : i32
          %dma_wait3A_281 = tpu.memref_slice %arg15[%dma_wait3A_279, %dma_wait3A_280] : memref<25088x16xf32, #tpu.memory_space<vmem_shared>> -> memref<25088x16xf32, #tpu.memory_space<vmem_shared>>
          tpu.wait_indirect_dma semaphore(%arg24 : memref<!tpu.dma_semaphore, #tpu.memory_space<semaphore_mem>>) src(%arg13 : memref<128x16xf32, #tpu.memory_space<vmem>>) dst(%dma_wait3A_281 : memref<25088x16xf32, #tpu.memory_space<vmem_shared>>)
          %add3A_282 = arith.constant 4 : i32
          %add3A_283 = arith.addi %mul3A_141, %add3A_282 : i32
          %add3A_284 = arith.constant 3 : i32
          %add3A_285 = arith.addi %add3A_283, %add3A_284 : i32
          %lt3A_286 = arith.constant 112 : i32
          %lt3A_287 = arith.cmpi slt, %add3A_285, %lt3A_286 : i32
          %convert_element_type3A_288 = arith.extui %lt3A_287 : i1 to i32
          %cond3A_289 = arith.constant 0 : i32
          %cond3A_290 = arith.cmpi ne, %convert_element_type3A_288, %cond3A_289 : i32
          scf.if %cond3A_290 {
            %add3A_291 = arith.constant 4 : i32
            %add3A_292 = arith.addi %mul3A_141, %add3A_291 : i32
            %add3A_293 = arith.constant 3 : i32
            %add3A_294 = arith.addi %add3A_292, %add3A_293 : i32
            %dma_start3A_295 = arith.constant 0 : i32
            %dma_start3A_296 = tpu.memref_slice %arg7[%add3A_294, %dma_start3A_295] : memref<112x128xi32, #tpu.memory_space<vmem>> -> memref<1x128xi32, #tpu.memory_space<vmem>>
            %dma_start3A_297 = tpu.memref_squeeze %dma_start3A_296 : memref<1x128xi32, #tpu.memory_space<vmem>> -> memref<128xi32, #tpu.memory_space<vmem>>
            %dma_start3A_298 = arith.constant 0 : i32
            %dma_start3A_299 = arith.constant 0 : i32
            %dma_start3A_300 = tpu.memref_slice %arg2[%dma_start3A_298, %dma_start3A_299] : memref<100000x16xf32, #tpu.memory_space<hbm>> -> memref<100000x16xf32, #tpu.memory_space<hbm>>
            %dma_start3A_301 = arith.constant -1 : i32
            tpu.enqueue_indirect_dma source(%dma_start3A_300 : memref<100000x16xf32, #tpu.memory_space<hbm>>) target(%arg13 : memref<128x16xf32, #tpu.memory_space<vmem>>) offsets(%dma_start3A_297 : memref<128xi32, #tpu.memory_space<vmem>>) offset_filter(%dma_start3A_301) semaphore(%arg20 : memref<!tpu.dma_semaphore, #tpu.memory_space<semaphore_mem>>)
          } else {
          }
        }
        %scan3A_134 = arith.constant 28 : i32
      }
      %scan3A_54 = arith.constant 7 : i32
      %barrier3A_55 = arith.constant 0 : index
      tpu.barrier barrier_id(%barrier3A_55)
      %mul3A_56 = arith.constant 25088 : i32
      %mul3A_57 = arith.muli %add3A_49, %mul3A_56 : i32
      %add3A_58 = arith.addi %mul3A_57, %mul3A_37 : i32
      "tpu.region"() ({
        %run_scoped3A = tpu.sem_alloc : memref<!tpu.dma_semaphore, #tpu.memory_space<semaphore_mem>>
        %dma_start3A = arith.constant 0 : i32
        %dma_start3A_60 = tpu.memref_slice %arg6[%arg0, %add3A_58, %dma_start3A] : memref<2x100352x16xf32, #tpu.memory_space<hbm>> -> memref<1x1568x16xf32, #tpu.memory_space<hbm>>
        %dma_start3A_61 = tpu.memref_squeeze %dma_start3A_60 : memref<1x1568x16xf32, #tpu.memory_space<hbm>> -> memref<1568x16xf32, #tpu.memory_space<hbm>>
        %dma_start3A_62 = arith.constant 0 : i32
        %dma_start3A_63 = tpu.memref_slice %arg15[%mul3A_37, %dma_start3A_62] : memref<25088x16xf32, #tpu.memory_space<vmem_shared>> -> memref<1568x16xf32, #tpu.memory_space<vmem_shared>>
        tpu.enqueue_dma source(%dma_start3A_63 : memref<1568x16xf32, #tpu.memory_space<vmem_shared>>) target(%dma_start3A_61 : memref<1568x16xf32, #tpu.memory_space<hbm>>) target_semaphore(%run_scoped3A : memref<!tpu.dma_semaphore, #tpu.memory_space<semaphore_mem>>)
        %dma_wait3A = arith.constant 0 : i32
        %dma_wait3A_64 = tpu.memref_slice %arg6[%arg0, %add3A_58, %dma_wait3A] : memref<2x100352x16xf32, #tpu.memory_space<hbm>> -> memref<1x1568x16xf32, #tpu.memory_space<hbm>>
        %dma_wait3A_65 = tpu.memref_squeeze %dma_wait3A_64 : memref<1x1568x16xf32, #tpu.memory_space<hbm>> -> memref<1568x16xf32, #tpu.memory_space<hbm>>
        %dma_wait3A_66 = arith.constant 0 : i32
        %dma_wait3A_67 = tpu.memref_slice %arg15[%mul3A_37, %dma_wait3A_66] : memref<25088x16xf32, #tpu.memory_space<vmem_shared>> -> memref<1568x16xf32, #tpu.memory_space<vmem_shared>>
        tpu.wait_dma2 semaphore(%run_scoped3A : memref<!tpu.dma_semaphore, #tpu.memory_space<semaphore_mem>>) src(%dma_wait3A_67 : memref<1568x16xf32, #tpu.memory_space<vmem_shared>>) dst(%dma_wait3A_65 : memref<1568x16xf32, #tpu.memory_space<hbm>>)
        tpu.yield
      }) : () -> ()
      %barrier3A_59 = arith.constant 0 : index
      tpu.barrier barrier_id(%barrier3A_59)
    }
    %scan3A_44 = arith.constant 4 : i32
    return
  }
}

module attributes {stable_mosaic.version = 14 : i64} {
  func.func @tc_body(%arg0: i32, %arg1: memref<2x2000x16xf32, #tpu.memory_space<vmem>>, %arg2: memref<2000x20xf32, #tpu.memory_space<vmem>>, %arg3: memref<20x16xf32, #tpu.memory_space<vmem>>, %arg4: memref<1x20xf32, #tpu.memory_space<vmem>>, %arg5: memref<20x20xf32, #tpu.memory_space<vmem>>, %arg6: memref<16x20xf32, #tpu.memory_space<vmem>>, %arg7: memref<2000x20xf32, #tpu.memory_space<vmem>>, %arg8: memref<2000x16xf32, #tpu.memory_space<vmem>>) attributes {dimension_semantics = [#tpu.dimension_semantics<arbitrary>], iteration_bounds = array<i64: 50>, scalar_prefetch = 0 : i64, scratch_operands = 0 : i64, tpu.core_type = #tpu.core_type<tc>, window_params = [{transform_indices = @transform_0, window_bounds = array<i64: 2, 2000, 16>}, {transform_indices = @transform_1, window_bounds = array<i64: 2000, 20>}, {pipeline_mode = #tpu.pipeline_mode<synchronous>, transform_indices = @transform_2, window_bounds = array<i64: 20, 16>}, {pipeline_mode = #tpu.pipeline_mode<synchronous>, transform_indices = @transform_3, window_bounds = array<i64: 1, 20>}, {pipeline_mode = #tpu.pipeline_mode<synchronous>, transform_indices = @transform_4, window_bounds = array<i64: 20, 20>}, {pipeline_mode = #tpu.pipeline_mode<synchronous>, transform_indices = @transform_5, window_bounds = array<i64: 16, 20>}, {transform_indices = @transform_6, window_bounds = array<i64: 2000, 20>}, {transform_indices = @transform_7, window_bounds = array<i64: 2000, 16>}]} {
    %get3A = arith.constant 0 : index
    %get3A_0 = arith.constant 0 : index
    %get3A_1 = arith.constant 0 : index
    %get3A_2 = vector.load %arg1[%get3A, %get3A_0, %get3A_1] : memref<2x2000x16xf32, #tpu.memory_space<vmem>>, vector<1x2000x16xf32>
    %get3A_3 = vector.shape_cast %get3A_2 : vector<1x2000x16xf32> to vector<2000x16xf32>
    %get3A_4 = arith.constant 1 : index
    %get3A_5 = arith.constant 0 : index
    %get3A_6 = arith.constant 0 : index
    %get3A_7 = vector.load %arg1[%get3A_4, %get3A_5, %get3A_6] : memref<2x2000x16xf32, #tpu.memory_space<vmem>>, vector<1x2000x16xf32>
    %get3A_8 = vector.shape_cast %get3A_7 : vector<1x2000x16xf32> to vector<2000x16xf32>
    %add3A = arith.addf %get3A_3, %get3A_8 : vector<2000x16xf32>
    %get3A_9 = arith.constant 0 : index
    %get3A_10 = arith.constant 0 : index
    %get3A_11 = vector.load %arg3[%get3A_9, %get3A_10] : memref<20x16xf32, #tpu.memory_space<vmem>>, vector<20x16xf32>
    %dot_general3A = arith.constant dense<0.000000e+00> : vector<2000x20xf32>
    %dot_general3A_12 = tpu.matmul %add3A, %get3A_11, %dot_general3A {dimension_numbers = #tpu.dot_dimension_numbers<[1], [1], [0], [0], [0, 0, 1, 0], [], []>, transpose_lhs_hint = false} : vector<2000x16xf32>, vector<20x16xf32>, vector<2000x20xf32> -> vector<2000x20xf32>
    %get3A_13 = arith.constant 0 : index
    %get3A_14 = arith.constant 0 : index
    %get3A_15 = vector.load %arg4[%get3A_13, %get3A_14] : memref<1x20xf32, #tpu.memory_space<vmem>>, vector<1x20xf32>
    %add3A_16 = vector.broadcast %get3A_15 : vector<1x20xf32> to vector<2000x20xf32>
    %add3A_17 = arith.addf %dot_general3A_12, %add3A_16 : vector<2000x20xf32>
    %get3A_18 = arith.constant 0 : index
    %get3A_19 = arith.constant 0 : index
    %get3A_20 = vector.load %arg2[%get3A_18, %get3A_19] : memref<2000x20xf32, #tpu.memory_space<vmem>>, vector<2000x20xf32>
    %get3A_21 = arith.constant 0 : index
    %get3A_22 = arith.constant 0 : index
    %get3A_23 = vector.load %arg5[%get3A_21, %get3A_22] : memref<20x20xf32, #tpu.memory_space<vmem>>, vector<20x20xf32>
    %dot_general3A_24 = arith.constant dense<0.000000e+00> : vector<2000x20xf32>
    %dot_general3A_25 = tpu.matmul %get3A_20, %get3A_23, %dot_general3A_24 {dimension_numbers = #tpu.dot_dimension_numbers<[1], [1], [0], [0], [0, 0, 1, 0], [], []>, transpose_lhs_hint = false} : vector<2000x20xf32>, vector<20x20xf32>, vector<2000x20xf32> -> vector<2000x20xf32>
    %add3A_26 = arith.addf %add3A_17, %dot_general3A_25 : vector<2000x20xf32>
    %max3A = arith.constant 0.000000e+00 : f32
    %max3A_27 = vector.broadcast %max3A : f32 to vector<2000x20xf32>
    %max3A_28 = arith.maximumf %add3A_26, %max3A_27 : vector<2000x20xf32>
    %swap3A = arith.constant 0 : index
    %swap3A_29 = arith.constant 0 : index
    %swap3A_30 = vector.load %arg7[%swap3A, %swap3A_29] : memref<2000x20xf32, #tpu.memory_space<vmem>>, vector<2000x20xf32>
    tpu.vector_store %arg7[%swap3A, %swap3A_29], %max3A_28 {strides = array<i32>} : memref<2000x20xf32, #tpu.memory_space<vmem>>, vector<2000x20xf32>,
    %get3A_31 = arith.constant 0 : index
    %get3A_32 = arith.constant 0 : index
    %get3A_33 = vector.load %arg6[%get3A_31, %get3A_32] : memref<16x20xf32, #tpu.memory_space<vmem>>, vector<16x20xf32>
    %dot_general3A_34 = arith.constant dense<0.000000e+00> : vector<2000x16xf32>
    %dot_general3A_35 = tpu.matmul %max3A_28, %get3A_33, %dot_general3A_34 {dimension_numbers = #tpu.dot_dimension_numbers<[1], [1], [0], [0], [0, 0, 1, 0], [], []>, transpose_lhs_hint = false} : vector<2000x20xf32>, vector<16x20xf32>, vector<2000x16xf32> -> vector<2000x16xf32>
    %swap3A_36 = arith.constant 0 : index
    %swap3A_37 = arith.constant 0 : index
    %swap3A_38 = vector.load %arg8[%swap3A_36, %swap3A_37] : memref<2000x16xf32, #tpu.memory_space<vmem>>, vector<2000x16xf32>
    tpu.vector_store %arg8[%swap3A_36, %swap3A_37], %dot_general3A_35 {strides = array<i32>} : memref<2000x16xf32, #tpu.memory_space<vmem>>, vector<2000x16xf32>,
    return
  }
  func.func @transform_0(%arg0: i32) -> (i32, i32, i32) {
    %c0_i32 = arith.constant 0 : i32
    %c0_i32_0 = arith.constant 0 : i32
    %c0_i32_1 = arith.constant 0 : i32
    return %c0_i32, %arg0, %c0_i32_0 : i32, i32, i32
  }
  func.func @transform_1(%arg0: i32) -> (i32, i32) {
    %c0_i32 = arith.constant 0 : i32
    %c0_i32_0 = arith.constant 0 : i32
    return %arg0, %c0_i32 : i32, i32
  }
  func.func @transform_2(%arg0: i32) -> (i32, i32) {
    %c0_i32 = arith.constant 0 : i32
    %c0_i32_0 = arith.constant 0 : i32
    %c0_i32_1 = arith.constant 0 : i32
    return %c0_i32, %c0_i32_0 : i32, i32
  }
  func.func @transform_3(%arg0: i32) -> (i32, i32) {
    %c0_i32 = arith.constant 0 : i32
    %c0_i32_0 = arith.constant 0 : i32
    %c0_i32_1 = arith.constant 0 : i32
    return %c0_i32, %c0_i32_0 : i32, i32
  }
  func.func @transform_4(%arg0: i32) -> (i32, i32) {
    %c0_i32 = arith.constant 0 : i32
    %c0_i32_0 = arith.constant 0 : i32
    %c0_i32_1 = arith.constant 0 : i32
    return %c0_i32, %c0_i32_0 : i32, i32
  }
  func.func @transform_5(%arg0: i32) -> (i32, i32) {
    %c0_i32 = arith.constant 0 : i32
    %c0_i32_0 = arith.constant 0 : i32
    %c0_i32_1 = arith.constant 0 : i32
    return %c0_i32, %c0_i32_0 : i32, i32
  }
  func.func @transform_6(%arg0: i32) -> (i32, i32) {
    %c0_i32 = arith.constant 0 : i32
    %c0_i32_0 = arith.constant 0 : i32
    return %arg0, %c0_i32 : i32, i32
  }
  func.func @transform_7(%arg0: i32) -> (i32, i32) {
    %c0_i32 = arith.constant 0 : i32
    %c0_i32_0 = arith.constant 0 : i32
    return %arg0, %c0_i32 : i32, i32
  }
}

module attributes {stable_mosaic.version = 14 : i64} {
  func.func @tc_body(%arg0: i32, %arg1: memref<2000x20xf32, #tpu.memory_space<vmem>>, %arg2: memref<2000x2xf32, #tpu.memory_space<vmem>>) attributes {dimension_semantics = [#tpu.dimension_semantics<arbitrary>], iteration_bounds = array<i64: 50>, scalar_prefetch = 0 : i64, scratch_operands = 0 : i64, tpu.core_type = #tpu.core_type<tc>, window_params = [{transform_indices = @transform_0, window_bounds = array<i64: 2000, 20>}, {transform_indices = @transform_1, window_bounds = array<i64: 2000, 2>}]} {
    %get3A = arith.constant 0 : index
    %get3A_0 = arith.constant 0 : index
    %get3A_1 = vector.load %arg1[%get3A, %get3A_0] : memref<2000x20xf32, #tpu.memory_space<vmem>>, vector<2000x20xf32>
    %slice3A = vector.extract_strided_slice %get3A_1 {offsets = [0, 0], sizes = [2000, 2], strides = [1, 1]} : vector<2000x20xf32> to vector<2000x2xf32>
    %reduce_max3A = arith.constant dense<0xFF800000> : vector<2000xf32>
    %reduce_max3A_2 = vector.multi_reduction <maximumf>, %slice3A, %reduce_max3A [1] : vector<2000x2xf32> to vector<2000xf32>
    %broadcast_in_dim3A = vector.shape_cast %reduce_max3A_2 : vector<2000xf32> to vector<2000x1xf32>
    %sub3A = vector.broadcast %broadcast_in_dim3A : vector<2000x1xf32> to vector<2000x2xf32>
    %sub3A_3 = arith.subf %slice3A, %sub3A : vector<2000x2xf32>
    %exp3A = math.exp %sub3A_3 : vector<2000x2xf32>
    %reduce_sum3A = arith.constant dense<0.000000e+00> : vector<2000xf32>
    %reduce_sum3A_4 = vector.multi_reduction <add>, %exp3A, %reduce_sum3A [1] : vector<2000x2xf32> to vector<2000xf32>
    %broadcast_in_dim3A_5 = vector.shape_cast %reduce_sum3A_4 : vector<2000xf32> to vector<2000x1xf32>
    %div3A = vector.broadcast %broadcast_in_dim3A_5 : vector<2000x1xf32> to vector<2000x2xf32>
    %div3A_6 = arith.divf %exp3A, %div3A : vector<2000x2xf32>
    %swap3A = arith.constant 0 : index
    %swap3A_7 = arith.constant 0 : index
    %swap3A_8 = vector.load %arg2[%swap3A, %swap3A_7] : memref<2000x2xf32, #tpu.memory_space<vmem>>, vector<2000x2xf32>
    tpu.vector_store %arg2[%swap3A, %swap3A_7], %div3A_6 {strides = array<i32>} : memref<2000x2xf32, #tpu.memory_space<vmem>>, vector<2000x2xf32>,
    return
  }
  func.func @transform_0(%arg0: i32) -> (i32, i32) {
    %c0_i32 = arith.constant 0 : i32
    %c0_i32_0 = arith.constant 0 : i32
    return %arg0, %c0_i32 : i32, i32
  }
  func.func @transform_1(%arg0: i32) -> (i32, i32) {
    %c0_i32 = arith.constant 0 : i32
    %c0_i32_0 = arith.constant 0 : i32
    return %arg0, %c0_i32 : i32, i32
  }
}

</mosaic_0001>

<sc_bundles>
// kernel: closed_call.13.cloned.1.call-start
scs
__scs_entry_jumppad:
0x0: {  	(pc) =	sbr.rel $0x88, $3  }
0x1: {  	(tag) =	ssettag $0x0;
	lr =	simm.s32 $0x1  }
0x2: {  	[smem:$0x3F8F] =	sst lr;
	_ =	strace $0xD0000000  }
0x3: {  	_ = 	snop  }
0x4: {  	_ = 	snop  }
0x5: {  	_ = 	snop  }
0x6: {  	_ = 	snop  }
0x7: {  	_ = 	snop  }
__scs_overlays_trampoline_lowered:
0x8: {  	[smem:$0x3F9E] =	sst s0  }
0x9: {  	[smem:$0x3F9F] =	sst s1  }
0xa: {  	[smem:$0x3FA0] =	sst s2  }
0xb: {  	[smem:$0x3FA1] =	sst s3  }
0xc: {  	[smem:$0x3FA2] =	sst s4  }
0xd: {  	[smem:$0x3FA3] =	sst s5  }
0xe: {  	[smem:$0x3FA4] =	sst s6  }
0xf: {  	[smem:$0x3FA5] =	sst s7  }
0x10: {  	[smem:$0x3FA6] =	sst s8  }
0x11: {  	[smem:$0x3FA7] =	sst s9;
	s0 =	simm.s32 @!p0 $0x0  }
0x12: {  	s1 =	sld [smem:$0x3F8D];
	s0 =	simm.s32 @p0 $0x1  }
0x13: {  	[smem:$0x3FA8] =	sst s0;
	s0 =	simm.s32 @!p1 $0x0  }
0x14: {  	s2 =	sld [smem:$0x3F8C];
	s0 =	simm.s32 @p1 $0x1  }
0x15: {  	[smem:$0x3FA9] =	sst s0;
	s0 =	simm.s32 @!p2 $0x0  }
0x16: {  	s3 =	sld [smem:$0x3FDB];
	s0 =	simm.s32 @p2 $0x1  }
0x17: {  	s4 =	simm.s32 $0x1BF5;
	[smem:$0x3FAB] =	sst s0  }
0x18: {  	s0 =	sld [smem:$0x3F8E];
	_ =	swait.ge [sflag:s4], $0x0  }
0x19: {  	s7 =	sld [smem:$0x3F8F]  }
0x1a: {  	s8 =	sadd.s32 $0xFFFFE003, lr  }
0x1b: {  	s9 =	sadd.s32 $0xFFFFFEF7, lr;
	s5 =	simm.s32 $0xFFFFFFFF;
	p2 =	slt.u32 s8, $0xFFFFF086  }
0x1c: {  	p1 =	slt.u32 s9, $0xF7A;
	s5 =	simm.s32 @!p2 $0x0  }
0x1d: {  	s5 =	simm.s32 @p1 $0x1;
	p0 =	seq.s32 s7, s2  }
0x1e: {  	s7 =	smul.u32 @!p0 $0xF7A, s2;
	p2 =	seq.s32 @!p0 s5, $0x0  }
0x1f: {  	s9 =	smul.u32 $0xF7A, s1;
	s8 =	simm.s32 @!p0 $0x1BF5;
	p2 =	por !p2, p0  }
0x20: {  	[sflag:s8] =	ssyncset.s32 @!p0 $0xFFFFF086;
	s6 =	sadd.s32 @!p0 s3, s7;
	s7 =	simm.s32 @!p0 $0x108  }
0x21: {  	s3 =	sadd.s32 s3, s9;
	s6 =	sadd.s32 @!p0 $0x88, s6;
	s7 =	simm.s32 @p2 $0x1082  }
0x22: {  	[simem:s7], [sflag:s8] =	dma.local @!p0 [hbm:s6], $0xF7A  }
0x23: {  	s9 =	sor.u32 $0xD0000000, s2;
	s6 =	simm.s32 $0x108;
	_ =	swait.ge @!p0 [sflag:s8], $0x0  }
0x24: {  	s3 =	sadd.s32 $0x88, s3;
	s6 =	simm.s32 @!p1 $0x1082;
	[sflag:s4] =	ssyncset.s32 $0xFFFFF086  }
0x25: {  	[simem:s6], [sflag:s4] =	dma.local [hbm:s3], $0xF7A  }
0x26: {  	[smem:$0x3F8F] =	sst s1;
	(tag) =	ssettag s2;
	_ =	strace s9  }
0x27: {  	s1 =	sld [smem:$0x3F9F]  }
0x28: {  	s2 =	sld [smem:$0x3FA0]  }
0x29: {  	s4 =	sld [smem:$0x3FA2]  }
0x2a: {  	p0 =	seq.s32 s5, $0x0;
	s5 =	sld [smem:$0x3FA3]  }
0x2b: {  	s6 =	sld [smem:$0x3FA4]  }
0x2c: {  	s7 =	sld [smem:$0x3FA5]  }
0x2d: {  	s3 =	simm.s32 $0x108;
	s8 =	sld [smem:$0x3FA6]  }
0x2e: {  	s3 =	simm.s32 @!p0 $0x1082;
	s9 =	sld [smem:$0x3FA7]  }
0x2f: {  	lr =	sadd.s32 s0, s3;
	s0 =	sld [smem:$0x3F9E]  }
0x30: {  	s3 =	sld [smem:$0x3FA1]  }
0x31: {  	[smem:$0x3FAA] =	sst s10  }
0x32: {  	s10 =	sld [smem:$0x3FA8];
	_ =	sdelay $0x3  }
0x33: {  	p0 =	seq.s32 s10, $0x1;
	s10 =	sld [smem:$0x3FAA];
	_ =	sdelay $0x3  }
0x34: {  	[smem:$0x3FAA] =	sst s10  }
0x35: {  	s10 =	sld [smem:$0x3FA9];
	_ =	sdelay $0x3  }
0x36: {  	p1 =	seq.s32 s10, $0x1;
	s10 =	sld [smem:$0x3FAA];
	_ =	sdelay $0x3  }
0x37: {  	[smem:$0x3FAA] =	sst s10  }
0x38: {  	s10 =	sld [smem:$0x3FAB]  }
0x39: {  	_ = 	snop;
	(pc) =	sbr.ind lr, $3  }
0x3a: {  	_ = 	snop  }
0x3b: {  	_ = 	snop  }
0x3c: {  	p2 =	seq.s32 s10, $0x1;
	s10 =	sld [smem:$0x3FAA]  }
0x3d: {  	_ =	shalt  }
0x3e: {  	_ =	shalt  }
0x3f: {  	_ =	shalt  }
0x40: {  	_ =	shalt  }
0x41: {  	_ =	shalt  }
0x42: {  	_ =	shalt  }
0x43: {  	_ =	shalt  }
0x44: {  	_ =	shalt  }
0x45: {  	_ =	shalt  }
0x46: {  	_ =	shalt  }
0x47: {  	_ =	shalt  }
0x48: {  	_ =	shalt  }
0x49: {  	_ =	shalt  }
0x4a: {  	_ =	shalt  }
0x4b: {  	_ =	shalt  }
0x4c: {  	_ =	shalt  }
0x4d: {  	_ =	shalt  }
0x4e: {  	_ =	shalt  }
0x4f: {  	_ =	shalt  }
0x50: {  	_ =	shalt  }
0x51: {  	_ =	shalt  }
0x52: {  	_ =	shalt  }
0x53: {  	_ =	shalt  }
0x54: {  	_ =	shalt  }
0x55: {  	_ =	shalt  }
0x56: {  	_ =	shalt  }
0x57: {  	_ =	shalt  }
0x58: {  	_ =	shalt  }
0x59: {  	_ =	shalt  }
0x5a: {  	_ =	shalt  }
0x5b: {  	_ =	shalt  }
0x5c: {  	_ =	shalt  }
0x5d: {  	_ =	shalt  }
0x5e: {  	_ =	shalt  }
0x5f: {  	_ =	shalt  }
0x60: {  	_ =	shalt  }
0x61: {  	_ =	shalt  }
0x62: {  	_ =	shalt  }
0x63: {  	_ =	shalt  }
0x64: {  	_ =	shalt  }
0x65: {  	_ =	shalt  }
0x66: {  	_ =	shalt  }
0x67: {  	_ =	shalt  }
0x68: {  	_ =	shalt  }
0x69: {  	_ =	shalt  }
0x6a: {  	_ =	shalt  }
0x6b: {  	_ =	shalt  }
0x6c: {  	_ =	shalt  }
0x6d: {  	_ =	shalt  }
0x6e: {  	_ =	shalt  }
0x6f: {  	_ =	shalt  }
0x70: {  	_ =	shalt  }
0x71: {  	_ =	shalt  }
0x72: {  	_ =	shalt  }
0x73: {  	_ =	shalt  }
0x74: {  	_ =	shalt  }
0x75: {  	_ =	shalt  }
0x76: {  	_ =	shalt  }
0x77: {  	_ =	shalt  }
0x78: {  	_ =	shalt  }
0x79: {  	_ =	shalt  }
0x7a: {  	_ =	shalt  }
0x7b: {  	_ =	shalt  }
0x7c: {  	_ =	shalt  }
0x7d: {  	_ =	shalt  }
0x7e: {  	_ =	shalt  }
0x7f: {  	_ =	shalt  }
0x80: {  	_ =	shalt  }
0x81: {  	_ =	shalt  }
0x82: {  	_ =	shalt  }
0x83: {  	_ =	shalt  }
0x84: {  	_ =	shalt  }
0x85: {  	_ =	shalt  }
0x86: {  	_ =	shalt  }
0x87: {  	_ =	shalt  }
.Lfunc_end0:
.L_simem_size_0:
called_computation_lowered:
.L_overlay_start_0:
0x88: {  	s2 =	sld [smem:$0x3FD9]  }
0x89: {  	s3 =	sld [smem:$0x3FFE];
	_ =	sdelay $0x1  }
0x8a: {  	s1 =	srdreg.scid  }
0x8b: {  	s0 =	sand.u32 $0x1, s1  }
0x8c: {  	s16 =	sshll.u32 s0, $0xA;
	s2 =	sadd.s32 s3, s2  }
0x8d: {  	s2 =	sadd.s32 s2, s16  }
0x8e: {  	[smem:$0x3FB6] =	sst s2  }
0x8f: {  	_ = 	snop  }
0x90: {  	(tm) =	ssettm $0x1  }
0x91: {  	s17 =	sld [smem:$0x3FFB];
	_ =	sdelay $0x3  }
0x92: {  	_ =	strace s17  }
0x93: {  	s2 =	sld [smem:$0x3FFC];
	_ =	sdelay $0x3  }
0x94: {  	_ =	strace s2  }
0x95: {  	s2 =	sld [smem:$0x3FFD];
	_ =	sdelay $0x3  }
0x96: {  	_ =	strace s2  }
0x97: {  	_ =	strace $0x8FFFFFFF  }
0x98: {  	s18 =	sld [smem:$0x3FDB];
	_ =	sdelay $0x1  }
0x99: {  	s19 =	simm.s32 $_scs_section_size  }
0x9a: {  	s4 =	simm.s32 $_size__tile_overlayer_lowered;
	s5 =	simm.s32 $_tile_overlayer_lowered  }
0x9b: {  	s22 =	simm.s32 $0x1BFF;
	s21 =	sshll.u32 s5, $0x1;
	s2 =	sadd.s32 s19, s18  }
0x9c: {  	s6 =	simm.s32 $0x0;
	s20 =	sshll.u32 s4, $0x1;
	s4 =	sadd.s32 s21, s2  }
0x9d: {  	[timem:s6], [sflag:s22] =	dma.local [hbm:s4], s20  }
0x9e: {  	_ =	swait.ge [sflag:s22], s20  }
0x9f: {  	s3 =	ssub.s32 $0x0, s20;
	[sflag:s22] =	ssyncset.done $0x0  }
0xa0: {  	[sflag:s22] =	ssyncadd.s32 s3;
	_ =	sdelay $0x1  }
0xa1: {  	s23 =	simm.s32 $0x1B8B  }
0xa2: {  	_ =	swait.ge [sflag:s23], $0x1  }
0xa3: {  	[sflag:s23] =	ssyncset.done $0x0  }
0xa4: {  	s25 =	simm.s32 $0x1B8E;
	s24 =	sld [smem:$0x3FFE];
	[sflag:s23] =	ssyncadd.s32 $0xFFFFFFFF  }
0xa5: {  	s26 =	simm.s32 $execute0_lowered;
	[smem:$0x3FD2] =	sst s25  }
0xa6: {  	s4 =	sshll.u32 s26, $0x1;
	_ =	strace $0x80000046;
	[dreg:$0x1] =	wrdreg $0xFFFFFFFF  }
0xa7: {  	s28 =	simm.s32 $_size_execute0_lowered;
	s2 =	sadd.s32 s2, s4;
	[dreg:$0x0] =	wrdreg $0x0  }
0xa8: {  	s4 =	sshll.u32 s28, $0x1;
	[dreg:$0x2] =	wrdreg s2  }
0xa9: {  	[dreg:$0x3] =	wrdreg s4  }
0xaa: {  	[dreg:$0x4] =	wrdreg $0xC0  }
0xab: {  	_ =	task [dreg:s6], $0x5FFFF  }
0xac: {  	[dreg:$0x1] =	wrdreg $0xFFFFFFFF  }
0xad: {  	[dreg:$0x0] =	wrdreg $0x60  }
0xae: {  	[dreg:$0x2] =	wrdreg s24  }
0xaf: {  	[dreg:$0x3] =	wrdreg $0x12A000  }
0xb0: {  	[dreg:$0x4] =	wrdreg $0x9  }
0xb1: {  	_ =	task.clear_ibuf [dreg:s6], $0x5FFFF;
	_ =	strace $0x90000046  }
0xb2: {  	s29 =	simm.s32 $0x9;
	_ =	strace $0x80000048  }
0xb3: {  	_ =	swait.ge [sflag:s29], $0x1  }
0xb4: {  	[sflag:s29] =	ssyncadd.s32 $0xFFFFFFFF  }
0xb5: {  	_ =	strace $0x90000048  }
0xb6: {  	_ =	sfence  }
0xb7: {  	s30 =	sld [smem:$0x0];
	_ =	sdelay $0x2  }
0xb8: {  	s31 =	sshll.u32 s1, $0xD;
	s1 =	sshrl.u32 s1, $0x2  }
0xb9: {  	s3 =	sand.u32 $0x4000, s31;
	s1 =	sadd.s32 s1, s30  }
0xba: {  	s0 =	sor.u32 s3, s0;
	s1 =	sshll.u32 s1, $0x11  }
0xbb: {  	s0 =	sor.u32 s1, s0  }
0xbc: {  	s0 =	sadd.s32 $0x8F2B, s0  }
0xbd: {  	[sflag:s0] =	ssyncadd.remote.s32 $0x1  }
0xbe: {  	_ =	sfence.sel $0xFFFF  }
0xbf: {  	[dreg:$0x0] =	wrdreg $0xFFFFFFFF;
	(pc) =	sbr.abs _section_cstart, $3  }
0xc0: {  	[dreg:$0x1] =	wrdreg $0xFFFFFFFF  }
0xc1: {  	_ =	task.clear_ibuf [dreg:s6], $0x2FFFF;
	_ =	strace $0x9FFFFFFF  }
0xc2: {  	(tm) =	ssettm $0x7FFFFFFF  }
0xc3: {  	_ =	shalt  }
tec
execute0_lowered:
.L_overlay_start_1:
0x0: {  	(tag) =	ssettag $0x1  }
0x1: {  	s0 =	rddreg [dreg:$0x0]  }
0x2: {  	s1 =	rddreg [dreg:$0x1]  }
0x3: {  	s11 =	simm.s32 $0x0;
	s2 =	srdreg.scid;
	s9 =	stileid.u32  }
0x4: {  	s17 =	simm.s32 $0x7000;
	s18 =	simm.s32 $0x1;
	s19 =	simm.s32 $0x80  }
0x5: {  	s20 =	simm.s32 $0xA800;
	s28 =	simm.s32 $0x3;
	s29 =	simm.s32 $0x4  }
0x6: {  	s30 =	simm.s32 $0x5;
	s31 =	simm.s32 $0x6;
	s13 =	simm.s32 $0x8  }
0x7: {  	[smem:$0x7FF] =	sst s11;
	s3 =	sadd.s32 $0x63600, s0;
	s5 =	sadd.s32 $0x6E0C00, s0  }
0x8: {  	s6 =	sadd.s32 $0x868C00, s0;
	s7 =	sadd.s32 $0x1600, s0;
	s2 =	sand.u32 $0x1, s2  }
0x9: {  	s0 =	sadd.s32 $0x94400, s0;
	s4 =	smul.u32 $0x18800, s9;
	_ =	strace $0x80000047  }
0xa: {  	[dreg:$0x4] =	wrdreg s0;
	s21 =	sshll.u32 s2, $0x4;
	s25 =	smul.u32 $0x188000, s2  }
0xb: {  	s8 =	ssub.s32 $0x2, s2;
	s0 =	sor.u32 s9, s21;
	s9 =	smul.u32 $0x620, s9  }
0xc: {  	s2 =	simm.s32 $0x9;
	s22 =	sshrl.u32 s8, $0x1;
	s10 =	smul.u32 $0x310, s0  }
.Ltmp0:
0xd: {  	s23 =	sshrl.u32 s4, $0x2;
	s21 =	simm.s32 $0xB000;
	(pc) =	sbr.rel .LBB2_1-.Ltmp0, $4  }
0xe: {  	s24 =	ssub.s32 s8, s22;
	s12 =	sadd.s32 s23, s1;
	[dreg:$0x7] =	wrdreg s25  }
0xf: {  	s23 =	simm.s32 $0xB800;
	s25 =	simm.s32 $0xC000;
	[dreg:$0x5] =	wrdreg s9  }
0x10: {  	s0 =	simm.s32 $0x7;
	s26 =	smax.u32 s24, $0x1;
	[dreg:$0x6] =	wrdreg s12  }
0x11: {  	v0 =	vimm.f32 $0.0e+00;
	s9 =	simm.s32 $0xA;
	[dreg:$0x8] =	wrdreg s26;
	s26 =	simm.s32 $0x2  }
.LBB2_18:
0x12: {  	s11 =	rddreg [dreg:$0x3]  }
0x13: {  	s4 =	rddreg [dreg:$0x8];
	s11 =	sadd.s32 $0x1, s11  }
0x14: {  	p0 =	sne.s32 s11, s4  }
.Ltmp1:
0x15: {  	_ = 	snop;
	(pc) =	sbr.rel @!p0 .LBB2_19-.Ltmp1, $1  }
0x16: {  	_ =	sdelay $0x3  }
.LBB2_1:
0x17: {  	s4 =	simm.s32 $0xC840  }
0x18: {  	[tilespmem:s4+$0xFFFFFFC0] =	vst v0  }
0x19: {  	[tilespmem:s4+$0x30] =	vst v0  }
0x1a: {  	[tilespmem:s4+$0x20] =	vst v0  }
0x1b: {  	[tilespmem:s4+$0x10] =	vst v0  }
0x1c: {  	[tilespmem:s4+$0x0] =	vst v0  }
0x1d: {  	[tilespmem:s4+$0xFFFFFFF0] =	vst v0  }
0x1e: {  	[dreg:$0x3] =	wrdreg s11;
	s8 =	simm.s32 $0x0;
	[tilespmem:s4+$0xFFFFFFE0] =	vst v0  }
.LBB2_2:
0x1f: {  	s8 =	sadd.s32 $0x8, s8;
	[tilespmem:s4+$0xFFFFFFD0] =	vst v0;
	s4 =	sadd.s32 $0x80, s4  }
0x20: {  	[tilespmem:s4+$0xFFFFFFC0] =	vst v0;
	p0 =	slt.u32 s8, $0x618  }
0x21: {  	[tilespmem:s4+$0x30] =	vst v0  }
.Ltmp2:
0x22: {  	[tilespmem:s4+$0x20] =	vst v0;
	(pc) =	sbr.rel @p0 .LBB2_2-.Ltmp2, $4  }
0x23: {  	[tilespmem:s4+$0x10] =	vst v0  }
0x24: {  	[tilespmem:s4+$0x0] =	vst v0  }
0x25: {  	[tilespmem:s4+$0xFFFFFFF0] =	vst v0  }
0x26: {  	[tilespmem:s4+$0xFFFFFFE0] =	vst v0  }
.Ltmp3:
0x27: {  	(pc) =	sbr.rel .LBB2_4-.Ltmp3, $2  }
0x28: {  	_ =	sdelay $0x2  }
0x29: {  	[tilespmem:s4+$0xFFFFFFD0] =	vst v0;
	s11 =	simm.s32 $0x0  }
.LBB2_17:
0x2a: {  	s11 =	rddreg [dreg:$0x9]  }
0x2b: {  	s8 =	rddreg [dreg:$0x5];
	s4 =	smul.u32 $0x6200, s11  }
0x2c: {  	s16 =	rddreg [dreg:$0x7];
	[bflag:$0x0] =	sbarrier.arrive $0xFFFF  }
0x2d: {  	s9 =	rddreg [dreg:$0x4];
	s4 =	sadd.s32 s8, s4  }
0x2e: {  	s22 =	stileid.u32;
	s12 =	rddreg [dreg:$0x6];
	s4 =	sshll.u32 s4, $0x4  }
0x2f: {  	s11 =	sadd.s32 $0x1, s11;
	s24 =	sshrl.u32 s12, $0x3;
	s4 =	sadd.s32 s16, s4  }
0x30: {  	p0 =	sne.s32 s11, $0x4;
	s8 =	sshll.u32 s22, $0x6;
	s4 =	sshrl.u32 s4, $0x3  }
0x31: {  	s8 =	sor.u32 $0x1C0A, s8;
	s4 =	sadd.s32 s9, s4;
	s9 =	simm.s32 $0xA  }
0x32: {  	[hbm:s4], [sflag:s8] =	dma.local [spmem:s24], $0xC40  }
.Ltmp4:
0x33: {  	_ =	swait.ge [sflag:s9], $0xC40;
	(pc) =	sbr.rel @!p0 .LBB2_18-.Ltmp4, $3  }
0x34: {  	[sflag:s9] =	ssyncset.done $0x0  }
0x35: {  	[sflag:s9] =	ssyncadd.s32 $0xFFFFF3C0  }
0x36: {  	[bflag:$0x0] =	sbarrier.arrive $0xFFFF;
	_ =	sdelay $0x1  }
.LBB2_4:
0x37: {  	s4 =	simm.s32 $0xC800  }
0x38: {  	[spmem:s12] =	stream.linear.scatter [tilespmem:s4], [sflag:$0xA], $0x6200, $0x38;
	[tilespmem:$0x18C00] =	vst v63  }
.Ltmp5:
0x39: {  	_ =	swait.ge [sflag:s9], $0x6200;
	(pc) =	sbr.rel .LBB2_5-.Ltmp5, $4  }
0x3a: {  	[sflag:s9] =	ssyncset.done $0x0  }
0x3b: {  	[sflag:s9] =	ssyncadd.s32 $0xFFFF9E00  }
0x3c: {  	[bflag:$0x0] =	sbarrier.arrive $0xFFFF  }
0x3d: {  	s14 =	smul.u32 $0x310000, s11;
	s8 =	simm.s32 $0x0;
	[dreg:$0x9] =	wrdreg s11  }
.LBB2_16:
0x3e: {  	_ =	swait.ge [sflag:s0], $0x800  }
0x3f: {  	[sflag:s0] =	ssyncset.done $0x0  }
0x40: {  	s8 =	sadd.s32 $0x1, s8;
	[sflag:s0] =	ssyncadd.s32 $0xFFFFF800  }
0x41: {  	p0 =	sne.s32 s8, $0x7;
	_ =	swait.ge [sflag:s13], $0x800  }
.Ltmp6:
0x42: {  	[sflag:s13] =	ssyncset.done $0x0;
	(pc) =	sbr.rel @!p0 .LBB2_17-.Ltmp6, $4  }
0x43: {  	[sflag:s13] =	ssyncadd.s32 $0xFFFFF800  }
0x44: {  	_ =	swait.ge [sflag:s2], $0x800  }
0x45: {  	[sflag:s2] =	ssyncset.done $0x0  }
0x46: {  	[sflag:s2] =	ssyncadd.s32 $0xFFFFF800  }
.LBB2_5:
0x47: {  	s4 =	smul.u32 $0x70, s8;
	_ =	sdelay $0x1  }
0x48: {  	s4 =	sadd.s32 s10, s4  }
0x49: {  	s9 =	sshll.u32 s4, $0x7  }
0x4a: {  	s9 =	sadd.s32 s14, s9  }
0x4b: {  	s11 =	sshrl.u32 s9, $0x3  }
0x4c: {  	s9 =	simm.s32 $0x0;
	s12 =	sadd.s32 s5, s11  }
0x4d: {  	[tilespmem:s9], [sflag:$0x1] =	stream.linear.gather [hbm4b:s12+s9], $0x3800, $0x38;
	[tilespmem:$0x18C00] =	vst v63  }
0x4e: {  	s16 =	simm.s32 $0x3800;
	s4 =	sshll.u32 s4, $0x4;
	s11 =	sadd.s32 s6, s11  }
0x4f: {  	[tilespmem:s16], [sflag:$0x1] =	stream.linear.gather [hbm4b:s11+s9], $0x3800, $0x38;
	[tilespmem:$0x18C00] =	vst v63  }
0x50: {  	s4 =	sadd.s32 s7, s4  }
0x51: {  	[tilespmem:s17], [sflag:$0x1] =	stream.linear.gather [hbm4b:s4+s9], $0x3800, $0x38;
	[tilespmem:$0x18C00] =	vst v63  }
0x52: {  	_ =	swait.ge [sflag:s18], $0x3800  }
0x53: {  	[sflag:s18] =	ssyncset.done $0x0  }
0x54: {  	[sflag:s18] =	ssyncadd.s32 $0xFFFFC800  }
0x55: {  	_ =	swait.ge [sflag:s18], $0x3800  }
0x56: {  	[sflag:s18] =	ssyncset.done $0x0  }
0x57: {  	[sflag:s18] =	ssyncadd.s32 $0xFFFFC800  }
0x58: {  	_ =	swait.ge [sflag:s18], $0x3800  }
0x59: {  	[sflag:s18] =	ssyncset.done $0x0  }
0x5a: {  	[sflag:s18] =	ssyncadd.s32 $0xFFFFC800;
	(ifvalue) =	ssetifvalue $0xFFFFFFFF  }
0x5b: {  	(ifvalue) =	ssetifvalue $0xFFFFFFFF  }
0x5c: {  	[tilespmem:s20], [sflag:$0x2] =	stream.indirect.gather [hbm4b:s3+s19], $0x10, s9, s19, $0x40b8;
	[tilespmem:$0x18C00] =	vst v63  }
0x5d: {  	(ifvalue) =	ssetifvalue $0xFFFFFFFF  }
0x5e: {  	(ifvalue) =	ssetifvalue $0xFFFFFFFF  }
0x5f: {  	[tilespmem:s21], [sflag:$0x3] =	stream.indirect.gather [hbm4b:s3+s19], $0x10, s19, s19, $0x40b8;
	[tilespmem:$0x18C00] =	vst v63  }
0x60: {  	(ifvalue) =	ssetifvalue $0xFFFFFFFF  }
0x61: {  	s22 =	simm.s32 $0x100;
	(ifvalue) =	ssetifvalue $0xFFFFFFFF  }
0x62: {  	[tilespmem:s23], [sflag:$0x4] =	stream.indirect.gather [hbm4b:s3+s19], $0x10, s22, s19, $0x40b8;
	[tilespmem:$0x18C00] =	vst v63  }
0x63: {  	(ifvalue) =	ssetifvalue $0xFFFFFFFF  }
0x64: {  	s24 =	simm.s32 $0x180;
	s12 =	simm.s32 $0x0;
	(ifvalue) =	ssetifvalue $0xFFFFFFFF  }
0x65: {  	[tilespmem:s25], [sflag:$0x5] =	stream.indirect.gather [hbm4b:s3+s19], $0x10, s24, s19, $0x40b8;
	[tilespmem:$0x18C00] =	vst v63  }
.LBB2_6:
0x66: {  	s4 =	sshll.u32 s12, $0x9  }
0x67: {  	v1 =	vmov s4  }
0x68: {  	v2 =	vor.u32 s9, v1  }
0x69: {  	_ =	swait.ge [sflag:s26], $0x800  }
0x6a: {  	[sflag:s26] =	ssyncset.done $0x0  }
0x6b: {  	s4 =	simm.s32 $0xA880;
	[sflag:s26] =	ssyncadd.s32 $0xFFFFF800  }
0x6c: {  	v4 =	vld [tilespmem:s4+$0xFFFFFF80]  }
0x6d: {  	v3 =	vld.idx.msk [tilespmem:v2+s17+$0x0], $0xffff;
	_ =	sdelay $0x2  }
0x6e: {  	v5 =	vor.u32 $0x1, v2;
	_ =	sdelay $0x1  }
0x6f: {  	v3 =	vmul.f32 v4, v3;
	_ =	sdelay $0x1  }
0x70: {  	v4 =	vld [tilespmem:s4+$0xFFFFFF90];
	[tilespmem:s4+$0xFFFFFF80] =	vst v3  }
0x71: {  	v3 =	vld.idx.msk [tilespmem:v5+s17+$0x0], $0xffff;
	_ =	sdelay $0x2  }
0x72: {  	v5 =	vor.u32 $0x2, v2;
	_ =	sdelay $0x1  }
0x73: {  	v3 =	vmul.f32 v4, v3;
	_ =	sdelay $0x1  }
0x74: {  	v4 =	vld [tilespmem:s4+$0xFFFFFFA0];
	[tilespmem:s4+$0xFFFFFF90] =	vst v3  }
0x75: {  	v3 =	vld.idx.msk [tilespmem:v5+s17+$0x0], $0xffff;
	_ =	sdelay $0x2  }
0x76: {  	v5 =	vor.u32 $0x3, v2;
	_ =	sdelay $0x1  }
0x77: {  	v3 =	vmul.f32 v4, v3;
	_ =	sdelay $0x1  }
0x78: {  	v4 =	vld [tilespmem:s4+$0xFFFFFFB0];
	[tilespmem:s4+$0xFFFFFFA0] =	vst v3  }
0x79: {  	v3 =	vld.idx.msk [tilespmem:v5+s17+$0x0], $0xffff;
	_ =	sdelay $0x2  }
0x7a: {  	v5 =	vor.u32 $0x4, v2;
	_ =	sdelay $0x1  }
0x7b: {  	v3 =	vmul.f32 v4, v3;
	_ =	sdelay $0x1  }
0x7c: {  	v4 =	vld [tilespmem:s4+$0xFFFFFFC0];
	[tilespmem:s4+$0xFFFFFFB0] =	vst v3  }
0x7d: {  	v3 =	vld.idx.msk [tilespmem:v5+s17+$0x0], $0xffff;
	_ =	sdelay $0x2  }
0x7e: {  	v5 =	vor.u32 $0x5, v2;
	_ =	sdelay $0x1  }
0x7f: {  	v3 =	vmul.f32 v4, v3;
	_ =	sdelay $0x1  }
0x80: {  	v4 =	vld [tilespmem:s4+$0xFFFFFFD0];
	[tilespmem:s4+$0xFFFFFFC0] =	vst v3  }
0x81: {  	v3 =	vld.idx.msk [tilespmem:v5+s17+$0x0], $0xffff;
	_ =	sdelay $0x2  }
0x82: {  	v5 =	vor.u32 $0x6, v2;
	_ =	sdelay $0x1  }
0x83: {  	v3 =	vmul.f32 v4, v3;
	_ =	sdelay $0x1  }
0x84: {  	v4 =	vld [tilespmem:s4+$0xFFFFFFE0];
	[tilespmem:s4+$0xFFFFFFD0] =	vst v3  }
0x85: {  	v3 =	vld.idx.msk [tilespmem:v5+s17+$0x0], $0xffff;
	_ =	sdelay $0x2  }
0x86: {  	v2 =	vor.u32 $0x7, v2;
	_ =	sdelay $0x1  }
0x87: {  	v3 =	vmul.f32 v4, v3;
	_ =	sdelay $0x1  }
0x88: {  	v4 =	vld [tilespmem:s4+$0xFFFFFFF0];
	[tilespmem:s4+$0xFFFFFFE0] =	vst v3  }
0x89: {  	v3 =	vld.idx.msk [tilespmem:v2+s17+$0x0], $0xffff;
	_ =	sdelay $0x1  }
0x8a: {  	v2 =	vor.u32 $0x8, v1  }
0x8b: {  	v5 =	vor.u32 s9, v2;
	_ =	sdelay $0x1  }
0x8c: {  	v3 =	vmul.f32 v4, v3;
	_ =	sdelay $0x1  }
0x8d: {  	v4 =	vld [tilespmem:s4+$0x0];
	[tilespmem:s4+$0xFFFFFFF0] =	vst v3  }
0x8e: {  	v3 =	vld.idx.msk [tilespmem:v5+s17+$0x0], $0xffff;
	_ =	sdelay $0x2  }
0x8f: {  	v6 =	vor.u32 $0x1, v5;
	_ =	sdelay $0x1  }
0x90: {  	v3 =	vmul.f32 v4, v3;
	_ =	sdelay $0x1  }
0x91: {  	v4 =	vld [tilespmem:s4+$0x10];
	[tilespmem:s4+$0x0] =	vst v3  }
0x92: {  	v3 =	vld.idx.msk [tilespmem:v6+s17+$0x0], $0xffff;
	_ =	sdelay $0x2  }
0x93: {  	v6 =	vor.u32 $0x2, v5;
	_ =	sdelay $0x1  }
0x94: {  	v3 =	vmul.f32 v4, v3;
	_ =	sdelay $0x1  }
0x95: {  	v4 =	vld [tilespmem:s4+$0x20];
	[tilespmem:s4+$0x10] =	vst v3  }
0x96: {  	v3 =	vld.idx.msk [tilespmem:v6+s17+$0x0], $0xffff;
	_ =	sdelay $0x2  }
0x97: {  	v6 =	vor.u32 $0x3, v5;
	_ =	sdelay $0x1  }
0x98: {  	v3 =	vmul.f32 v4, v3;
	_ =	sdelay $0x1  }
0x99: {  	v4 =	vld [tilespmem:s4+$0x30];
	[tilespmem:s4+$0x20] =	vst v3  }
0x9a: {  	v3 =	vld.idx.msk [tilespmem:v6+s17+$0x0], $0xffff;
	_ =	sdelay $0x2  }
0x9b: {  	v6 =	vor.u32 $0x4, v5;
	_ =	sdelay $0x1  }
0x9c: {  	v3 =	vmul.f32 v4, v3;
	_ =	sdelay $0x1  }
0x9d: {  	v4 =	vld [tilespmem:s4+$0x40];
	[tilespmem:s4+$0x30] =	vst v3  }
0x9e: {  	v3 =	vld.idx.msk [tilespmem:v6+s17+$0x0], $0xffff;
	_ =	sdelay $0x2  }
0x9f: {  	v6 =	vor.u32 $0x5, v5;
	_ =	sdelay $0x1  }
0xa0: {  	v3 =	vmul.f32 v4, v3;
	_ =	sdelay $0x1  }
0xa1: {  	v4 =	vld [tilespmem:s4+$0x50];
	[tilespmem:s4+$0x40] =	vst v3  }
0xa2: {  	v3 =	vld.idx.msk [tilespmem:v6+s17+$0x0], $0xffff;
	_ =	sdelay $0x2  }
0xa3: {  	v6 =	vor.u32 $0x6, v5;
	_ =	sdelay $0x1  }
0xa4: {  	v3 =	vmul.f32 v4, v3;
	_ =	sdelay $0x1  }
0xa5: {  	v4 =	vld [tilespmem:s4+$0x60];
	[tilespmem:s4+$0x50] =	vst v3  }
0xa6: {  	v3 =	vld.idx.msk [tilespmem:v6+s17+$0x0], $0xffff;
	_ =	sdelay $0x2  }
0xa7: {  	v5 =	vor.u32 $0x7, v5;
	_ =	sdelay $0x1  }
0xa8: {  	v3 =	vmul.f32 v4, v3;
	_ =	sdelay $0x1  }
0xa9: {  	[tilespmem:s4+$0x60] =	vst v3  }
0xaa: {  	v4 =	vld.idx.msk [tilespmem:v5+s17+$0x0], $0xffff  }
0xab: {  	v5 =	vld [tilespmem:s4+$0x70];
	_ =	sdelay $0x1  }
0xac: {  	s11 =	simm.s32 $0x10  }
0xad: {  	s15 =	sshll.u32 s12, $0x2;
	s16 =	simm.s32 $0x20;
	v3 =	vor.u32 s11, v1  }
.LBB2_7:
0xae: {  	p0 =	sne.s32 s16, $0x70  }
0xaf: {  	v4 =	vmul.f32 v5, v4;
	_ =	sdelay $0x1  }
0xb0: {  	[tilespmem:s4+$0x70] =	vst v4  }
0xb1: {  	s4 =	sadd.s32 $0x100, s4;
	v4 =	vld.idx.msk [tilespmem:v3+s17+$0x0], $0xffff  }
0xb2: {  	v5 =	vld [tilespmem:s4+$0xFFFFFF80];
	_ =	sdelay $0x2  }
0xb3: {  	v6 =	vor.u32 $0x1, v3;
	_ =	sdelay $0x1  }
0xb4: {  	v4 =	vmul.f32 v5, v4;
	_ =	sdelay $0x1  }
0xb5: {  	[tilespmem:s4+$0xFFFFFF80] =	vst v4  }
0xb6: {  	v4 =	vld.idx.msk [tilespmem:v6+s17+$0x0], $0xffff  }
0xb7: {  	v5 =	vld [tilespmem:s4+$0xFFFFFF90];
	_ =	sdelay $0x2  }
0xb8: {  	v6 =	vor.u32 $0x2, v3;
	_ =	sdelay $0x1  }
0xb9: {  	v4 =	vmul.f32 v5, v4;
	_ =	sdelay $0x1  }
0xba: {  	[tilespmem:s4+$0xFFFFFF90] =	vst v4  }
0xbb: {  	v4 =	vld.idx.msk [tilespmem:v6+s17+$0x0], $0xffff  }
0xbc: {  	v5 =	vld [tilespmem:s4+$0xFFFFFFA0];
	_ =	sdelay $0x2  }
0xbd: {  	v6 =	vor.u32 $0x3, v3;
	_ =	sdelay $0x1  }
0xbe: {  	v4 =	vmul.f32 v5, v4;
	_ =	sdelay $0x1  }
0xbf: {  	[tilespmem:s4+$0xFFFFFFA0] =	vst v4  }
0xc0: {  	v4 =	vld.idx.msk [tilespmem:v6+s17+$0x0], $0xffff  }
0xc1: {  	v5 =	vld [tilespmem:s4+$0xFFFFFFB0];
	_ =	sdelay $0x2  }
0xc2: {  	v6 =	vor.u32 $0x4, v3;
	_ =	sdelay $0x1  }
0xc3: {  	v4 =	vmul.f32 v5, v4;
	_ =	sdelay $0x1  }
0xc4: {  	[tilespmem:s4+$0xFFFFFFB0] =	vst v4  }
0xc5: {  	v4 =	vld.idx.msk [tilespmem:v6+s17+$0x0], $0xffff  }
0xc6: {  	v5 =	vld [tilespmem:s4+$0xFFFFFFC0];
	_ =	sdelay $0x2  }
0xc7: {  	v6 =	vor.u32 $0x5, v3;
	_ =	sdelay $0x1  }
0xc8: {  	v4 =	vmul.f32 v5, v4;
	_ =	sdelay $0x1  }
0xc9: {  	[tilespmem:s4+$0xFFFFFFC0] =	vst v4  }
0xca: {  	v4 =	vld.idx.msk [tilespmem:v6+s17+$0x0], $0xffff  }
0xcb: {  	v5 =	vld [tilespmem:s4+$0xFFFFFFD0];
	_ =	sdelay $0x2  }
0xcc: {  	v6 =	vor.u32 $0x6, v3;
	_ =	sdelay $0x1  }
0xcd: {  	v4 =	vmul.f32 v5, v4;
	_ =	sdelay $0x1  }
0xce: {  	[tilespmem:s4+$0xFFFFFFD0] =	vst v4  }
0xcf: {  	v4 =	vld.idx.msk [tilespmem:v6+s17+$0x0], $0xffff  }
0xd0: {  	v5 =	vld [tilespmem:s4+$0xFFFFFFE0];
	_ =	sdelay $0x2  }
0xd1: {  	v3 =	vor.u32 $0x7, v3;
	_ =	sdelay $0x1  }
0xd2: {  	v4 =	vmul.f32 v5, v4;
	_ =	sdelay $0x1  }
0xd3: {  	[tilespmem:s4+$0xFFFFFFE0] =	vst v4  }
0xd4: {  	v3 =	vld.idx.msk [tilespmem:v3+s17+$0x0], $0xffff  }
0xd5: {  	v4 =	vld [tilespmem:s4+$0xFFFFFFF0];
	_ =	sdelay $0x2  }
0xd6: {  	v5 =	vor.u32 s11, v2;
	s11 =	smov.u32 s16;
	_ =	sdelay $0x1  }
0xd7: {  	v3 =	vmul.f32 v4, v3;
	_ =	sdelay $0x1  }
0xd8: {  	[tilespmem:s4+$0xFFFFFFF0] =	vst v3  }
0xd9: {  	v3 =	vld.idx.msk [tilespmem:v5+s17+$0x0], $0xffff  }
0xda: {  	v4 =	vld [tilespmem:s4+$0x0];
	_ =	sdelay $0x2  }
0xdb: {  	v6 =	vor.u32 $0x1, v5;
	_ =	sdelay $0x1  }
0xdc: {  	v3 =	vmul.f32 v4, v3;
	_ =	sdelay $0x1  }
0xdd: {  	[tilespmem:s4+$0x0] =	vst v3  }
0xde: {  	v3 =	vld.idx.msk [tilespmem:v6+s17+$0x0], $0xffff  }
0xdf: {  	v4 =	vld [tilespmem:s4+$0x10];
	_ =	sdelay $0x2  }
0xe0: {  	v6 =	vor.u32 $0x2, v5;
	_ =	sdelay $0x1  }
0xe1: {  	v3 =	vmul.f32 v4, v3;
	_ =	sdelay $0x1  }
0xe2: {  	[tilespmem:s4+$0x10] =	vst v3  }
0xe3: {  	v3 =	vld.idx.msk [tilespmem:v6+s17+$0x0], $0xffff  }
0xe4: {  	v4 =	vld [tilespmem:s4+$0x20];
	_ =	sdelay $0x2  }
0xe5: {  	v6 =	vor.u32 $0x3, v5;
	_ =	sdelay $0x1  }
0xe6: {  	v3 =	vmul.f32 v4, v3;
	_ =	sdelay $0x1  }
0xe7: {  	[tilespmem:s4+$0x20] =	vst v3  }
0xe8: {  	v3 =	vld.idx.msk [tilespmem:v6+s17+$0x0], $0xffff  }
0xe9: {  	v4 =	vld [tilespmem:s4+$0x30];
	_ =	sdelay $0x2  }
0xea: {  	v6 =	vor.u32 $0x4, v5;
	_ =	sdelay $0x1  }
0xeb: {  	v3 =	vmul.f32 v4, v3;
	_ =	sdelay $0x1  }
0xec: {  	[tilespmem:s4+$0x30] =	vst v3  }
0xed: {  	v3 =	vld.idx.msk [tilespmem:v6+s17+$0x0], $0xffff  }
0xee: {  	v4 =	vld [tilespmem:s4+$0x40];
	_ =	sdelay $0x2  }
0xef: {  	v6 =	vor.u32 $0x5, v5;
	_ =	sdelay $0x1  }
0xf0: {  	v3 =	vmul.f32 v4, v3;
	_ =	sdelay $0x1  }
0xf1: {  	[tilespmem:s4+$0x40] =	vst v3  }
0xf2: {  	v3 =	vld.idx.msk [tilespmem:v6+s17+$0x0], $0xffff  }
0xf3: {  	v4 =	vld [tilespmem:s4+$0x50];
	_ =	sdelay $0x2  }
0xf4: {  	v6 =	vor.u32 $0x6, v5;
	_ =	sdelay $0x1  }
0xf5: {  	v3 =	vmul.f32 v4, v3;
	_ =	sdelay $0x1  }
0xf6: {  	[tilespmem:s4+$0x50] =	vst v3  }
0xf7: {  	v3 =	vld.idx.msk [tilespmem:v6+s17+$0x0], $0xffff  }
0xf8: {  	v4 =	vld [tilespmem:s4+$0x60];
	_ =	sdelay $0x2  }
0xf9: {  	v5 =	vor.u32 $0x7, v5;
	_ =	sdelay $0x1  }
0xfa: {  	v3 =	vmul.f32 v4, v3;
	_ =	sdelay $0x1  }
0xfb: {  	[tilespmem:s4+$0x60] =	vst v3  }
.Ltmp7:
0xfc: {  	v4 =	vld.idx.msk [tilespmem:v5+s17+$0x0], $0xffff;
	(pc) =	sbr.rel @p0 .LBB2_7-.Ltmp7, $2  }
0xfd: {  	v5 =	vld [tilespmem:s4+$0x70];
	_ =	sdelay $0x2  }
0xfe: {  	s16 =	sadd.s32 $0x10, s16;
	v3 =	vor.u32 s11, v1  }
0xff: {  	_ = 	snop  }
0x100: {  	v1 =	vmul.f32 v5, v4  }
0x101: {  	s16 =	sadd.s32 $0x100, s4  }
0x102: {  	v4 =	vld [tilespmem:s16+$0xFFFFFF80];
	[tilespmem:s4+$0x70] =	vst v1  }
0x103: {  	v1 =	vld.idx.msk [tilespmem:v3+s17+$0x0], $0xffff;
	_ =	sdelay $0x2  }
0x104: {  	v5 =	vor.u32 $0x1, v3;
	_ =	sdelay $0x1  }
0x105: {  	v1 =	vmul.f32 v4, v1;
	_ =	sdelay $0x1  }
0x106: {  	v4 =	vld [tilespmem:s16+$0xFFFFFF90];
	[tilespmem:s16+$0xFFFFFF80] =	vst v1  }
0x107: {  	v1 =	vld.idx.msk [tilespmem:v5+s17+$0x0], $0xffff;
	_ =	sdelay $0x2  }
0x108: {  	v5 =	vor.u32 $0x2, v3;
	_ =	sdelay $0x1  }
0x109: {  	v1 =	vmul.f32 v4, v1;
	_ =	sdelay $0x1  }
0x10a: {  	v4 =	vld [tilespmem:s16+$0xFFFFFFA0];
	[tilespmem:s16+$0xFFFFFF90] =	vst v1  }
0x10b: {  	v1 =	vld.idx.msk [tilespmem:v5+s17+$0x0], $0xffff;
	_ =	sdelay $0x2  }
0x10c: {  	v5 =	vor.u32 $0x3, v3;
	_ =	sdelay $0x1  }
0x10d: {  	v1 =	vmul.f32 v4, v1;
	_ =	sdelay $0x1  }
0x10e: {  	v4 =	vld [tilespmem:s16+$0xFFFFFFB0];
	[tilespmem:s16+$0xFFFFFFA0] =	vst v1  }
0x10f: {  	v1 =	vld.idx.msk [tilespmem:v5+s17+$0x0], $0xffff;
	_ =	sdelay $0x2  }
0x110: {  	v5 =	vor.u32 $0x4, v3;
	_ =	sdelay $0x1  }
0x111: {  	v1 =	vmul.f32 v4, v1;
	_ =	sdelay $0x1  }
0x112: {  	v4 =	vld [tilespmem:s16+$0xFFFFFFC0];
	[tilespmem:s16+$0xFFFFFFB0] =	vst v1  }
0x113: {  	v1 =	vld.idx.msk [tilespmem:v5+s17+$0x0], $0xffff;
	_ =	sdelay $0x2  }
0x114: {  	v5 =	vor.u32 $0x5, v3;
	_ =	sdelay $0x1  }
0x115: {  	v1 =	vmul.f32 v4, v1;
	_ =	sdelay $0x1  }
0x116: {  	v4 =	vld [tilespmem:s16+$0xFFFFFFD0];
	[tilespmem:s16+$0xFFFFFFC0] =	vst v1  }
0x117: {  	v1 =	vld.idx.msk [tilespmem:v5+s17+$0x0], $0xffff;
	_ =	sdelay $0x2  }
0x118: {  	v5 =	vor.u32 $0x6, v3;
	_ =	sdelay $0x1  }
0x119: {  	v1 =	vmul.f32 v4, v1;
	_ =	sdelay $0x1  }
0x11a: {  	v4 =	vld [tilespmem:s16+$0xFFFFFFE0];
	[tilespmem:s16+$0xFFFFFFD0] =	vst v1  }
0x11b: {  	v1 =	vld.idx.msk [tilespmem:v5+s17+$0x0], $0xffff;
	_ =	sdelay $0x2  }
0x11c: {  	v3 =	vor.u32 $0x7, v3;
	_ =	sdelay $0x1  }
0x11d: {  	v1 =	vmul.f32 v4, v1;
	_ =	sdelay $0x1  }
0x11e: {  	[tilespmem:s16+$0xFFFFFFE0] =	vst v1  }
0x11f: {  	v1 =	vld.idx.msk [tilespmem:v3+s17+$0x0], $0xffff  }
0x120: {  	v3 =	vld [tilespmem:s16+$0xFFFFFFF0];
	_ =	sdelay $0x2  }
0x121: {  	v2 =	vor.u32 s11, v2;
	_ =	sdelay $0x1  }
0x122: {  	v1 =	vmul.f32 v3, v1;
	_ =	sdelay $0x1  }
0x123: {  	v3 =	vld [tilespmem:s16+$0x0];
	[tilespmem:s16+$0xFFFFFFF0] =	vst v1  }
0x124: {  	v1 =	vld.idx.msk [tilespmem:v2+s17+$0x0], $0xffff;
	_ =	sdelay $0x2  }
0x125: {  	v4 =	vor.u32 $0x1, v2;
	_ =	sdelay $0x1  }
0x126: {  	v1 =	vmul.f32 v3, v1;
	_ =	sdelay $0x1  }
0x127: {  	v3 =	vld [tilespmem:s16+$0x10];
	[tilespmem:s16+$0x0] =	vst v1  }
0x128: {  	v1 =	vld.idx.msk [tilespmem:v4+s17+$0x0], $0xffff;
	_ =	sdelay $0x2  }
0x129: {  	v4 =	vor.u32 $0x2, v2;
	_ =	sdelay $0x1  }
0x12a: {  	v1 =	vmul.f32 v3, v1;
	_ =	sdelay $0x1  }
0x12b: {  	v3 =	vld [tilespmem:s16+$0x20];
	[tilespmem:s16+$0x10] =	vst v1  }
0x12c: {  	v1 =	vld.idx.msk [tilespmem:v4+s17+$0x0], $0xffff;
	_ =	sdelay $0x2  }
0x12d: {  	v4 =	vor.u32 $0x3, v2;
	_ =	sdelay $0x1  }
0x12e: {  	v1 =	vmul.f32 v3, v1;
	_ =	sdelay $0x1  }
0x12f: {  	v3 =	vld [tilespmem:s16+$0x30];
	[tilespmem:s16+$0x20] =	vst v1  }
0x130: {  	v1 =	vld.idx.msk [tilespmem:v4+s17+$0x0], $0xffff;
	_ =	sdelay $0x2  }
0x131: {  	v4 =	vor.u32 $0x4, v2;
	_ =	sdelay $0x1  }
0x132: {  	v1 =	vmul.f32 v3, v1;
	_ =	sdelay $0x1  }
0x133: {  	v3 =	vld [tilespmem:s16+$0x40];
	[tilespmem:s16+$0x30] =	vst v1  }
0x134: {  	v1 =	vld.idx.msk [tilespmem:v4+s17+$0x0], $0xffff;
	_ =	sdelay $0x2  }
0x135: {  	v4 =	vor.u32 $0x5, v2;
	_ =	sdelay $0x1  }
0x136: {  	v1 =	vmul.f32 v3, v1;
	_ =	sdelay $0x1  }
0x137: {  	v3 =	vld [tilespmem:s16+$0x50];
	[tilespmem:s16+$0x40] =	vst v1  }
0x138: {  	v1 =	vld.idx.msk [tilespmem:v4+s17+$0x0], $0xffff;
	_ =	sdelay $0x2  }
0x139: {  	v4 =	vor.u32 $0x6, v2;
	_ =	sdelay $0x1  }
0x13a: {  	v1 =	vmul.f32 v3, v1;
	_ =	sdelay $0x1  }
0x13b: {  	v3 =	vld [tilespmem:s16+$0x60];
	[tilespmem:s16+$0x50] =	vst v1  }
0x13c: {  	v1 =	vld.idx.msk [tilespmem:v4+s17+$0x0], $0xffff;
	_ =	sdelay $0x2  }
0x13d: {  	v2 =	vor.u32 $0x7, v2;
	_ =	sdelay $0x1  }
0x13e: {  	v1 =	vmul.f32 v3, v1;
	_ =	sdelay $0x1  }
0x13f: {  	[tilespmem:s16+$0x60] =	vst v1  }
0x140: {  	v1 =	vld.idx.msk [tilespmem:v2+s17+$0x0], $0xffff  }
0x141: {  	v2 =	vld [tilespmem:s16+$0x70];
	_ =	sdelay $0x4  }
0x142: {  	s11 =	sor.u32 $0x1, s15;
	s22 =	sshll.u32 s12, $0xB;
	v1 =	vmul.f32 v2, v1  }
0x143: {  	s4 =	sshll.u32 s11, $0x7;
	s11 =	sshrl.u32 s22, $0x2  }
0x144: {  	s22 =	simm.s32 $0x0;
	s24 =	sadd.s32 $0x3800, s11;
	[tilespmem:s16+$0x70] =	vst v1;
	v1 =	vmov s4;
	(ifvalue) =	ssetifvalue $0xFFFFFFFF  }
0x145: {  	[spmem:s1] =	stream.indirect.scatter.add.f32 [tilespmem:s20], [sflag:$0x6], $0x10, s24, s19, $0x40b8;
	v2 =	vor.u32 s22, v1;
	[tilespmem:$0x18C00] =	vst v63  }
0x146: {  	_ =	swait.ge [sflag:s28], $0x800  }
0x147: {  	[sflag:s28] =	ssyncset.done $0x0  }
0x148: {  	s16 =	simm.s32 $0xB080;
	[sflag:s28] =	ssyncadd.s32 $0xFFFFF800  }
0x149: {  	v4 =	vld [tilespmem:s16+$0xFFFFFF80]  }
0x14a: {  	v3 =	vld.idx.msk [tilespmem:v2+s17+$0x0], $0xffff;
	_ =	sdelay $0x2  }
0x14b: {  	v5 =	vor.u32 $0x1, v2;
	_ =	sdelay $0x1  }
0x14c: {  	v3 =	vmul.f32 v4, v3;
	_ =	sdelay $0x1  }
0x14d: {  	v4 =	vld [tilespmem:s16+$0xFFFFFF90];
	[tilespmem:s16+$0xFFFFFF80] =	vst v3  }
0x14e: {  	v3 =	vld.idx.msk [tilespmem:v5+s17+$0x0], $0xffff;
	_ =	sdelay $0x2  }
0x14f: {  	v5 =	vor.u32 $0x2, v2;
	_ =	sdelay $0x1  }
0x150: {  	v3 =	vmul.f32 v4, v3;
	_ =	sdelay $0x1  }
0x151: {  	v4 =	vld [tilespmem:s16+$0xFFFFFFA0];
	[tilespmem:s16+$0xFFFFFF90] =	vst v3  }
0x152: {  	v3 =	vld.idx.msk [tilespmem:v5+s17+$0x0], $0xffff;
	_ =	sdelay $0x2  }
0x153: {  	v5 =	vor.u32 $0x3, v2;
	_ =	sdelay $0x1  }
0x154: {  	v3 =	vmul.f32 v4, v3;
	_ =	sdelay $0x1  }
0x155: {  	v4 =	vld [tilespmem:s16+$0xFFFFFFB0];
	[tilespmem:s16+$0xFFFFFFA0] =	vst v3  }
0x156: {  	v3 =	vld.idx.msk [tilespmem:v5+s17+$0x0], $0xffff;
	_ =	sdelay $0x2  }
0x157: {  	v5 =	vor.u32 $0x4, v2;
	_ =	sdelay $0x1  }
0x158: {  	v3 =	vmul.f32 v4, v3;
	_ =	sdelay $0x1  }
0x159: {  	v4 =	vld [tilespmem:s16+$0xFFFFFFC0];
	[tilespmem:s16+$0xFFFFFFB0] =	vst v3  }
0x15a: {  	v3 =	vld.idx.msk [tilespmem:v5+s17+$0x0], $0xffff;
	_ =	sdelay $0x2  }
0x15b: {  	v5 =	vor.u32 $0x5, v2;
	_ =	sdelay $0x1  }
0x15c: {  	v3 =	vmul.f32 v4, v3;
	_ =	sdelay $0x1  }
0x15d: {  	v4 =	vld [tilespmem:s16+$0xFFFFFFD0];
	[tilespmem:s16+$0xFFFFFFC0] =	vst v3  }
0x15e: {  	v3 =	vld.idx.msk [tilespmem:v5+s17+$0x0], $0xffff;
	_ =	sdelay $0x2  }
0x15f: {  	v5 =	vor.u32 $0x6, v2;
	_ =	sdelay $0x1  }
0x160: {  	v3 =	vmul.f32 v4, v3;
	_ =	sdelay $0x1  }
0x161: {  	v4 =	vld [tilespmem:s16+$0xFFFFFFE0];
	[tilespmem:s16+$0xFFFFFFD0] =	vst v3  }
0x162: {  	v3 =	vld.idx.msk [tilespmem:v5+s17+$0x0], $0xffff;
	_ =	sdelay $0x2  }
0x163: {  	v2 =	vor.u32 $0x7, v2;
	_ =	sdelay $0x1  }
0x164: {  	v3 =	vmul.f32 v4, v3;
	_ =	sdelay $0x1  }
0x165: {  	v4 =	vld [tilespmem:s16+$0xFFFFFFF0];
	[tilespmem:s16+$0xFFFFFFE0] =	vst v3  }
0x166: {  	v3 =	vld.idx.msk [tilespmem:v2+s17+$0x0], $0xffff;
	_ =	sdelay $0x1  }
0x167: {  	v2 =	vor.u32 $0x8, v1  }
0x168: {  	v5 =	vor.u32 s22, v2;
	_ =	sdelay $0x1  }
0x169: {  	v3 =	vmul.f32 v4, v3;
	_ =	sdelay $0x1  }
0x16a: {  	v4 =	vld [tilespmem:s16+$0x0];
	[tilespmem:s16+$0xFFFFFFF0] =	vst v3  }
0x16b: {  	v3 =	vld.idx.msk [tilespmem:v5+s17+$0x0], $0xffff;
	_ =	sdelay $0x2  }
0x16c: {  	v6 =	vor.u32 $0x1, v5;
	_ =	sdelay $0x1  }
0x16d: {  	v3 =	vmul.f32 v4, v3;
	_ =	sdelay $0x1  }
0x16e: {  	v4 =	vld [tilespmem:s16+$0x10];
	[tilespmem:s16+$0x0] =	vst v3  }
0x16f: {  	v3 =	vld.idx.msk [tilespmem:v6+s17+$0x0], $0xffff;
	_ =	sdelay $0x2  }
0x170: {  	v6 =	vor.u32 $0x2, v5;
	_ =	sdelay $0x1  }
0x171: {  	v3 =	vmul.f32 v4, v3;
	_ =	sdelay $0x1  }
0x172: {  	v4 =	vld [tilespmem:s16+$0x20];
	[tilespmem:s16+$0x10] =	vst v3  }
0x173: {  	v3 =	vld.idx.msk [tilespmem:v6+s17+$0x0], $0xffff;
	_ =	sdelay $0x2  }
0x174: {  	v6 =	vor.u32 $0x3, v5;
	_ =	sdelay $0x1  }
0x175: {  	v3 =	vmul.f32 v4, v3;
	_ =	sdelay $0x1  }
0x176: {  	v4 =	vld [tilespmem:s16+$0x30];
	[tilespmem:s16+$0x20] =	vst v3  }
0x177: {  	v3 =	vld.idx.msk [tilespmem:v6+s17+$0x0], $0xffff;
	_ =	sdelay $0x2  }
0x178: {  	v6 =	vor.u32 $0x4, v5;
	_ =	sdelay $0x1  }
0x179: {  	v3 =	vmul.f32 v4, v3;
	_ =	sdelay $0x1  }
0x17a: {  	v4 =	vld [tilespmem:s16+$0x40];
	[tilespmem:s16+$0x30] =	vst v3  }
0x17b: {  	v3 =	vld.idx.msk [tilespmem:v6+s17+$0x0], $0xffff;
	_ =	sdelay $0x2  }
0x17c: {  	v6 =	vor.u32 $0x5, v5;
	_ =	sdelay $0x1  }
0x17d: {  	v3 =	vmul.f32 v4, v3;
	_ =	sdelay $0x1  }
0x17e: {  	v4 =	vld [tilespmem:s16+$0x50];
	[tilespmem:s16+$0x40] =	vst v3  }
0x17f: {  	v3 =	vld.idx.msk [tilespmem:v6+s17+$0x0], $0xffff;
	_ =	sdelay $0x2  }
0x180: {  	v6 =	vor.u32 $0x6, v5;
	_ =	sdelay $0x1  }
0x181: {  	v3 =	vmul.f32 v4, v3;
	_ =	sdelay $0x1  }
0x182: {  	v4 =	vld [tilespmem:s16+$0x60];
	[tilespmem:s16+$0x50] =	vst v3  }
0x183: {  	v3 =	vld.idx.msk [tilespmem:v6+s17+$0x0], $0xffff;
	_ =	sdelay $0x2  }
0x184: {  	v5 =	vor.u32 $0x7, v5;
	_ =	sdelay $0x1  }
0x185: {  	v3 =	vmul.f32 v4, v3;
	_ =	sdelay $0x1  }
0x186: {  	[tilespmem:s16+$0x60] =	vst v3  }
0x187: {  	v4 =	vld.idx.msk [tilespmem:v5+s17+$0x0], $0xffff  }
0x188: {  	v5 =	vld [tilespmem:s16+$0x70];
	_ =	sdelay $0x1  }
0x189: {  	s22 =	simm.s32 $0x10  }
0x18a: {  	s24 =	simm.s32 $0x20;
	v3 =	vor.u32 s22, v1  }
.LBB2_9:
0x18b: {  	p0 =	sne.s32 s24, $0x70  }
0x18c: {  	v4 =	vmul.f32 v5, v4;
	_ =	sdelay $0x1  }
0x18d: {  	[tilespmem:s16+$0x70] =	vst v4  }
0x18e: {  	s16 =	sadd.s32 $0x100, s16;
	v4 =	vld.idx.msk [tilespmem:v3+s17+$0x0], $0xffff  }
0x18f: {  	v5 =	vld [tilespmem:s16+$0xFFFFFF80];
	_ =	sdelay $0x2  }
0x190: {  	v6 =	vor.u32 $0x1, v3;
	_ =	sdelay $0x1  }
0x191: {  	v4 =	vmul.f32 v5, v4;
	_ =	sdelay $0x1  }
0x192: {  	[tilespmem:s16+$0xFFFFFF80] =	vst v4  }
0x193: {  	v4 =	vld.idx.msk [tilespmem:v6+s17+$0x0], $0xffff  }
0x194: {  	v5 =	vld [tilespmem:s16+$0xFFFFFF90];
	_ =	sdelay $0x2  }
0x195: {  	v6 =	vor.u32 $0x2, v3;
	_ =	sdelay $0x1  }
0x196: {  	v4 =	vmul.f32 v5, v4;
	_ =	sdelay $0x1  }
0x197: {  	[tilespmem:s16+$0xFFFFFF90] =	vst v4  }
0x198: {  	v4 =	vld.idx.msk [tilespmem:v6+s17+$0x0], $0xffff  }
0x199: {  	v5 =	vld [tilespmem:s16+$0xFFFFFFA0];
	_ =	sdelay $0x2  }
0x19a: {  	v6 =	vor.u32 $0x3, v3;
	_ =	sdelay $0x1  }
0x19b: {  	v4 =	vmul.f32 v5, v4;
	_ =	sdelay $0x1  }
0x19c: {  	[tilespmem:s16+$0xFFFFFFA0] =	vst v4  }
0x19d: {  	v4 =	vld.idx.msk [tilespmem:v6+s17+$0x0], $0xffff  }
0x19e: {  	v5 =	vld [tilespmem:s16+$0xFFFFFFB0];
	_ =	sdelay $0x2  }
0x19f: {  	v6 =	vor.u32 $0x4, v3;
	_ =	sdelay $0x1  }
0x1a0: {  	v4 =	vmul.f32 v5, v4;
	_ =	sdelay $0x1  }
0x1a1: {  	[tilespmem:s16+$0xFFFFFFB0] =	vst v4  }
0x1a2: {  	v4 =	vld.idx.msk [tilespmem:v6+s17+$0x0], $0xffff  }
0x1a3: {  	v5 =	vld [tilespmem:s16+$0xFFFFFFC0];
	_ =	sdelay $0x2  }
0x1a4: {  	v6 =	vor.u32 $0x5, v3;
	_ =	sdelay $0x1  }
0x1a5: {  	v4 =	vmul.f32 v5, v4;
	_ =	sdelay $0x1  }
0x1a6: {  	[tilespmem:s16+$0xFFFFFFC0] =	vst v4  }
0x1a7: {  	v4 =	vld.idx.msk [tilespmem:v6+s17+$0x0], $0xffff  }
0x1a8: {  	v5 =	vld [tilespmem:s16+$0xFFFFFFD0];
	_ =	sdelay $0x2  }
0x1a9: {  	v6 =	vor.u32 $0x6, v3;
	_ =	sdelay $0x1  }
0x1aa: {  	v4 =	vmul.f32 v5, v4;
	_ =	sdelay $0x1  }
0x1ab: {  	[tilespmem:s16+$0xFFFFFFD0] =	vst v4  }
0x1ac: {  	v4 =	vld.idx.msk [tilespmem:v6+s17+$0x0], $0xffff  }
0x1ad: {  	v5 =	vld [tilespmem:s16+$0xFFFFFFE0];
	_ =	sdelay $0x2  }
0x1ae: {  	v3 =	vor.u32 $0x7, v3;
	_ =	sdelay $0x1  }
0x1af: {  	v4 =	vmul.f32 v5, v4;
	_ =	sdelay $0x1  }
0x1b0: {  	[tilespmem:s16+$0xFFFFFFE0] =	vst v4  }
0x1b1: {  	v3 =	vld.idx.msk [tilespmem:v3+s17+$0x0], $0xffff  }
0x1b2: {  	v4 =	vld [tilespmem:s16+$0xFFFFFFF0];
	_ =	sdelay $0x2  }
0x1b3: {  	v5 =	vor.u32 s22, v2;
	s22 =	smov.u32 s24;
	_ =	sdelay $0x1  }
0x1b4: {  	v3 =	vmul.f32 v4, v3;
	_ =	sdelay $0x1  }
0x1b5: {  	[tilespmem:s16+$0xFFFFFFF0] =	vst v3  }
0x1b6: {  	v3 =	vld.idx.msk [tilespmem:v5+s17+$0x0], $0xffff  }
0x1b7: {  	v4 =	vld [tilespmem:s16+$0x0];
	_ =	sdelay $0x2  }
0x1b8: {  	v6 =	vor.u32 $0x1, v5;
	_ =	sdelay $0x1  }
0x1b9: {  	v3 =	vmul.f32 v4, v3;
	_ =	sdelay $0x1  }
0x1ba: {  	[tilespmem:s16+$0x0] =	vst v3  }
0x1bb: {  	v3 =	vld.idx.msk [tilespmem:v6+s17+$0x0], $0xffff  }
0x1bc: {  	v4 =	vld [tilespmem:s16+$0x10];
	_ =	sdelay $0x2  }
0x1bd: {  	v6 =	vor.u32 $0x2, v5;
	_ =	sdelay $0x1  }
0x1be: {  	v3 =	vmul.f32 v4, v3;
	_ =	sdelay $0x1  }
0x1bf: {  	[tilespmem:s16+$0x10] =	vst v3  }
0x1c0: {  	v3 =	vld.idx.msk [tilespmem:v6+s17+$0x0], $0xffff  }
0x1c1: {  	v4 =	vld [tilespmem:s16+$0x20];
	_ =	sdelay $0x2  }
0x1c2: {  	v6 =	vor.u32 $0x3, v5;
	_ =	sdelay $0x1  }
0x1c3: {  	v3 =	vmul.f32 v4, v3;
	_ =	sdelay $0x1  }
0x1c4: {  	[tilespmem:s16+$0x20] =	vst v3  }
0x1c5: {  	v3 =	vld.idx.msk [tilespmem:v6+s17+$0x0], $0xffff  }
0x1c6: {  	v4 =	vld [tilespmem:s16+$0x30];
	_ =	sdelay $0x2  }
0x1c7: {  	v6 =	vor.u32 $0x4, v5;
	_ =	sdelay $0x1  }
0x1c8: {  	v3 =	vmul.f32 v4, v3;
	_ =	sdelay $0x1  }
0x1c9: {  	[tilespmem:s16+$0x30] =	vst v3  }
0x1ca: {  	v3 =	vld.idx.msk [tilespmem:v6+s17+$0x0], $0xffff  }
0x1cb: {  	v4 =	vld [tilespmem:s16+$0x40];
	_ =	sdelay $0x2  }
0x1cc: {  	v6 =	vor.u32 $0x5, v5;
	_ =	sdelay $0x1  }
0x1cd: {  	v3 =	vmul.f32 v4, v3;
	_ =	sdelay $0x1  }
0x1ce: {  	[tilespmem:s16+$0x40] =	vst v3  }
0x1cf: {  	v3 =	vld.idx.msk [tilespmem:v6+s17+$0x0], $0xffff  }
0x1d0: {  	v4 =	vld [tilespmem:s16+$0x50];
	_ =	sdelay $0x2  }
0x1d1: {  	v6 =	vor.u32 $0x6, v5;
	_ =	sdelay $0x1  }
0x1d2: {  	v3 =	vmul.f32 v4, v3;
	_ =	sdelay $0x1  }
0x1d3: {  	[tilespmem:s16+$0x50] =	vst v3  }
0x1d4: {  	v3 =	vld.idx.msk [tilespmem:v6+s17+$0x0], $0xffff  }
0x1d5: {  	v4 =	vld [tilespmem:s16+$0x60];
	_ =	sdelay $0x2  }
0x1d6: {  	v5 =	vor.u32 $0x7, v5;
	_ =	sdelay $0x1  }
0x1d7: {  	v3 =	vmul.f32 v4, v3;
	_ =	sdelay $0x1  }
0x1d8: {  	[tilespmem:s16+$0x60] =	vst v3  }
.Ltmp8:
0x1d9: {  	v4 =	vld.idx.msk [tilespmem:v5+s17+$0x0], $0xffff;
	(pc) =	sbr.rel @p0 .LBB2_9-.Ltmp8, $2  }
0x1da: {  	v5 =	vld [tilespmem:s16+$0x70];
	_ =	sdelay $0x2  }
0x1db: {  	s24 =	sadd.s32 $0x10, s24;
	v3 =	vor.u32 s22, v1  }
0x1dc: {  	_ = 	snop  }
0x1dd: {  	v1 =	vmul.f32 v5, v4  }
0x1de: {  	s24 =	sadd.s32 $0x100, s16  }
0x1df: {  	v4 =	vld [tilespmem:s24+$0xFFFFFF80];
	[tilespmem:s16+$0x70] =	vst v1  }
0x1e0: {  	v1 =	vld.idx.msk [tilespmem:v3+s17+$0x0], $0xffff;
	_ =	sdelay $0x2  }
0x1e1: {  	v5 =	vor.u32 $0x1, v3;
	_ =	sdelay $0x1  }
0x1e2: {  	v1 =	vmul.f32 v4, v1;
	_ =	sdelay $0x1  }
0x1e3: {  	v4 =	vld [tilespmem:s24+$0xFFFFFF90];
	[tilespmem:s24+$0xFFFFFF80] =	vst v1  }
0x1e4: {  	v1 =	vld.idx.msk [tilespmem:v5+s17+$0x0], $0xffff;
	_ =	sdelay $0x2  }
0x1e5: {  	v5 =	vor.u32 $0x2, v3;
	_ =	sdelay $0x1  }
0x1e6: {  	v1 =	vmul.f32 v4, v1;
	_ =	sdelay $0x1  }
0x1e7: {  	v4 =	vld [tilespmem:s24+$0xFFFFFFA0];
	[tilespmem:s24+$0xFFFFFF90] =	vst v1  }
0x1e8: {  	v1 =	vld.idx.msk [tilespmem:v5+s17+$0x0], $0xffff;
	_ =	sdelay $0x2  }
0x1e9: {  	v5 =	vor.u32 $0x3, v3;
	_ =	sdelay $0x1  }
0x1ea: {  	v1 =	vmul.f32 v4, v1;
	_ =	sdelay $0x1  }
0x1eb: {  	v4 =	vld [tilespmem:s24+$0xFFFFFFB0];
	[tilespmem:s24+$0xFFFFFFA0] =	vst v1  }
0x1ec: {  	v1 =	vld.idx.msk [tilespmem:v5+s17+$0x0], $0xffff;
	_ =	sdelay $0x2  }
0x1ed: {  	v5 =	vor.u32 $0x4, v3;
	_ =	sdelay $0x1  }
0x1ee: {  	v1 =	vmul.f32 v4, v1;
	_ =	sdelay $0x1  }
0x1ef: {  	v4 =	vld [tilespmem:s24+$0xFFFFFFC0];
	[tilespmem:s24+$0xFFFFFFB0] =	vst v1  }
0x1f0: {  	v1 =	vld.idx.msk [tilespmem:v5+s17+$0x0], $0xffff;
	_ =	sdelay $0x2  }
0x1f1: {  	v5 =	vor.u32 $0x5, v3;
	_ =	sdelay $0x1  }
0x1f2: {  	v1 =	vmul.f32 v4, v1;
	_ =	sdelay $0x1  }
0x1f3: {  	v4 =	vld [tilespmem:s24+$0xFFFFFFD0];
	[tilespmem:s24+$0xFFFFFFC0] =	vst v1  }
0x1f4: {  	v1 =	vld.idx.msk [tilespmem:v5+s17+$0x0], $0xffff;
	_ =	sdelay $0x2  }
0x1f5: {  	v5 =	vor.u32 $0x6, v3;
	_ =	sdelay $0x1  }
0x1f6: {  	v1 =	vmul.f32 v4, v1;
	_ =	sdelay $0x1  }
0x1f7: {  	v4 =	vld [tilespmem:s24+$0xFFFFFFE0];
	[tilespmem:s24+$0xFFFFFFD0] =	vst v1  }
0x1f8: {  	v1 =	vld.idx.msk [tilespmem:v5+s17+$0x0], $0xffff;
	_ =	sdelay $0x2  }
0x1f9: {  	v3 =	vor.u32 $0x7, v3;
	_ =	sdelay $0x1  }
0x1fa: {  	v1 =	vmul.f32 v4, v1;
	_ =	sdelay $0x1  }
0x1fb: {  	[tilespmem:s24+$0xFFFFFFE0] =	vst v1  }
0x1fc: {  	v1 =	vld.idx.msk [tilespmem:v3+s17+$0x0], $0xffff  }
0x1fd: {  	v3 =	vld [tilespmem:s24+$0xFFFFFFF0];
	_ =	sdelay $0x2  }
0x1fe: {  	v2 =	vor.u32 s22, v2;
	_ =	sdelay $0x1  }
0x1ff: {  	v1 =	vmul.f32 v3, v1;
	_ =	sdelay $0x1  }
0x200: {  	v3 =	vld [tilespmem:s24+$0x0];
	[tilespmem:s24+$0xFFFFFFF0] =	vst v1  }
0x201: {  	v1 =	vld.idx.msk [tilespmem:v2+s17+$0x0], $0xffff;
	_ =	sdelay $0x2  }
0x202: {  	v4 =	vor.u32 $0x1, v2;
	_ =	sdelay $0x1  }
0x203: {  	v1 =	vmul.f32 v3, v1;
	_ =	sdelay $0x1  }
0x204: {  	v3 =	vld [tilespmem:s24+$0x10];
	[tilespmem:s24+$0x0] =	vst v1  }
0x205: {  	v1 =	vld.idx.msk [tilespmem:v4+s17+$0x0], $0xffff;
	_ =	sdelay $0x2  }
0x206: {  	v4 =	vor.u32 $0x2, v2;
	_ =	sdelay $0x1  }
0x207: {  	v1 =	vmul.f32 v3, v1;
	_ =	sdelay $0x1  }
0x208: {  	v3 =	vld [tilespmem:s24+$0x20];
	[tilespmem:s24+$0x10] =	vst v1  }
0x209: {  	v1 =	vld.idx.msk [tilespmem:v4+s17+$0x0], $0xffff;
	_ =	sdelay $0x2  }
0x20a: {  	v4 =	vor.u32 $0x3, v2;
	_ =	sdelay $0x1  }
0x20b: {  	v1 =	vmul.f32 v3, v1;
	_ =	sdelay $0x1  }
0x20c: {  	v3 =	vld [tilespmem:s24+$0x30];
	[tilespmem:s24+$0x20] =	vst v1  }
0x20d: {  	v1 =	vld.idx.msk [tilespmem:v4+s17+$0x0], $0xffff;
	_ =	sdelay $0x2  }
0x20e: {  	v4 =	vor.u32 $0x4, v2;
	_ =	sdelay $0x1  }
0x20f: {  	v1 =	vmul.f32 v3, v1;
	_ =	sdelay $0x1  }
0x210: {  	v3 =	vld [tilespmem:s24+$0x40];
	[tilespmem:s24+$0x30] =	vst v1  }
0x211: {  	v1 =	vld.idx.msk [tilespmem:v4+s17+$0x0], $0xffff;
	_ =	sdelay $0x2  }
0x212: {  	v4 =	vor.u32 $0x5, v2;
	_ =	sdelay $0x1  }
0x213: {  	v1 =	vmul.f32 v3, v1;
	_ =	sdelay $0x1  }
0x214: {  	v3 =	vld [tilespmem:s24+$0x50];
	[tilespmem:s24+$0x40] =	vst v1  }
0x215: {  	v1 =	vld.idx.msk [tilespmem:v4+s17+$0x0], $0xffff;
	_ =	sdelay $0x2  }
0x216: {  	v4 =	vor.u32 $0x6, v2;
	_ =	sdelay $0x1  }
0x217: {  	v1 =	vmul.f32 v3, v1;
	_ =	sdelay $0x1  }
0x218: {  	v3 =	vld [tilespmem:s24+$0x60];
	[tilespmem:s24+$0x50] =	vst v1  }
0x219: {  	v1 =	vld.idx.msk [tilespmem:v4+s17+$0x0], $0xffff;
	_ =	sdelay $0x2  }
0x21a: {  	v2 =	vor.u32 $0x7, v2;
	_ =	sdelay $0x1  }
0x21b: {  	v1 =	vmul.f32 v3, v1;
	_ =	sdelay $0x1  }
0x21c: {  	[tilespmem:s24+$0x60] =	vst v1  }
0x21d: {  	v1 =	vld.idx.msk [tilespmem:v2+s17+$0x0], $0xffff  }
0x21e: {  	v2 =	vld [tilespmem:s24+$0x70];
	_ =	sdelay $0x4  }
0x21f: {  	s22 =	sor.u32 $0x2, s15;
	v1 =	vmul.f32 v2, v1  }
0x220: {  	s4 =	sand.u32 $0x3FFFFF80, s4;
	s16 =	sshll.u32 s22, $0x7  }
0x221: {  	s4 =	sadd.s32 $0x3800, s4;
	[tilespmem:s24+$0x70] =	vst v1;
	v1 =	vmov s16;
	s24 =	simm.s32 $0x0;
	(ifvalue) =	ssetifvalue $0xFFFFFFFF  }
0x222: {  	[spmem:s1] =	stream.indirect.scatter.add.f32 [tilespmem:s21], [sflag:$0x7], $0x10, s4, s19, $0x40b8;
	v2 =	vor.u32 s24, v1;
	[tilespmem:$0x18C00] =	vst v63  }
0x223: {  	_ =	swait.ge [sflag:s29], $0x800  }
0x224: {  	[sflag:s29] =	ssyncset.done $0x0  }
0x225: {  	s4 =	simm.s32 $0xB880;
	[sflag:s29] =	ssyncadd.s32 $0xFFFFF800  }
0x226: {  	v4 =	vld [tilespmem:s4+$0xFFFFFF80]  }
0x227: {  	v3 =	vld.idx.msk [tilespmem:v2+s17+$0x0], $0xffff;
	_ =	sdelay $0x2  }
0x228: {  	v5 =	vor.u32 $0x1, v2;
	_ =	sdelay $0x1  }
0x229: {  	v3 =	vmul.f32 v4, v3;
	_ =	sdelay $0x1  }
0x22a: {  	v4 =	vld [tilespmem:s4+$0xFFFFFF90];
	[tilespmem:s4+$0xFFFFFF80] =	vst v3  }
0x22b: {  	v3 =	vld.idx.msk [tilespmem:v5+s17+$0x0], $0xffff;
	_ =	sdelay $0x2  }
0x22c: {  	v5 =	vor.u32 $0x2, v2;
	_ =	sdelay $0x1  }
0x22d: {  	v3 =	vmul.f32 v4, v3;
	_ =	sdelay $0x1  }
0x22e: {  	v4 =	vld [tilespmem:s4+$0xFFFFFFA0];
	[tilespmem:s4+$0xFFFFFF90] =	vst v3  }
0x22f: {  	v3 =	vld.idx.msk [tilespmem:v5+s17+$0x0], $0xffff;
	_ =	sdelay $0x2  }
0x230: {  	v5 =	vor.u32 $0x3, v2;
	_ =	sdelay $0x1  }
0x231: {  	v3 =	vmul.f32 v4, v3;
	_ =	sdelay $0x1  }
0x232: {  	v4 =	vld [tilespmem:s4+$0xFFFFFFB0];
	[tilespmem:s4+$0xFFFFFFA0] =	vst v3  }
0x233: {  	v3 =	vld.idx.msk [tilespmem:v5+s17+$0x0], $0xffff;
	_ =	sdelay $0x2  }
0x234: {  	v5 =	vor.u32 $0x4, v2;
	_ =	sdelay $0x1  }
0x235: {  	v3 =	vmul.f32 v4, v3;
	_ =	sdelay $0x1  }
0x236: {  	v4 =	vld [tilespmem:s4+$0xFFFFFFC0];
	[tilespmem:s4+$0xFFFFFFB0] =	vst v3  }
0x237: {  	v3 =	vld.idx.msk [tilespmem:v5+s17+$0x0], $0xffff;
	_ =	sdelay $0x2  }
0x238: {  	v5 =	vor.u32 $0x5, v2;
	_ =	sdelay $0x1  }
0x239: {  	v3 =	vmul.f32 v4, v3;
	_ =	sdelay $0x1  }
0x23a: {  	v4 =	vld [tilespmem:s4+$0xFFFFFFD0];
	[tilespmem:s4+$0xFFFFFFC0] =	vst v3  }
0x23b: {  	v3 =	vld.idx.msk [tilespmem:v5+s17+$0x0], $0xffff;
	_ =	sdelay $0x2  }
0x23c: {  	v5 =	vor.u32 $0x6, v2;
	_ =	sdelay $0x1  }
0x23d: {  	v3 =	vmul.f32 v4, v3;
	_ =	sdelay $0x1  }
0x23e: {  	v4 =	vld [tilespmem:s4+$0xFFFFFFE0];
	[tilespmem:s4+$0xFFFFFFD0] =	vst v3  }
0x23f: {  	v3 =	vld.idx.msk [tilespmem:v5+s17+$0x0], $0xffff;
	_ =	sdelay $0x2  }
0x240: {  	v2 =	vor.u32 $0x7, v2;
	_ =	sdelay $0x1  }
0x241: {  	v3 =	vmul.f32 v4, v3;
	_ =	sdelay $0x1  }
0x242: {  	v4 =	vld [tilespmem:s4+$0xFFFFFFF0];
	[tilespmem:s4+$0xFFFFFFE0] =	vst v3  }
0x243: {  	v3 =	vld.idx.msk [tilespmem:v2+s17+$0x0], $0xffff;
	_ =	sdelay $0x1  }
0x244: {  	v2 =	vor.u32 $0x8, v1  }
0x245: {  	v5 =	vor.u32 s24, v2;
	_ =	sdelay $0x1  }
0x246: {  	v3 =	vmul.f32 v4, v3;
	_ =	sdelay $0x1  }
0x247: {  	v4 =	vld [tilespmem:s4+$0x0];
	[tilespmem:s4+$0xFFFFFFF0] =	vst v3  }
0x248: {  	v3 =	vld.idx.msk [tilespmem:v5+s17+$0x0], $0xffff;
	_ =	sdelay $0x2  }
0x249: {  	v6 =	vor.u32 $0x1, v5;
	_ =	sdelay $0x1  }
0x24a: {  	v3 =	vmul.f32 v4, v3;
	_ =	sdelay $0x1  }
0x24b: {  	v4 =	vld [tilespmem:s4+$0x10];
	[tilespmem:s4+$0x0] =	vst v3  }
0x24c: {  	v3 =	vld.idx.msk [tilespmem:v6+s17+$0x0], $0xffff;
	_ =	sdelay $0x2  }
0x24d: {  	v6 =	vor.u32 $0x2, v5;
	_ =	sdelay $0x1  }
0x24e: {  	v3 =	vmul.f32 v4, v3;
	_ =	sdelay $0x1  }
0x24f: {  	v4 =	vld [tilespmem:s4+$0x20];
	[tilespmem:s4+$0x10] =	vst v3  }
0x250: {  	v3 =	vld.idx.msk [tilespmem:v6+s17+$0x0], $0xffff;
	_ =	sdelay $0x2  }
0x251: {  	v6 =	vor.u32 $0x3, v5;
	_ =	sdelay $0x1  }
0x252: {  	v3 =	vmul.f32 v4, v3;
	_ =	sdelay $0x1  }
0x253: {  	v4 =	vld [tilespmem:s4+$0x30];
	[tilespmem:s4+$0x20] =	vst v3  }
0x254: {  	v3 =	vld.idx.msk [tilespmem:v6+s17+$0x0], $0xffff;
	_ =	sdelay $0x2  }
0x255: {  	v6 =	vor.u32 $0x4, v5;
	_ =	sdelay $0x1  }
0x256: {  	v3 =	vmul.f32 v4, v3;
	_ =	sdelay $0x1  }
0x257: {  	v4 =	vld [tilespmem:s4+$0x40];
	[tilespmem:s4+$0x30] =	vst v3  }
0x258: {  	v3 =	vld.idx.msk [tilespmem:v6+s17+$0x0], $0xffff;
	_ =	sdelay $0x2  }
0x259: {  	v6 =	vor.u32 $0x5, v5;
	_ =	sdelay $0x1  }
0x25a: {  	v3 =	vmul.f32 v4, v3;
	_ =	sdelay $0x1  }
0x25b: {  	v4 =	vld [tilespmem:s4+$0x50];
	[tilespmem:s4+$0x40] =	vst v3  }
0x25c: {  	v3 =	vld.idx.msk [tilespmem:v6+s17+$0x0], $0xffff;
	_ =	sdelay $0x2  }
0x25d: {  	v6 =	vor.u32 $0x6, v5;
	_ =	sdelay $0x1  }
0x25e: {  	v3 =	vmul.f32 v4, v3;
	_ =	sdelay $0x1  }
0x25f: {  	v4 =	vld [tilespmem:s4+$0x60];
	[tilespmem:s4+$0x50] =	vst v3  }
0x260: {  	v3 =	vld.idx.msk [tilespmem:v6+s17+$0x0], $0xffff;
	_ =	sdelay $0x2  }
0x261: {  	v5 =	vor.u32 $0x7, v5;
	_ =	sdelay $0x1  }
0x262: {  	v3 =	vmul.f32 v4, v3;
	_ =	sdelay $0x1  }
0x263: {  	[tilespmem:s4+$0x60] =	vst v3  }
0x264: {  	v4 =	vld.idx.msk [tilespmem:v5+s17+$0x0], $0xffff  }
0x265: {  	v5 =	vld [tilespmem:s4+$0x70];
	_ =	sdelay $0x1  }
0x266: {  	s22 =	simm.s32 $0x10  }
0x267: {  	s24 =	simm.s32 $0x20;
	v3 =	vor.u32 s22, v1  }
.LBB2_11:
0x268: {  	p0 =	sne.s32 s24, $0x70  }
0x269: {  	v4 =	vmul.f32 v5, v4;
	_ =	sdelay $0x1  }
0x26a: {  	[tilespmem:s4+$0x70] =	vst v4  }
0x26b: {  	s4 =	sadd.s32 $0x100, s4;
	v4 =	vld.idx.msk [tilespmem:v3+s17+$0x0], $0xffff  }
0x26c: {  	v5 =	vld [tilespmem:s4+$0xFFFFFF80];
	_ =	sdelay $0x2  }
0x26d: {  	v6 =	vor.u32 $0x1, v3;
	_ =	sdelay $0x1  }
0x26e: {  	v4 =	vmul.f32 v5, v4;
	_ =	sdelay $0x1  }
0x26f: {  	[tilespmem:s4+$0xFFFFFF80] =	vst v4  }
0x270: {  	v4 =	vld.idx.msk [tilespmem:v6+s17+$0x0], $0xffff  }
0x271: {  	v5 =	vld [tilespmem:s4+$0xFFFFFF90];
	_ =	sdelay $0x2  }
0x272: {  	v6 =	vor.u32 $0x2, v3;
	_ =	sdelay $0x1  }
0x273: {  	v4 =	vmul.f32 v5, v4;
	_ =	sdelay $0x1  }
0x274: {  	[tilespmem:s4+$0xFFFFFF90] =	vst v4  }
0x275: {  	v4 =	vld.idx.msk [tilespmem:v6+s17+$0x0], $0xffff  }
0x276: {  	v5 =	vld [tilespmem:s4+$0xFFFFFFA0];
	_ =	sdelay $0x2  }
0x277: {  	v6 =	vor.u32 $0x3, v3;
	_ =	sdelay $0x1  }
0x278: {  	v4 =	vmul.f32 v5, v4;
	_ =	sdelay $0x1  }
0x279: {  	[tilespmem:s4+$0xFFFFFFA0] =	vst v4  }
0x27a: {  	v4 =	vld.idx.msk [tilespmem:v6+s17+$0x0], $0xffff  }
0x27b: {  	v5 =	vld [tilespmem:s4+$0xFFFFFFB0];
	_ =	sdelay $0x2  }
0x27c: {  	v6 =	vor.u32 $0x4, v3;
	_ =	sdelay $0x1  }
0x27d: {  	v4 =	vmul.f32 v5, v4;
	_ =	sdelay $0x1  }
0x27e: {  	[tilespmem:s4+$0xFFFFFFB0] =	vst v4  }
0x27f: {  	v4 =	vld.idx.msk [tilespmem:v6+s17+$0x0], $0xffff  }
0x280: {  	v5 =	vld [tilespmem:s4+$0xFFFFFFC0];
	_ =	sdelay $0x2  }
0x281: {  	v6 =	vor.u32 $0x5, v3;
	_ =	sdelay $0x1  }
0x282: {  	v4 =	vmul.f32 v5, v4;
	_ =	sdelay $0x1  }
0x283: {  	[tilespmem:s4+$0xFFFFFFC0] =	vst v4  }
0x284: {  	v4 =	vld.idx.msk [tilespmem:v6+s17+$0x0], $0xffff  }
0x285: {  	v5 =	vld [tilespmem:s4+$0xFFFFFFD0];
	_ =	sdelay $0x2  }
0x286: {  	v6 =	vor.u32 $0x6, v3;
	_ =	sdelay $0x1  }
0x287: {  	v4 =	vmul.f32 v5, v4;
	_ =	sdelay $0x1  }
0x288: {  	[tilespmem:s4+$0xFFFFFFD0] =	vst v4  }
0x289: {  	v4 =	vld.idx.msk [tilespmem:v6+s17+$0x0], $0xffff  }
0x28a: {  	v5 =	vld [tilespmem:s4+$0xFFFFFFE0];
	_ =	sdelay $0x2  }
0x28b: {  	v3 =	vor.u32 $0x7, v3;
	_ =	sdelay $0x1  }
0x28c: {  	v4 =	vmul.f32 v5, v4;
	_ =	sdelay $0x1  }
0x28d: {  	[tilespmem:s4+$0xFFFFFFE0] =	vst v4  }
0x28e: {  	v3 =	vld.idx.msk [tilespmem:v3+s17+$0x0], $0xffff  }
0x28f: {  	v4 =	vld [tilespmem:s4+$0xFFFFFFF0];
	_ =	sdelay $0x2  }
0x290: {  	v5 =	vor.u32 s22, v2;
	s22 =	smov.u32 s24;
	_ =	sdelay $0x1  }
0x291: {  	v3 =	vmul.f32 v4, v3;
	_ =	sdelay $0x1  }
0x292: {  	[tilespmem:s4+$0xFFFFFFF0] =	vst v3  }
0x293: {  	v3 =	vld.idx.msk [tilespmem:v5+s17+$0x0], $0xffff  }
0x294: {  	v4 =	vld [tilespmem:s4+$0x0];
	_ =	sdelay $0x2  }
0x295: {  	v6 =	vor.u32 $0x1, v5;
	_ =	sdelay $0x1  }
0x296: {  	v3 =	vmul.f32 v4, v3;
	_ =	sdelay $0x1  }
0x297: {  	[tilespmem:s4+$0x0] =	vst v3  }
0x298: {  	v3 =	vld.idx.msk [tilespmem:v6+s17+$0x0], $0xffff  }
0x299: {  	v4 =	vld [tilespmem:s4+$0x10];
	_ =	sdelay $0x2  }
0x29a: {  	v6 =	vor.u32 $0x2, v5;
	_ =	sdelay $0x1  }
0x29b: {  	v3 =	vmul.f32 v4, v3;
	_ =	sdelay $0x1  }
0x29c: {  	[tilespmem:s4+$0x10] =	vst v3  }
0x29d: {  	v3 =	vld.idx.msk [tilespmem:v6+s17+$0x0], $0xffff  }
0x29e: {  	v4 =	vld [tilespmem:s4+$0x20];
	_ =	sdelay $0x2  }
0x29f: {  	v6 =	vor.u32 $0x3, v5;
	_ =	sdelay $0x1  }
0x2a0: {  	v3 =	vmul.f32 v4, v3;
	_ =	sdelay $0x1  }
0x2a1: {  	[tilespmem:s4+$0x20] =	vst v3  }
0x2a2: {  	v3 =	vld.idx.msk [tilespmem:v6+s17+$0x0], $0xffff  }
0x2a3: {  	v4 =	vld [tilespmem:s4+$0x30];
	_ =	sdelay $0x2  }
0x2a4: {  	v6 =	vor.u32 $0x4, v5;
	_ =	sdelay $0x1  }
0x2a5: {  	v3 =	vmul.f32 v4, v3;
	_ =	sdelay $0x1  }
0x2a6: {  	[tilespmem:s4+$0x30] =	vst v3  }
0x2a7: {  	v3 =	vld.idx.msk [tilespmem:v6+s17+$0x0], $0xffff  }
0x2a8: {  	v4 =	vld [tilespmem:s4+$0x40];
	_ =	sdelay $0x2  }
0x2a9: {  	v6 =	vor.u32 $0x5, v5;
	_ =	sdelay $0x1  }
0x2aa: {  	v3 =	vmul.f32 v4, v3;
	_ =	sdelay $0x1  }
0x2ab: {  	[tilespmem:s4+$0x40] =	vst v3  }
0x2ac: {  	v3 =	vld.idx.msk [tilespmem:v6+s17+$0x0], $0xffff  }
0x2ad: {  	v4 =	vld [tilespmem:s4+$0x50];
	_ =	sdelay $0x2  }
0x2ae: {  	v6 =	vor.u32 $0x6, v5;
	_ =	sdelay $0x1  }
0x2af: {  	v3 =	vmul.f32 v4, v3;
	_ =	sdelay $0x1  }
0x2b0: {  	[tilespmem:s4+$0x50] =	vst v3  }
0x2b1: {  	v3 =	vld.idx.msk [tilespmem:v6+s17+$0x0], $0xffff  }
0x2b2: {  	v4 =	vld [tilespmem:s4+$0x60];
	_ =	sdelay $0x2  }
0x2b3: {  	v5 =	vor.u32 $0x7, v5;
	_ =	sdelay $0x1  }
0x2b4: {  	v3 =	vmul.f32 v4, v3;
	_ =	sdelay $0x1  }
0x2b5: {  	[tilespmem:s4+$0x60] =	vst v3  }
.Ltmp9:
0x2b6: {  	v4 =	vld.idx.msk [tilespmem:v5+s17+$0x0], $0xffff;
	(pc) =	sbr.rel @p0 .LBB2_11-.Ltmp9, $2  }
0x2b7: {  	v5 =	vld [tilespmem:s4+$0x70];
	_ =	sdelay $0x2  }
0x2b8: {  	s24 =	sadd.s32 $0x10, s24;
	v3 =	vor.u32 s22, v1  }
0x2b9: {  	_ = 	snop  }
0x2ba: {  	v1 =	vmul.f32 v5, v4  }
0x2bb: {  	s24 =	sadd.s32 $0x100, s4  }
0x2bc: {  	v4 =	vld [tilespmem:s24+$0xFFFFFF80];
	[tilespmem:s4+$0x70] =	vst v1  }
0x2bd: {  	v1 =	vld.idx.msk [tilespmem:v3+s17+$0x0], $0xffff;
	_ =	sdelay $0x2  }
0x2be: {  	v5 =	vor.u32 $0x1, v3;
	_ =	sdelay $0x1  }
0x2bf: {  	v1 =	vmul.f32 v4, v1;
	_ =	sdelay $0x1  }
0x2c0: {  	v4 =	vld [tilespmem:s24+$0xFFFFFF90];
	[tilespmem:s24+$0xFFFFFF80] =	vst v1  }
0x2c1: {  	v1 =	vld.idx.msk [tilespmem:v5+s17+$0x0], $0xffff;
	_ =	sdelay $0x2  }
0x2c2: {  	v5 =	vor.u32 $0x2, v3;
	_ =	sdelay $0x1  }
0x2c3: {  	v1 =	vmul.f32 v4, v1;
	_ =	sdelay $0x1  }
0x2c4: {  	v4 =	vld [tilespmem:s24+$0xFFFFFFA0];
	[tilespmem:s24+$0xFFFFFF90] =	vst v1  }
0x2c5: {  	v1 =	vld.idx.msk [tilespmem:v5+s17+$0x0], $0xffff;
	_ =	sdelay $0x2  }
0x2c6: {  	v5 =	vor.u32 $0x3, v3;
	_ =	sdelay $0x1  }
0x2c7: {  	v1 =	vmul.f32 v4, v1;
	_ =	sdelay $0x1  }
0x2c8: {  	v4 =	vld [tilespmem:s24+$0xFFFFFFB0];
	[tilespmem:s24+$0xFFFFFFA0] =	vst v1  }
0x2c9: {  	v1 =	vld.idx.msk [tilespmem:v5+s17+$0x0], $0xffff;
	_ =	sdelay $0x2  }
0x2ca: {  	v5 =	vor.u32 $0x4, v3;
	_ =	sdelay $0x1  }
0x2cb: {  	v1 =	vmul.f32 v4, v1;
	_ =	sdelay $0x1  }
0x2cc: {  	v4 =	vld [tilespmem:s24+$0xFFFFFFC0];
	[tilespmem:s24+$0xFFFFFFB0] =	vst v1  }
0x2cd: {  	v1 =	vld.idx.msk [tilespmem:v5+s17+$0x0], $0xffff;
	_ =	sdelay $0x2  }
0x2ce: {  	v5 =	vor.u32 $0x5, v3;
	_ =	sdelay $0x1  }
0x2cf: {  	v1 =	vmul.f32 v4, v1;
	_ =	sdelay $0x1  }
0x2d0: {  	v4 =	vld [tilespmem:s24+$0xFFFFFFD0];
	[tilespmem:s24+$0xFFFFFFC0] =	vst v1  }
0x2d1: {  	v1 =	vld.idx.msk [tilespmem:v5+s17+$0x0], $0xffff;
	_ =	sdelay $0x2  }
0x2d2: {  	v5 =	vor.u32 $0x6, v3;
	_ =	sdelay $0x1  }
0x2d3: {  	v1 =	vmul.f32 v4, v1;
	_ =	sdelay $0x1  }
0x2d4: {  	v4 =	vld [tilespmem:s24+$0xFFFFFFE0];
	[tilespmem:s24+$0xFFFFFFD0] =	vst v1  }
0x2d5: {  	v1 =	vld.idx.msk [tilespmem:v5+s17+$0x0], $0xffff;
	_ =	sdelay $0x2  }
0x2d6: {  	v3 =	vor.u32 $0x7, v3;
	_ =	sdelay $0x1  }
0x2d7: {  	v1 =	vmul.f32 v4, v1;
	_ =	sdelay $0x1  }
0x2d8: {  	[tilespmem:s24+$0xFFFFFFE0] =	vst v1  }
0x2d9: {  	v1 =	vld.idx.msk [tilespmem:v3+s17+$0x0], $0xffff  }
0x2da: {  	v3 =	vld [tilespmem:s24+$0xFFFFFFF0];
	_ =	sdelay $0x2  }
0x2db: {  	v2 =	vor.u32 s22, v2;
	_ =	sdelay $0x1  }
0x2dc: {  	v1 =	vmul.f32 v3, v1;
	_ =	sdelay $0x1  }
0x2dd: {  	v3 =	vld [tilespmem:s24+$0x0];
	[tilespmem:s24+$0xFFFFFFF0] =	vst v1  }
0x2de: {  	v1 =	vld.idx.msk [tilespmem:v2+s17+$0x0], $0xffff;
	_ =	sdelay $0x2  }
0x2df: {  	v4 =	vor.u32 $0x1, v2;
	_ =	sdelay $0x1  }
0x2e0: {  	v1 =	vmul.f32 v3, v1;
	_ =	sdelay $0x1  }
0x2e1: {  	v3 =	vld [tilespmem:s24+$0x10];
	[tilespmem:s24+$0x0] =	vst v1  }
0x2e2: {  	v1 =	vld.idx.msk [tilespmem:v4+s17+$0x0], $0xffff;
	_ =	sdelay $0x2  }
0x2e3: {  	v4 =	vor.u32 $0x2, v2;
	_ =	sdelay $0x1  }
0x2e4: {  	v1 =	vmul.f32 v3, v1;
	_ =	sdelay $0x1  }
0x2e5: {  	v3 =	vld [tilespmem:s24+$0x20];
	[tilespmem:s24+$0x10] =	vst v1  }
0x2e6: {  	v1 =	vld.idx.msk [tilespmem:v4+s17+$0x0], $0xffff;
	_ =	sdelay $0x2  }
0x2e7: {  	v4 =	vor.u32 $0x3, v2;
	_ =	sdelay $0x1  }
0x2e8: {  	v1 =	vmul.f32 v3, v1;
	_ =	sdelay $0x1  }
0x2e9: {  	v3 =	vld [tilespmem:s24+$0x30];
	[tilespmem:s24+$0x20] =	vst v1  }
0x2ea: {  	v1 =	vld.idx.msk [tilespmem:v4+s17+$0x0], $0xffff;
	_ =	sdelay $0x2  }
0x2eb: {  	v4 =	vor.u32 $0x4, v2;
	_ =	sdelay $0x1  }
0x2ec: {  	v1 =	vmul.f32 v3, v1;
	_ =	sdelay $0x1  }
0x2ed: {  	v3 =	vld [tilespmem:s24+$0x40];
	[tilespmem:s24+$0x30] =	vst v1  }
0x2ee: {  	v1 =	vld.idx.msk [tilespmem:v4+s17+$0x0], $0xffff;
	_ =	sdelay $0x2  }
0x2ef: {  	v4 =	vor.u32 $0x5, v2;
	_ =	sdelay $0x1  }
0x2f0: {  	v1 =	vmul.f32 v3, v1;
	_ =	sdelay $0x1  }
0x2f1: {  	v3 =	vld [tilespmem:s24+$0x50];
	[tilespmem:s24+$0x40] =	vst v1  }
0x2f2: {  	v1 =	vld.idx.msk [tilespmem:v4+s17+$0x0], $0xffff;
	_ =	sdelay $0x2  }
0x2f3: {  	v4 =	vor.u32 $0x6, v2;
	_ =	sdelay $0x1  }
0x2f4: {  	v1 =	vmul.f32 v3, v1;
	_ =	sdelay $0x1  }
0x2f5: {  	v3 =	vld [tilespmem:s24+$0x60];
	[tilespmem:s24+$0x50] =	vst v1  }
0x2f6: {  	v1 =	vld.idx.msk [tilespmem:v4+s17+$0x0], $0xffff;
	_ =	sdelay $0x2  }
0x2f7: {  	v2 =	vor.u32 $0x7, v2;
	_ =	sdelay $0x1  }
0x2f8: {  	v1 =	vmul.f32 v3, v1;
	_ =	sdelay $0x1  }
0x2f9: {  	[tilespmem:s24+$0x60] =	vst v1  }
0x2fa: {  	v1 =	vld.idx.msk [tilespmem:v2+s17+$0x0], $0xffff  }
0x2fb: {  	v2 =	vld [tilespmem:s24+$0x70];
	_ =	sdelay $0x4  }
0x2fc: {  	s15 =	sor.u32 $0x3, s15;
	v1 =	vmul.f32 v2, v1  }
0x2fd: {  	s22 =	sand.u32 $0x3FFFFF80, s16;
	s4 =	sshll.u32 s15, $0x7  }
0x2fe: {  	s15 =	sadd.s32 $0x3800, s22;
	[tilespmem:s24+$0x70] =	vst v1;
	v1 =	vmov s4;
	s24 =	simm.s32 $0x0;
	(ifvalue) =	ssetifvalue $0xFFFFFFFF  }
0x2ff: {  	[spmem:s1] =	stream.indirect.scatter.add.f32 [tilespmem:s23], [sflag:$0x8], $0x10, s15, s19, $0x40b8;
	v2 =	vor.u32 s24, v1;
	[tilespmem:$0x18C00] =	vst v63  }
0x300: {  	_ =	swait.ge [sflag:s30], $0x800  }
0x301: {  	[sflag:s30] =	ssyncset.done $0x0  }
0x302: {  	s15 =	simm.s32 $0xC080;
	[sflag:s30] =	ssyncadd.s32 $0xFFFFF800  }
0x303: {  	v4 =	vld [tilespmem:s15+$0xFFFFFF80]  }
0x304: {  	v3 =	vld.idx.msk [tilespmem:v2+s17+$0x0], $0xffff;
	_ =	sdelay $0x2  }
0x305: {  	v5 =	vor.u32 $0x1, v2;
	_ =	sdelay $0x1  }
0x306: {  	v3 =	vmul.f32 v4, v3;
	_ =	sdelay $0x1  }
0x307: {  	v4 =	vld [tilespmem:s15+$0xFFFFFF90];
	[tilespmem:s15+$0xFFFFFF80] =	vst v3  }
0x308: {  	v3 =	vld.idx.msk [tilespmem:v5+s17+$0x0], $0xffff;
	_ =	sdelay $0x2  }
0x309: {  	v5 =	vor.u32 $0x2, v2;
	_ =	sdelay $0x1  }
0x30a: {  	v3 =	vmul.f32 v4, v3;
	_ =	sdelay $0x1  }
0x30b: {  	v4 =	vld [tilespmem:s15+$0xFFFFFFA0];
	[tilespmem:s15+$0xFFFFFF90] =	vst v3  }
0x30c: {  	v3 =	vld.idx.msk [tilespmem:v5+s17+$0x0], $0xffff;
	_ =	sdelay $0x2  }
0x30d: {  	v5 =	vor.u32 $0x3, v2;
	_ =	sdelay $0x1  }
0x30e: {  	v3 =	vmul.f32 v4, v3;
	_ =	sdelay $0x1  }
0x30f: {  	v4 =	vld [tilespmem:s15+$0xFFFFFFB0];
	[tilespmem:s15+$0xFFFFFFA0] =	vst v3  }
0x310: {  	v3 =	vld.idx.msk [tilespmem:v5+s17+$0x0], $0xffff;
	_ =	sdelay $0x2  }
0x311: {  	v5 =	vor.u32 $0x4, v2;
	_ =	sdelay $0x1  }
0x312: {  	v3 =	vmul.f32 v4, v3;
	_ =	sdelay $0x1  }
0x313: {  	v4 =	vld [tilespmem:s15+$0xFFFFFFC0];
	[tilespmem:s15+$0xFFFFFFB0] =	vst v3  }
0x314: {  	v3 =	vld.idx.msk [tilespmem:v5+s17+$0x0], $0xffff;
	_ =	sdelay $0x2  }
0x315: {  	v5 =	vor.u32 $0x5, v2;
	_ =	sdelay $0x1  }
0x316: {  	v3 =	vmul.f32 v4, v3;
	_ =	sdelay $0x1  }
0x317: {  	v4 =	vld [tilespmem:s15+$0xFFFFFFD0];
	[tilespmem:s15+$0xFFFFFFC0] =	vst v3  }
0x318: {  	v3 =	vld.idx.msk [tilespmem:v5+s17+$0x0], $0xffff;
	_ =	sdelay $0x2  }
0x319: {  	v5 =	vor.u32 $0x6, v2;
	_ =	sdelay $0x1  }
0x31a: {  	v3 =	vmul.f32 v4, v3;
	_ =	sdelay $0x1  }
0x31b: {  	v4 =	vld [tilespmem:s15+$0xFFFFFFE0];
	[tilespmem:s15+$0xFFFFFFD0] =	vst v3  }
0x31c: {  	v3 =	vld.idx.msk [tilespmem:v5+s17+$0x0], $0xffff;
	_ =	sdelay $0x2  }
0x31d: {  	v2 =	vor.u32 $0x7, v2;
	_ =	sdelay $0x1  }
0x31e: {  	v3 =	vmul.f32 v4, v3;
	_ =	sdelay $0x1  }
0x31f: {  	v4 =	vld [tilespmem:s15+$0xFFFFFFF0];
	[tilespmem:s15+$0xFFFFFFE0] =	vst v3  }
0x320: {  	v3 =	vld.idx.msk [tilespmem:v2+s17+$0x0], $0xffff;
	_ =	sdelay $0x1  }
0x321: {  	v2 =	vor.u32 $0x8, v1  }
0x322: {  	v5 =	vor.u32 s24, v2;
	_ =	sdelay $0x1  }
0x323: {  	v3 =	vmul.f32 v4, v3;
	_ =	sdelay $0x1  }
0x324: {  	v4 =	vld [tilespmem:s15+$0x0];
	[tilespmem:s15+$0xFFFFFFF0] =	vst v3  }
0x325: {  	v3 =	vld.idx.msk [tilespmem:v5+s17+$0x0], $0xffff;
	_ =	sdelay $0x2  }
0x326: {  	v6 =	vor.u32 $0x1, v5;
	_ =	sdelay $0x1  }
0x327: {  	v3 =	vmul.f32 v4, v3;
	_ =	sdelay $0x1  }
0x328: {  	v4 =	vld [tilespmem:s15+$0x10];
	[tilespmem:s15+$0x0] =	vst v3  }
0x329: {  	v3 =	vld.idx.msk [tilespmem:v6+s17+$0x0], $0xffff;
	_ =	sdelay $0x2  }
0x32a: {  	v6 =	vor.u32 $0x2, v5;
	_ =	sdelay $0x1  }
0x32b: {  	v3 =	vmul.f32 v4, v3;
	_ =	sdelay $0x1  }
0x32c: {  	v4 =	vld [tilespmem:s15+$0x20];
	[tilespmem:s15+$0x10] =	vst v3  }
0x32d: {  	v3 =	vld.idx.msk [tilespmem:v6+s17+$0x0], $0xffff;
	_ =	sdelay $0x2  }
0x32e: {  	v6 =	vor.u32 $0x3, v5;
	_ =	sdelay $0x1  }
0x32f: {  	v3 =	vmul.f32 v4, v3;
	_ =	sdelay $0x1  }
0x330: {  	v4 =	vld [tilespmem:s15+$0x30];
	[tilespmem:s15+$0x20] =	vst v3  }
0x331: {  	v3 =	vld.idx.msk [tilespmem:v6+s17+$0x0], $0xffff;
	_ =	sdelay $0x2  }
0x332: {  	v6 =	vor.u32 $0x4, v5;
	_ =	sdelay $0x1  }
0x333: {  	v3 =	vmul.f32 v4, v3;
	_ =	sdelay $0x1  }
0x334: {  	v4 =	vld [tilespmem:s15+$0x40];
	[tilespmem:s15+$0x30] =	vst v3  }
0x335: {  	v3 =	vld.idx.msk [tilespmem:v6+s17+$0x0], $0xffff;
	_ =	sdelay $0x2  }
0x336: {  	v6 =	vor.u32 $0x5, v5;
	_ =	sdelay $0x1  }
0x337: {  	v3 =	vmul.f32 v4, v3;
	_ =	sdelay $0x1  }
0x338: {  	v4 =	vld [tilespmem:s15+$0x50];
	[tilespmem:s15+$0x40] =	vst v3  }
0x339: {  	v3 =	vld.idx.msk [tilespmem:v6+s17+$0x0], $0xffff;
	_ =	sdelay $0x2  }
0x33a: {  	v6 =	vor.u32 $0x6, v5;
	_ =	sdelay $0x1  }
0x33b: {  	v3 =	vmul.f32 v4, v3;
	_ =	sdelay $0x1  }
0x33c: {  	v4 =	vld [tilespmem:s15+$0x60];
	[tilespmem:s15+$0x50] =	vst v3  }
0x33d: {  	v3 =	vld.idx.msk [tilespmem:v6+s17+$0x0], $0xffff;
	_ =	sdelay $0x2  }
0x33e: {  	v5 =	vor.u32 $0x7, v5;
	_ =	sdelay $0x1  }
0x33f: {  	v3 =	vmul.f32 v4, v3;
	_ =	sdelay $0x1  }
0x340: {  	[tilespmem:s15+$0x60] =	vst v3  }
0x341: {  	v4 =	vld.idx.msk [tilespmem:v5+s17+$0x0], $0xffff  }
0x342: {  	v5 =	vld [tilespmem:s15+$0x70];
	_ =	sdelay $0x1  }
0x343: {  	s16 =	simm.s32 $0x10  }
0x344: {  	s22 =	simm.s32 $0x20;
	v3 =	vor.u32 s16, v1  }
.LBB2_13:
0x345: {  	p0 =	sne.s32 s22, $0x70  }
0x346: {  	v4 =	vmul.f32 v5, v4;
	_ =	sdelay $0x1  }
0x347: {  	[tilespmem:s15+$0x70] =	vst v4  }
0x348: {  	s15 =	sadd.s32 $0x100, s15;
	v4 =	vld.idx.msk [tilespmem:v3+s17+$0x0], $0xffff  }
0x349: {  	v5 =	vld [tilespmem:s15+$0xFFFFFF80];
	_ =	sdelay $0x2  }
0x34a: {  	v6 =	vor.u32 $0x1, v3;
	_ =	sdelay $0x1  }
0x34b: {  	v4 =	vmul.f32 v5, v4;
	_ =	sdelay $0x1  }
0x34c: {  	[tilespmem:s15+$0xFFFFFF80] =	vst v4  }
0x34d: {  	v4 =	vld.idx.msk [tilespmem:v6+s17+$0x0], $0xffff  }
0x34e: {  	v5 =	vld [tilespmem:s15+$0xFFFFFF90];
	_ =	sdelay $0x2  }
0x34f: {  	v6 =	vor.u32 $0x2, v3;
	_ =	sdelay $0x1  }
0x350: {  	v4 =	vmul.f32 v5, v4;
	_ =	sdelay $0x1  }
0x351: {  	[tilespmem:s15+$0xFFFFFF90] =	vst v4  }
0x352: {  	v4 =	vld.idx.msk [tilespmem:v6+s17+$0x0], $0xffff  }
0x353: {  	v5 =	vld [tilespmem:s15+$0xFFFFFFA0];
	_ =	sdelay $0x2  }
0x354: {  	v6 =	vor.u32 $0x3, v3;
	_ =	sdelay $0x1  }
0x355: {  	v4 =	vmul.f32 v5, v4;
	_ =	sdelay $0x1  }
0x356: {  	[tilespmem:s15+$0xFFFFFFA0] =	vst v4  }
0x357: {  	v4 =	vld.idx.msk [tilespmem:v6+s17+$0x0], $0xffff  }
0x358: {  	v5 =	vld [tilespmem:s15+$0xFFFFFFB0];
	_ =	sdelay $0x2  }
0x359: {  	v6 =	vor.u32 $0x4, v3;
	_ =	sdelay $0x1  }
0x35a: {  	v4 =	vmul.f32 v5, v4;
	_ =	sdelay $0x1  }
0x35b: {  	[tilespmem:s15+$0xFFFFFFB0] =	vst v4  }
0x35c: {  	v4 =	vld.idx.msk [tilespmem:v6+s17+$0x0], $0xffff  }
0x35d: {  	v5 =	vld [tilespmem:s15+$0xFFFFFFC0];
	_ =	sdelay $0x2  }
0x35e: {  	v6 =	vor.u32 $0x5, v3;
	_ =	sdelay $0x1  }
0x35f: {  	v4 =	vmul.f32 v5, v4;
	_ =	sdelay $0x1  }
0x360: {  	[tilespmem:s15+$0xFFFFFFC0] =	vst v4  }
0x361: {  	v4 =	vld.idx.msk [tilespmem:v6+s17+$0x0], $0xffff  }
0x362: {  	v5 =	vld [tilespmem:s15+$0xFFFFFFD0];
	_ =	sdelay $0x2  }
0x363: {  	v6 =	vor.u32 $0x6, v3;
	_ =	sdelay $0x1  }
0x364: {  	v4 =	vmul.f32 v5, v4;
	_ =	sdelay $0x1  }
0x365: {  	[tilespmem:s15+$0xFFFFFFD0] =	vst v4  }
0x366: {  	v4 =	vld.idx.msk [tilespmem:v6+s17+$0x0], $0xffff  }
0x367: {  	v5 =	vld [tilespmem:s15+$0xFFFFFFE0];
	_ =	sdelay $0x2  }
0x368: {  	v3 =	vor.u32 $0x7, v3;
	_ =	sdelay $0x1  }
0x369: {  	v4 =	vmul.f32 v5, v4;
	_ =	sdelay $0x1  }
0x36a: {  	[tilespmem:s15+$0xFFFFFFE0] =	vst v4  }
0x36b: {  	v3 =	vld.idx.msk [tilespmem:v3+s17+$0x0], $0xffff  }
0x36c: {  	v4 =	vld [tilespmem:s15+$0xFFFFFFF0];
	_ =	sdelay $0x2  }
0x36d: {  	v5 =	vor.u32 s16, v2;
	s16 =	smov.u32 s22;
	_ =	sdelay $0x1  }
0x36e: {  	v3 =	vmul.f32 v4, v3;
	_ =	sdelay $0x1  }
0x36f: {  	[tilespmem:s15+$0xFFFFFFF0] =	vst v3  }
0x370: {  	v3 =	vld.idx.msk [tilespmem:v5+s17+$0x0], $0xffff  }
0x371: {  	v4 =	vld [tilespmem:s15+$0x0];
	_ =	sdelay $0x2  }
0x372: {  	v6 =	vor.u32 $0x1, v5;
	_ =	sdelay $0x1  }
0x373: {  	v3 =	vmul.f32 v4, v3;
	_ =	sdelay $0x1  }
0x374: {  	[tilespmem:s15+$0x0] =	vst v3  }
0x375: {  	v3 =	vld.idx.msk [tilespmem:v6+s17+$0x0], $0xffff  }
0x376: {  	v4 =	vld [tilespmem:s15+$0x10];
	_ =	sdelay $0x2  }
0x377: {  	v6 =	vor.u32 $0x2, v5;
	_ =	sdelay $0x1  }
0x378: {  	v3 =	vmul.f32 v4, v3;
	_ =	sdelay $0x1  }
0x379: {  	[tilespmem:s15+$0x10] =	vst v3  }
0x37a: {  	v3 =	vld.idx.msk [tilespmem:v6+s17+$0x0], $0xffff  }
0x37b: {  	v4 =	vld [tilespmem:s15+$0x20];
	_ =	sdelay $0x2  }
0x37c: {  	v6 =	vor.u32 $0x3, v5;
	_ =	sdelay $0x1  }
0x37d: {  	v3 =	vmul.f32 v4, v3;
	_ =	sdelay $0x1  }
0x37e: {  	[tilespmem:s15+$0x20] =	vst v3  }
0x37f: {  	v3 =	vld.idx.msk [tilespmem:v6+s17+$0x0], $0xffff  }
0x380: {  	v4 =	vld [tilespmem:s15+$0x30];
	_ =	sdelay $0x2  }
0x381: {  	v6 =	vor.u32 $0x4, v5;
	_ =	sdelay $0x1  }
0x382: {  	v3 =	vmul.f32 v4, v3;
	_ =	sdelay $0x1  }
0x383: {  	[tilespmem:s15+$0x30] =	vst v3  }
0x384: {  	v3 =	vld.idx.msk [tilespmem:v6+s17+$0x0], $0xffff  }
0x385: {  	v4 =	vld [tilespmem:s15+$0x40];
	_ =	sdelay $0x2  }
0x386: {  	v6 =	vor.u32 $0x5, v5;
	_ =	sdelay $0x1  }
0x387: {  	v3 =	vmul.f32 v4, v3;
	_ =	sdelay $0x1  }
0x388: {  	[tilespmem:s15+$0x40] =	vst v3  }
0x389: {  	v3 =	vld.idx.msk [tilespmem:v6+s17+$0x0], $0xffff  }
0x38a: {  	v4 =	vld [tilespmem:s15+$0x50];
	_ =	sdelay $0x2  }
0x38b: {  	v6 =	vor.u32 $0x6, v5;
	_ =	sdelay $0x1  }
0x38c: {  	v3 =	vmul.f32 v4, v3;
	_ =	sdelay $0x1  }
0x38d: {  	[tilespmem:s15+$0x50] =	vst v3  }
0x38e: {  	v3 =	vld.idx.msk [tilespmem:v6+s17+$0x0], $0xffff  }
0x38f: {  	v4 =	vld [tilespmem:s15+$0x60];
	_ =	sdelay $0x2  }
0x390: {  	v5 =	vor.u32 $0x7, v5;
	_ =	sdelay $0x1  }
0x391: {  	v3 =	vmul.f32 v4, v3;
	_ =	sdelay $0x1  }
0x392: {  	[tilespmem:s15+$0x60] =	vst v3  }
.Ltmp10:
0x393: {  	v4 =	vld.idx.msk [tilespmem:v5+s17+$0x0], $0xffff;
	(pc) =	sbr.rel @p0 .LBB2_13-.Ltmp10, $2  }
0x394: {  	v5 =	vld [tilespmem:s15+$0x70];
	_ =	sdelay $0x2  }
0x395: {  	s22 =	sadd.s32 $0x10, s22;
	v3 =	vor.u32 s16, v1  }
0x396: {  	_ = 	snop  }
0x397: {  	v1 =	vmul.f32 v5, v4  }
0x398: {  	s24 =	sadd.s32 $0x100, s15  }
0x399: {  	v45 =	vld [tilespmem:s24+$0xFFFFFF80];
	[tilespmem:s15+$0x70] =	vst v1  }
0x39a: {  	v1 =	vld.idx.msk [tilespmem:v3+s17+$0x0], $0xffff;
	_ =	sdelay $0x2  }
0x39b: {  	v46 =	vor.u32 $0x1, v3;
	_ =	sdelay $0x1  }
0x39c: {  	v1 =	vmul.f32 v45, v1;
	_ =	sdelay $0x1  }
0x39d: {  	v47 =	vld [tilespmem:s24+$0xFFFFFF90];
	[tilespmem:s24+$0xFFFFFF80] =	vst v1  }
0x39e: {  	v1 =	vld.idx.msk [tilespmem:v46+s17+$0x0], $0xffff;
	_ =	sdelay $0x2  }
0x39f: {  	v48 =	vor.u32 $0x2, v3;
	_ =	sdelay $0x1  }
0x3a0: {  	v1 =	vmul.f32 v47, v1;
	_ =	sdelay $0x1  }
0x3a1: {  	v49 =	vld [tilespmem:s24+$0xFFFFFFA0];
	[tilespmem:s24+$0xFFFFFF90] =	vst v1  }
0x3a2: {  	v1 =	vld.idx.msk [tilespmem:v48+s17+$0x0], $0xffff;
	_ =	sdelay $0x2  }
0x3a3: {  	v50 =	vor.u32 $0x3, v3;
	_ =	sdelay $0x1  }
0x3a4: {  	v1 =	vmul.f32 v49, v1;
	_ =	sdelay $0x1  }
0x3a5: {  	v51 =	vld [tilespmem:s24+$0xFFFFFFB0];
	[tilespmem:s24+$0xFFFFFFA0] =	vst v1  }
0x3a6: {  	v1 =	vld.idx.msk [tilespmem:v50+s17+$0x0], $0xffff;
	_ =	sdelay $0x2  }
0x3a7: {  	v52 =	vor.u32 $0x4, v3;
	_ =	sdelay $0x1  }
0x3a8: {  	v1 =	vmul.f32 v51, v1;
	_ =	sdelay $0x1  }
0x3a9: {  	v53 =	vld [tilespmem:s24+$0xFFFFFFC0];
	[tilespmem:s24+$0xFFFFFFB0] =	vst v1  }
0x3aa: {  	v1 =	vld.idx.msk [tilespmem:v52+s17+$0x0], $0xffff;
	_ =	sdelay $0x2  }
0x3ab: {  	v54 =	vor.u32 $0x5, v3;
	_ =	sdelay $0x1  }
0x3ac: {  	v1 =	vmul.f32 v53, v1;
	_ =	sdelay $0x1  }
0x3ad: {  	v55 =	vld [tilespmem:s24+$0xFFFFFFD0];
	[tilespmem:s24+$0xFFFFFFC0] =	vst v1  }
0x3ae: {  	v1 =	vld.idx.msk [tilespmem:v54+s17+$0x0], $0xffff;
	_ =	sdelay $0x2  }
0x3af: {  	v56 =	vor.u32 $0x6, v3;
	_ =	sdelay $0x1  }
0x3b0: {  	v1 =	vmul.f32 v55, v1;
	_ =	sdelay $0x1  }
0x3b1: {  	v57 =	vld [tilespmem:s24+$0xFFFFFFE0];
	[tilespmem:s24+$0xFFFFFFD0] =	vst v1  }
0x3b2: {  	v1 =	vld.idx.msk [tilespmem:v56+s17+$0x0], $0xffff;
	_ =	sdelay $0x2  }
0x3b3: {  	v3 =	vor.u32 $0x7, v3;
	_ =	sdelay $0x1  }
0x3b4: {  	v1 =	vmul.f32 v57, v1;
	_ =	sdelay $0x1  }
0x3b5: {  	[tilespmem:s24+$0xFFFFFFE0] =	vst v1  }
0x3b6: {  	v1 =	vld.idx.msk [tilespmem:v3+s17+$0x0], $0xffff  }
0x3b7: {  	v3 =	vld [tilespmem:s24+$0xFFFFFFF0];
	_ =	sdelay $0x2  }
0x3b8: {  	v2 =	vor.u32 s16, v2;
	_ =	sdelay $0x1  }
0x3b9: {  	v1 =	vmul.f32 v3, v1;
	_ =	sdelay $0x1  }
0x3ba: {  	v3 =	vld [tilespmem:s24+$0x0];
	[tilespmem:s24+$0xFFFFFFF0] =	vst v1  }
0x3bb: {  	v1 =	vld.idx.msk [tilespmem:v2+s17+$0x0], $0xffff;
	_ =	sdelay $0x2  }
0x3bc: {  	v58 =	vor.u32 $0x1, v2;
	_ =	sdelay $0x1  }
0x3bd: {  	v1 =	vmul.f32 v3, v1;
	_ =	sdelay $0x1  }
0x3be: {  	v3 =	vld [tilespmem:s24+$0x10];
	[tilespmem:s24+$0x0] =	vst v1  }
0x3bf: {  	v1 =	vld.idx.msk [tilespmem:v58+s17+$0x0], $0xffff;
	_ =	sdelay $0x2  }
0x3c0: {  	v59 =	vor.u32 $0x2, v2;
	_ =	sdelay $0x1  }
0x3c1: {  	v1 =	vmul.f32 v3, v1;
	_ =	sdelay $0x1  }
0x3c2: {  	v3 =	vld [tilespmem:s24+$0x20];
	[tilespmem:s24+$0x10] =	vst v1  }
0x3c3: {  	v1 =	vld.idx.msk [tilespmem:v59+s17+$0x0], $0xffff;
	_ =	sdelay $0x2  }
0x3c4: {  	v60 =	vor.u32 $0x3, v2;
	_ =	sdelay $0x1  }
0x3c5: {  	v1 =	vmul.f32 v3, v1;
	_ =	sdelay $0x1  }
0x3c6: {  	v3 =	vld [tilespmem:s24+$0x30];
	[tilespmem:s24+$0x20] =	vst v1  }
0x3c7: {  	v1 =	vld.idx.msk [tilespmem:v60+s17+$0x0], $0xffff;
	_ =	sdelay $0x2  }
0x3c8: {  	v61 =	vor.u32 $0x4, v2;
	_ =	sdelay $0x1  }
0x3c9: {  	v1 =	vmul.f32 v3, v1;
	_ =	sdelay $0x1  }
0x3ca: {  	v3 =	vld [tilespmem:s24+$0x40];
	[tilespmem:s24+$0x30] =	vst v1  }
0x3cb: {  	v1 =	vld.idx.msk [tilespmem:v61+s17+$0x0], $0xffff;
	_ =	sdelay $0x2  }
0x3cc: {  	v62 =	vor.u32 $0x5, v2;
	_ =	sdelay $0x1  }
0x3cd: {  	v1 =	vmul.f32 v3, v1;
	_ =	sdelay $0x1  }
0x3ce: {  	v3 =	vld [tilespmem:s24+$0x50];
	[tilespmem:s24+$0x40] =	vst v1  }
0x3cf: {  	v1 =	vld.idx.msk [tilespmem:v62+s17+$0x0], $0xffff;
	_ =	sdelay $0x2  }
0x3d0: {  	v63 =	vor.u32 $0x6, v2;
	_ =	sdelay $0x1  }
0x3d1: {  	v1 =	vmul.f32 v3, v1;
	_ =	sdelay $0x1  }
0x3d2: {  	v3 =	vld [tilespmem:s24+$0x60];
	[tilespmem:s24+$0x50] =	vst v1  }
0x3d3: {  	v1 =	vld.idx.msk [tilespmem:v63+s17+$0x0], $0xffff;
	_ =	sdelay $0x2  }
0x3d4: {  	v2 =	vor.u32 $0x7, v2;
	_ =	sdelay $0x1  }
0x3d5: {  	v1 =	vmul.f32 v3, v1;
	_ =	sdelay $0x1  }
0x3d6: {  	[tilespmem:s24+$0x60] =	vst v1  }
0x3d7: {  	v1 =	vld.idx.msk [tilespmem:v2+s17+$0x0], $0xffff  }
0x3d8: {  	v2 =	vld [tilespmem:s24+$0x70];
	_ =	sdelay $0x4  }
0x3d9: {  	v1 =	vmul.f32 v2, v1  }
0x3da: {  	s4 =	sand.u32 $0x3FFFFF80, s4;
	p0 =	seq.s32 s12, $0x1B  }
.Ltmp11:
0x3db: {  	s4 =	sadd.s32 $0x3800, s4;
	[tilespmem:s24+$0x70] =	vst v1;
	(ifvalue) =	ssetifvalue $0xFFFFFFFF;
	(pc) =	sbr.rel @p0 .LBB2_16-.Ltmp11, $4  }
0x3dc: {  	[spmem:s1] =	stream.indirect.scatter.add.f32 [tilespmem:s25], [sflag:$0x9], $0x10, s4, s19, $0x40b8;
	[tilespmem:$0x18C00] =	vst v63  }
0x3dd: {  	_ =	swait.ge [sflag:s31], $0x800  }
0x3de: {  	[sflag:s31] =	ssyncset.done $0x0  }
0x3df: {  	[sflag:s31] =	ssyncadd.s32 $0xFFFFF800  }
0x3e0: {  	(ifvalue) =	ssetifvalue $0xFFFFFFFF  }
0x3e1: {  	s4 =	sadd.s32 $0x200, s11;
	(ifvalue) =	ssetifvalue $0xFFFFFFFF  }
0x3e2: {  	[tilespmem:s20], [sflag:$0x2] =	stream.indirect.gather [hbm4b:s3+s19], $0x10, s4, s19, $0x40b8;
	[tilespmem:$0x18C00] =	vst v63  }
0x3e3: {  	_ =	swait.ge [sflag:s0], $0x800  }
0x3e4: {  	[sflag:s0] =	ssyncset.done $0x0  }
0x3e5: {  	[sflag:s0] =	ssyncadd.s32 $0xFFFFF800;
	(ifvalue) =	ssetifvalue $0xFFFFFFFF  }
0x3e6: {  	s16 =	sadd.s32 $0x280, s11;
	(ifvalue) =	ssetifvalue $0xFFFFFFFF  }
0x3e7: {  	[tilespmem:s21], [sflag:$0x3] =	stream.indirect.gather [hbm4b:s3+s19], $0x10, s16, s19, $0x40b8;
	[tilespmem:$0x18C00] =	vst v63  }
0x3e8: {  	_ =	swait.ge [sflag:s13], $0x800  }
0x3e9: {  	[sflag:s13] =	ssyncset.done $0x0  }
0x3ea: {  	[sflag:s13] =	ssyncadd.s32 $0xFFFFF800;
	(ifvalue) =	ssetifvalue $0xFFFFFFFF  }
0x3eb: {  	s22 =	sadd.s32 $0x300, s11;
	(ifvalue) =	ssetifvalue $0xFFFFFFFF  }
0x3ec: {  	[tilespmem:s23], [sflag:$0x4] =	stream.indirect.gather [hbm4b:s3+s19], $0x10, s22, s19, $0x40b8;
	[tilespmem:$0x18C00] =	vst v63  }
.Ltmp12:
0x3ed: {  	_ =	swait.ge [sflag:s2], $0x800;
	(pc) =	sbr.rel .LBB2_6-.Ltmp12, $4  }
0x3ee: {  	[sflag:s2] =	ssyncset.done $0x0  }
0x3ef: {  	[sflag:s2] =	ssyncadd.s32 $0xFFFFF800;
	(ifvalue) =	ssetifvalue $0xFFFFFFFF  }
0x3f0: {  	s24 =	sadd.s32 $0x380, s11;
	s12 =	sadd.s32 $0x1, s12;
	(ifvalue) =	ssetifvalue $0xFFFFFFFF  }
0x3f1: {  	[tilespmem:s25], [sflag:$0x5] =	stream.indirect.gather [hbm4b:s3+s19], $0x10, s24, s19, $0x40b8;
	[tilespmem:$0x18C00] =	vst v63  }
.LBB2_19:
0x3f2: {  	_ =	sfence.sel $0x180000  }
0x3f3: {  	[bflag:$0x0] =	sbarrier.arrive $0xFFFF  }
0x3f4: {  	_ =	strace $0x90000047  }
0x3f5: {  	s0 =	stileid.u32;
	[bflag:$0x2] =	sbarrier.arrive $0xFFFF  }
0x3f6: {  	p0 =	sne.s32 s0, $0x0;
	s0 =	rddreg [dreg:$0x2]  }
0x3f7: {  	s0 =	sadd.s32 @!p0 $0x100000, s0  }
0x3f8: {  	[sflag:s0] =	ssyncadd.tile.s32 @!p0 $0x1;
	_ =	shalt  }
.Lfunc_end2:
_tile_overlayer_lowered:
.L_overlay_start_2:
0x3f9: {  	(tag) =	ssettag $0x2  }
0x3fa: {  	s0 =	rddreg [dreg:$0x0];
	s2 =	stileid.u32  }
0x3fb: {  	s1 =	rddreg [dreg:$0x1];
	p0 =	sne.s32 s2, $0x0  }
0x3fc: {  	s3 =	rddreg [dreg:$0x2];
	[bflag:$0x3] =	sbarrier.arrive $0xFFFF;
	s2 =	simm.s32 @!p0 $0x1C0A  }
0x3fd: {  	[timem:s3], [sflag:s2] =	dma.local @!p0 [hbm:s0], s1  }
0x3fe: {  	s0 =	simm.s32 @!p0 $0xA  }
0x3ff: {  	_ =	swait.ge @!p0 [sflag:s0], s1  }
0x400: {  	s1 =	ssub.s32 @!p0 $0x0, s1;
	[sflag:s0] =	ssyncset.done @!p0 $0x0  }
0x401: {  	[sflag:s0] =	ssyncadd.s32 @!p0 s1  }
0x402: {  	[bflag:$0x3] =	sbarrier.arrive $0xFFFF  }
0x403: {  	_ =	shalt  }

</sc_bundles>
